<compile_context>
chip_gen: v7x
topology: tpu7x:2x2x1
jax: 0.10.2.dev20260603
libtpu: 0.0.44.dev20260713+nightly
codegen_flags: <defaults>
</compile_context>

<pallas_src>
import functools

import numpy as np

import jax
import jax.numpy as jnp
from jax import lax
from jax.experimental import pallas as pl
from jax.experimental.pallas import tpu as pltpu
from jax.experimental.pallas import tpu_sc as plsc

N = 10000
IN = 128
HID = 256
OUT = 128
D = 128
N_PAD = 10240
NC = 2
NS = 16
L = 16
NW = NC * NS
CHUNK = 128
ROWS_PER_TILE = N_PAD // NS
BN = 1280


_Z = np.int32(0)


def _i32(v):
    return jnp.asarray(v, jnp.int32)


def _sc_body(nchunks, compute_deg, *refs):
    if compute_deg:
        (table, idxc, zrows, zflat,
         agg_out, deg_out, acc, ibuf, rows, cnt, sem_g, sem_i, sem_s) = refs
    else:
        (table, idxc, zrows,
         agg_out, acc, ibuf, rows, sem_g, sem_i, sem_s) = refs

    c = _i32(lax.axis_index("c"))
    s = _i32(lax.axis_index("s"))
    wid = _i32(s * NC + c)
    base = _i32(s * ROWS_PER_TILE)

    pltpu.sync_copy(zrows, acc.at[pl.ds(base, ROWS_PER_TILE)])
    if compute_deg:
        pltpu.sync_copy(zflat, cnt)
    plsc.subcore_barrier()

    ones = jnp.ones((L,), jnp.float32)
    z0, z1 = _i32(0), _i32(1)
    NQ = 1
    QR = CHUNK // NQ

    def fire_gather(b, sl):
        for q in range(NQ):
            pltpu.async_copy(
                table.at[ibuf.at[sl, z0, pl.ds(q * QR, QR)]],
                rows.at[_i32(b), pl.ds(q * QR, QR)], sem_g)

    def wait_gather(b, sl):
        for q in range(NQ):
            pltpu.make_async_copy(
                table.at[ibuf.at[sl, z0, pl.ds(q * QR, QR)]],
                rows.at[_i32(b), pl.ds(q * QR, QR)], sem_g).wait()

    row0 = _i32(wid * nchunks)

    def islot(j):
        return lax.rem(j, _i32(3))

    def fetch_idx(j):
        sl = islot(j)
        pltpu.async_copy(idxc.at[z0, row0 + j], ibuf.at[sl, z0], sem_i)
        pltpu.async_copy(idxc.at[z1, row0 + j], ibuf.at[sl, z1], sem_i)

    def wait_idx(j):
        sl = islot(j)
        pltpu.make_async_copy(idxc.at[z0, row0 + j], ibuf.at[sl, z0],
                              sem_i).wait()
        pltpu.make_async_copy(idxc.at[z1, row0 + j], ibuf.at[sl, z1],
                              sem_i).wait()

    fetch_idx(z0)
    wait_idx(z0)
    fire_gather(0, z0)
    if nchunks > 1:
        fetch_idx(z1)

    def do_chunk(j, b):
        j = _i32(j)
        nb = 1 - b
        sl = islot(j)
        @pl.when(j + 1 < nchunks)
        def _():
            wait_idx(j + 1)
        wait_gather(b, sl)
        @pl.when(j >= 1)
        def _():
            pltpu.make_async_copy(rows.at[_i32(nb)],
                                  acc.at[ibuf.at[islot(j - 1), z1]],
                                  sem_s).wait()
        @pl.when(j + 1 < nchunks)
        def _():
            fire_gather(nb, islot(j + 1))
        if compute_deg:
            for t in range(CHUNK // L):
                dv = ibuf[sl, 1, pl.ds(t * L, L)]
                plsc.addupdate_scatter(cnt, [dv], ones)
        pltpu.async_copy(rows.at[_i32(b)], acc.at[ibuf.at[sl, z1]],
                         sem_s, add=True)
        @pl.when(j + 2 < nchunks)
        def _():
            fetch_idx(j + 2)

    def pair_body(jj, _):
        do_chunk(jj * 2, 0)
        do_chunk(jj * 2 + 1, 1)
        return _

    lax.fori_loop(jnp.int32(0), jnp.int32(nchunks // 2), pair_body,
                  jnp.int32(0))
    if nchunks % 2:
        do_chunk(nchunks - 1, 0)

    lb = _i32((nchunks - 1) % 2)
    ls = _i32((nchunks - 1) % 3)
    pltpu.make_async_copy(rows.at[lb], acc.at[ibuf.at[ls, z1]], sem_s).wait()

    plsc.subcore_barrier()
    pltpu.sync_copy(acc.at[pl.ds(base, ROWS_PER_TILE)],
                    agg_out.at[c, pl.ds(base, ROWS_PER_TILE)])
    if compute_deg:
        pltpu.sync_copy(cnt, deg_out.at[wid])


def _make_sc_segsum(nchunks, compute_deg):
    scratch = [
        pltpu.VMEM_SHARED((N_PAD, D), jnp.float32),
        pltpu.VMEM((3, 2, CHUNK), jnp.int32),
        pltpu.VMEM((2, CHUNK, D), jnp.float32),
    ]
    out_type = [jax.ShapeDtypeStruct((NC, N_PAD, D), jnp.float32)]
    if compute_deg:
        scratch.append(pltpu.VMEM((N_PAD,), jnp.float32))
        out_type.append(jax.ShapeDtypeStruct((NW, N_PAD), jnp.float32))
    scratch.append(pltpu.SemaphoreType.DMA)
    scratch.append(pltpu.SemaphoreType.DMA)
    scratch.append(pltpu.SemaphoreType.DMA)
    mesh = plsc.VectorSubcoreMesh(core_axis_name="c", subcore_axis_name="s")
    return pl.kernel(
        functools.partial(_sc_body, nchunks, compute_deg),
        out_type=out_type, mesh=mesh, scratch_types=scratch,
        compiler_params=pltpu.CompilerParams(needs_layout_passes=False),
        name=f"sc_segsum_deg{int(compute_deg)}",
    )


_DN = (((1,), (1,)), ((), ()))


def _dot(a, b):
    ah = a.astype(jnp.bfloat16)
    al = (a - ah.astype(jnp.float32)).astype(jnp.bfloat16)
    bh = b.astype(jnp.bfloat16)
    bl = (b - bh.astype(jnp.float32)).astype(jnp.bfloat16)

    def d(u, v):
        return lax.dot_general(u, v, _DN, preferred_element_type=jnp.float32)

    return d(ah, bh) + d(al, bh) + d(ah, bl)


def _tc0_body(x, w1r, b1, xr_out):
    xr_out[...] = _dot(x[...], w1r[...]) + b1[...]


def _mean(aggp, degp):
    agg = aggp[0] + aggp[1]
    deg = jnp.sum(degp[...], axis=0)
    rdeg = 1.0 / jnp.maximum(deg, 1.0)
    return agg * rdeg[:, None], rdeg


def _tc1_body(aggp, degp, xr, w1l, w2l, h_out, p_out):
    mean, _ = _mean(aggp, degp)
    h = jnp.maximum(_dot(mean, w1l[...]) + xr[...], 0.0)
    h_out[...] = h
    p_out[...] = _dot(h, w2l[...])


def _tcr2_body(h, w2r, r2_out):
    r2_out[...] = _dot(h[...], w2r[...])


def _tc2_body(aggp, degp, r2, b2, out):
    mean, _ = _mean(aggp, degp)
    out[...] = mean + r2[...] + b2[...]


def _row_block_call(body, ins, outs, name):
    grid = N_PAD // BN

    def spec(shape):
        if shape[0] == NC:
            return pl.BlockSpec((NC, BN, shape[2]), lambda i: (_Z, i, _Z))
        if shape[0] == NW:
            return pl.BlockSpec((NW, BN), lambda i: (_Z, i))
        if shape[0] == N_PAD:
            return pl.BlockSpec((BN, shape[1]), lambda i: (i, _Z))
        return pl.BlockSpec(shape, lambda i: tuple(_Z for _ in shape))

    return pl.pallas_call(
        body,
        grid=(grid,),
        in_specs=[spec(a.shape) for a in ins],
        out_specs=[spec(s) for s in outs],
        out_shape=[jax.ShapeDtypeStruct(s, jnp.float32) for s in outs],
        name=name,
    )(*ins)


def kernel(x, edge_index, W1l, W1r, b1, W2l, W2r, b2):
    out_dtype = jnp.result_type(x.dtype, W1l.dtype, b1.dtype)
    W1l, W1r, b1, W2l, W2r, b2 = (
        a.astype(jnp.float32) for a in (W1l, W1r, b1, W2l, W2r, b2))
    x = x.astype(jnp.float32)
    E = edge_index.shape[1]
    nchunks = -(-E // (NW * CHUNK))
    e_pad = NW * nchunks * CHUNK
    src = edge_index[0].astype(jnp.int32)
    dst = edge_index[1].astype(jnp.int32)
    npad_e = e_pad - E
    pad_iota = jnp.arange(npad_e, dtype=jnp.int32)
    padcols = jnp.stack([pad_iota % N, N + pad_iota % (N_PAD - N)])
    idxc = jnp.concatenate(
        [jnp.stack([src, dst]), padcols], axis=1,
    ).reshape(2, NW * nchunks, CHUNK)
    xp = jnp.zeros((N_PAD, IN), jnp.float32).at[:N].set(x)
    zrows = jnp.zeros((ROWS_PER_TILE, D), jnp.float32)
    zflat = jnp.zeros((N_PAD,), jnp.float32)

    sc_a = _make_sc_segsum(nchunks, True)
    sc_b = _make_sc_segsum(nchunks, False)

    agg1p, degp = sc_a(xp, idxc, zrows, zflat)
    (xr,) = _row_block_call(_tc0_body, (xp, W1r, b1.reshape(1, HID)),
                            [(N_PAD, HID)], "sage_tc0")
    h, p = _row_block_call(_tc1_body, (agg1p, degp, xr, W1l, W2l),
                           [(N_PAD, HID), (N_PAD, OUT)], "sage_tc1")
    (agg2p,) = sc_b(p, idxc, zrows)
    (r2,) = _row_block_call(_tcr2_body, (h, W2r), [(N_PAD, OUT)], "sage_tcr2")
    (out,) = _row_block_call(_tc2_body, (agg2p, degp, r2, b2.reshape(1, OUT)),
                             [(N_PAD, OUT)], "sage_tc2")
    return out[:N].astype(out_dtype)

# --- scband reference (transcript-rebuilt; emitter-appended) ---
"""Pipeline reference for scband-graph-sage-79645873537467 (READ-ONLY COPY).

The authoritative reference and input builder live on the scoring server;
editing this copy changes nothing except your own understanding.
"""

import jax, jax.numpy as jnp
import numpy as np
jax.config.update('jax_enable_x64', True)

N = 10000
E = 320000
IN = 128
HID = 256
OUT = 128


def setup_inputs(seed: int = 0) -> dict:
    key = jax.random.key(seed)
    ks = jax.random.split(key, 8)
    x = jax.random.normal(ks[0], (N, IN), dtype=jnp.float32)
    edge_index = jax.random.randint(ks[1], (2, E), 0, N, dtype=jnp.int64)
    # SAGEConv params: lin_l applied to mean-aggregated neighbors (with bias),
    # lin_r applied to root/self features (no bias), matching PyG SAGEConv.
    W1l = jax.random.normal(ks[2], (HID, IN), dtype=jnp.float32) * (1.0 / np.sqrt(IN))
    W1r = jax.random.normal(ks[3], (HID, IN), dtype=jnp.float32) * (1.0 / np.sqrt(IN))
    b1 = jnp.zeros((HID,), dtype=jnp.float32)
    W2l = jax.random.normal(ks[4], (OUT, HID), dtype=jnp.float32) * (1.0 / np.sqrt(HID))
    W2r = jax.random.normal(ks[5], (OUT, HID), dtype=jnp.float32) * (1.0 / np.sqrt(HID))
    b2 = jnp.zeros((OUT,), dtype=jnp.float32)
    return {"x": x, "edge_index": edge_index, "W1l": W1l, "W1r": W1r, "b1": b1,
            "W2l": W2l, "W2r": W2r, "b2": b2}


def _sage_conv(h, src, dst, Wl, Wr, b):
    # message = x_j gathered along edges, mean-aggregated at dst
    msg = h[src]                                            # gather [E, d]
    agg = jax.ops.segment_sum(msg, dst, num_segments=N)     # scatter-add
    deg = jax.ops.segment_sum(jnp.ones((msg.shape[0],), h.dtype), dst, num_segments=N)
    mean = agg / jnp.clip(deg, 1.0)[:, None]
    return mean @ Wl.T + h @ Wr.T + b


def reference(x, edge_index, W1l, W1r, b1, W2l, W2r, b2):
    src = edge_index[0]
    dst = edge_index[1]
    h = jax.nn.relu(_sage_conv(x, src, dst, W1l, W1r, b1))
    out = _sage_conv(h, src, dst, W2l, W2r, b2)
    return out

if __name__ == "__main__":
    import jax
    _d = setup_inputs()
    print(jax.jit(kernel)(*tuple(_d.values())))

</pallas_src>

<mosaic_0001>
#map = affine_map<(d0, d1) -> (0, 0)>
#map1 = affine_map<(d0, d1) -> (0, 0, 0)>
#map2 = affine_map<(d0, d1) -> (0)>
module attributes {stable_mosaic.version = 14 : i64} {
  func.func @sc_segsum_deg1(%arg0: i32, %arg1: i32, %arg2: memref<10240x128xf32, #tpu.memory_space<hbm>>, %arg3: memref<2x2528x128xi32, #tpu.memory_space<hbm>>, %arg4: memref<640x128xf32, #tpu.memory_space<hbm>>, %arg5: memref<10240xf32, #tpu.memory_space<hbm>>, %arg6: memref<2x10240x128xf32, #tpu.memory_space<hbm>>, %arg7: memref<32x10240xf32, #tpu.memory_space<hbm>>, %arg8: memref<10240x128xf32, #tpu.memory_space<vmem_shared>>, %arg9: memref<3x2x128xi32, #tpu.memory_space<vmem>>, %arg10: memref<2x128x128xf32, #tpu.memory_space<vmem>>, %arg11: memref<10240xf32, #tpu.memory_space<vmem>>, %arg12: memref<!tpu.dma_semaphore, #tpu.memory_space<semaphore_mem>>, %arg13: memref<!tpu.dma_semaphore, #tpu.memory_space<semaphore_mem>>, %arg14: memref<!tpu.dma_semaphore, #tpu.memory_space<semaphore_mem>>) attributes {dimension_semantics = [#tpu.dimension_semantics<core_parallel>, #tpu.dimension_semantics<subcore_parallel>], iteration_bounds = array<i64: 2, 16>, scalar_prefetch = 0 : i64, scratch_operands = 7 : i64, tpu.core_type = #tpu.core_type<sc_vector_subcore>, window_params = [{transform_indices = #map}, {transform_indices = #map1}, {transform_indices = #map}, {transform_indices = #map2}, {transform_indices = #map1}, {transform_indices = #map}]} {
    %mul3A = arith.constant 2 : i32
    %mul3A_0 = arith.muli %arg1, %mul3A : i32
    %add3A = arith.addi %mul3A_0, %arg0 : i32
    %mul3A_1 = arith.constant 640 : i32
    %mul3A_2 = arith.muli %arg1, %mul3A_1 : i32
    "tpu.region"() ({
      %run_scoped3A = tpu.sem_alloc : memref<!tpu.dma_semaphore, #tpu.memory_space<semaphore_mem>>
      %dma_start3A_249 = arith.constant 0 : i32
      %dma_start3A_250 = tpu.memref_slice %arg8[%mul3A_2, %dma_start3A_249] : memref<10240x128xf32, #tpu.memory_space<vmem_shared>> -> memref<640x128xf32, #tpu.memory_space<vmem_shared>>
      tpu.enqueue_dma source(%arg4 : memref<640x128xf32, #tpu.memory_space<hbm>>) target(%dma_start3A_250 : memref<640x128xf32, #tpu.memory_space<vmem_shared>>) target_semaphore(%run_scoped3A : memref<!tpu.dma_semaphore, #tpu.memory_space<semaphore_mem>>)
      %dma_wait3A_251 = arith.constant 0 : i32
      %dma_wait3A_252 = tpu.memref_slice %arg8[%mul3A_2, %dma_wait3A_251] : memref<10240x128xf32, #tpu.memory_space<vmem_shared>> -> memref<640x128xf32, #tpu.memory_space<vmem_shared>>
      tpu.wait_dma2 semaphore(%run_scoped3A : memref<!tpu.dma_semaphore, #tpu.memory_space<semaphore_mem>>) src(%arg4 : memref<640x128xf32, #tpu.memory_space<hbm>>) dst(%dma_wait3A_252 : memref<640x128xf32, #tpu.memory_space<vmem_shared>>)
      tpu.yield
    }) : () -> ()
    "tpu.region"() ({
      %run_scoped3A = tpu.sem_alloc : memref<!tpu.dma_semaphore, #tpu.memory_space<semaphore_mem>>
      tpu.enqueue_dma source(%arg5 : memref<10240xf32, #tpu.memory_space<hbm>>) target(%arg11 : memref<10240xf32, #tpu.memory_space<vmem>>) target_semaphore(%run_scoped3A : memref<!tpu.dma_semaphore, #tpu.memory_space<semaphore_mem>>)
      tpu.wait_dma2 semaphore(%run_scoped3A : memref<!tpu.dma_semaphore, #tpu.memory_space<semaphore_mem>>) src(%arg5 : memref<10240xf32, #tpu.memory_space<hbm>>) dst(%arg11 : memref<10240xf32, #tpu.memory_space<vmem>>)
      tpu.yield
    }) : () -> ()
    %barrier3A = arith.constant 0 : index
    tpu.barrier barrier_id(%barrier3A)
    %broadcast_in_dim3A = arith.constant 1.000000e+00 : f32
    %broadcast_in_dim3A_3 = vector.broadcast %broadcast_in_dim3A : f32 to vector<16xf32>
    %mul3A_4 = arith.constant 79 : i32
    %mul3A_5 = arith.muli %add3A, %mul3A_4 : i32
    %rem3A = arith.constant 0 : i32
    %rem3A_6 = arith.constant 3 : i32
    %rem3A_7 = arith.remsi %rem3A, %rem3A_6 : i32
    %add3A_8 = arith.constant 0 : i32
    %add3A_9 = arith.addi %mul3A_5, %add3A_8 : i32
    %dma_start3A = arith.constant 0 : i32
    %dma_start3A_10 = arith.constant 0 : i32
    %dma_start3A_11 = arith.constant 0 : i32
    %dma_start3A_12 = tpu.memref_slice %arg9[%rem3A_7, %dma_start3A_10, %dma_start3A_11] : memref<3x2x128xi32, #tpu.memory_space<vmem>> -> memref<1x1x128xi32, #tpu.memory_space<vmem>>
    %dma_start3A_13 = tpu.memref_squeeze %dma_start3A_12 : memref<1x1x128xi32, #tpu.memory_space<vmem>> -> memref<128xi32, #tpu.memory_space<vmem>>
    %dma_start3A_14 = arith.constant 0 : i32
    %dma_start3A_15 = tpu.memref_slice %arg3[%dma_start3A, %add3A_9, %dma_start3A_14] : memref<2x2528x128xi32, #tpu.memory_space<hbm>> -> memref<1x1x128xi32, #tpu.memory_space<hbm>>
    %dma_start3A_16 = tpu.memref_squeeze %dma_start3A_15 : memref<1x1x128xi32, #tpu.memory_space<hbm>> -> memref<128xi32, #tpu.memory_space<hbm>>
    %dma_start3A_17 = arith.constant 0 : i32
    %dma_start3A_18 = tpu.memref_slice %arg9[%rem3A_7, %dma_start3A_10, %dma_start3A_17] : memref<3x2x128xi32, #tpu.memory_space<vmem>> -> memref<1x1x128xi32, #tpu.memory_space<vmem>>
    %dma_start3A_19 = tpu.memref_squeeze %dma_start3A_18 : memref<1x1x128xi32, #tpu.memory_space<vmem>> -> memref<128xi32, #tpu.memory_space<vmem>>
    %dma_start3A_20 = arith.constant 0 : i32
    %dma_start3A_21 = tpu.memref_slice %arg3[%dma_start3A, %add3A_9, %dma_start3A_20] : memref<2x2528x128xi32, #tpu.memory_space<hbm>> -> memref<1x1x128xi32, #tpu.memory_space<hbm>>
    %dma_start3A_22 = tpu.memref_squeeze %dma_start3A_21 : memref<1x1x128xi32, #tpu.memory_space<hbm>> -> memref<128xi32, #tpu.memory_space<hbm>>
    tpu.enqueue_dma source(%dma_start3A_22 : memref<128xi32, #tpu.memory_space<hbm>>) target(%dma_start3A_19 : memref<128xi32, #tpu.memory_space<vmem>>) target_semaphore(%arg13 : memref<!tpu.dma_semaphore, #tpu.memory_space<semaphore_mem>>)
    %add3A_23 = arith.constant 0 : i32
    %add3A_24 = arith.addi %mul3A_5, %add3A_23 : i32
    %dma_start3A_25 = arith.constant 1 : i32
    %dma_start3A_26 = arith.constant 1 : i32
    %dma_start3A_27 = arith.constant 0 : i32
    %dma_start3A_28 = tpu.memref_slice %arg9[%rem3A_7, %dma_start3A_26, %dma_start3A_27] : memref<3x2x128xi32, #tpu.memory_space<vmem>> -> memref<1x1x128xi32, #tpu.memory_space<vmem>>
    %dma_start3A_29 = tpu.memref_squeeze %dma_start3A_28 : memref<1x1x128xi32, #tpu.memory_space<vmem>> -> memref<128xi32, #tpu.memory_space<vmem>>
    %dma_start3A_30 = arith.constant 0 : i32
    %dma_start3A_31 = tpu.memref_slice %arg3[%dma_start3A_25, %add3A_24, %dma_start3A_30] : memref<2x2528x128xi32, #tpu.memory_space<hbm>> -> memref<1x1x128xi32, #tpu.memory_space<hbm>>
    %dma_start3A_32 = tpu.memref_squeeze %dma_start3A_31 : memref<1x1x128xi32, #tpu.memory_space<hbm>> -> memref<128xi32, #tpu.memory_space<hbm>>
    %dma_start3A_33 = arith.constant 0 : i32
    %dma_start3A_34 = tpu.memref_slice %arg9[%rem3A_7, %dma_start3A_26, %dma_start3A_33] : memref<3x2x128xi32, #tpu.memory_space<vmem>> -> memref<1x1x128xi32, #tpu.memory_space<vmem>>
    %dma_start3A_35 = tpu.memref_squeeze %dma_start3A_34 : memref<1x1x128xi32, #tpu.memory_space<vmem>> -> memref<128xi32, #tpu.memory_space<vmem>>
    %dma_start3A_36 = arith.constant 0 : i32
    %dma_start3A_37 = tpu.memref_slice %arg3[%dma_start3A_25, %add3A_24, %dma_start3A_36] : memref<2x2528x128xi32, #tpu.memory_space<hbm>> -> memref<1x1x128xi32, #tpu.memory_space<hbm>>
    %dma_start3A_38 = tpu.memref_squeeze %dma_start3A_37 : memref<1x1x128xi32, #tpu.memory_space<hbm>> -> memref<128xi32, #tpu.memory_space<hbm>>
    tpu.enqueue_dma source(%dma_start3A_38 : memref<128xi32, #tpu.memory_space<hbm>>) target(%dma_start3A_35 : memref<128xi32, #tpu.memory_space<vmem>>) target_semaphore(%arg13 : memref<!tpu.dma_semaphore, #tpu.memory_space<semaphore_mem>>)
    %rem3A_39 = arith.constant 0 : i32
    %rem3A_40 = arith.constant 3 : i32
    %rem3A_41 = arith.remsi %rem3A_39, %rem3A_40 : i32
    %add3A_42 = arith.constant 0 : i32
    %add3A_43 = arith.addi %mul3A_5, %add3A_42 : i32
    %dma_wait3A = arith.constant 0 : i32
    %dma_wait3A_44 = arith.constant 0 : i32
    %dma_wait3A_45 = arith.constant 0 : i32
    %dma_wait3A_46 = tpu.memref_slice %arg9[%rem3A_41, %dma_wait3A_44, %dma_wait3A_45] : memref<3x2x128xi32, #tpu.memory_space<vmem>> -> memref<1x1x128xi32, #tpu.memory_space<vmem>>
    %dma_wait3A_47 = tpu.memref_squeeze %dma_wait3A_46 : memref<1x1x128xi32, #tpu.memory_space<vmem>> -> memref<128xi32, #tpu.memory_space<vmem>>
    %dma_wait3A_48 = arith.constant 0 : i32
    %dma_wait3A_49 = tpu.memref_slice %arg3[%dma_wait3A, %add3A_43, %dma_wait3A_48] : memref<2x2528x128xi32, #tpu.memory_space<hbm>> -> memref<1x1x128xi32, #tpu.memory_space<hbm>>
    %dma_wait3A_50 = tpu.memref_squeeze %dma_wait3A_49 : memref<1x1x128xi32, #tpu.memory_space<hbm>> -> memref<128xi32, #tpu.memory_space<hbm>>
    %dma_wait3A_51 = arith.constant 0 : i32
    %dma_wait3A_52 = tpu.memref_slice %arg9[%rem3A_41, %dma_wait3A_44, %dma_wait3A_51] : memref<3x2x128xi32, #tpu.memory_space<vmem>> -> memref<1x1x128xi32, #tpu.memory_space<vmem>>
    %dma_wait3A_53 = tpu.memref_squeeze %dma_wait3A_52 : memref<1x1x128xi32, #tpu.memory_space<vmem>> -> memref<128xi32, #tpu.memory_space<vmem>>
    %dma_wait3A_54 = arith.constant 0 : i32
    %dma_wait3A_55 = tpu.memref_slice %arg3[%dma_wait3A, %add3A_43, %dma_wait3A_54] : memref<2x2528x128xi32, #tpu.memory_space<hbm>> -> memref<1x1x128xi32, #tpu.memory_space<hbm>>
    %dma_wait3A_56 = tpu.memref_squeeze %dma_wait3A_55 : memref<1x1x128xi32, #tpu.memory_space<hbm>> -> memref<128xi32, #tpu.memory_space<hbm>>
    tpu.wait_dma2 semaphore(%arg13 : memref<!tpu.dma_semaphore, #tpu.memory_space<semaphore_mem>>) src(%dma_wait3A_56 : memref<128xi32, #tpu.memory_space<hbm>>) dst(%dma_wait3A_53 : memref<128xi32, #tpu.memory_space<vmem>>)
    %add3A_57 = arith.constant 0 : i32
    %add3A_58 = arith.addi %mul3A_5, %add3A_57 : i32
    %dma_wait3A_59 = arith.constant 1 : i32
    %dma_wait3A_60 = arith.constant 1 : i32
    %dma_wait3A_61 = arith.constant 0 : i32
    %dma_wait3A_62 = tpu.memref_slice %arg9[%rem3A_41, %dma_wait3A_60, %dma_wait3A_61] : memref<3x2x128xi32, #tpu.memory_space<vmem>> -> memref<1x1x128xi32, #tpu.memory_space<vmem>>
    %dma_wait3A_63 = tpu.memref_squeeze %dma_wait3A_62 : memref<1x1x128xi32, #tpu.memory_space<vmem>> -> memref<128xi32, #tpu.memory_space<vmem>>
    %dma_wait3A_64 = arith.constant 0 : i32
    %dma_wait3A_65 = tpu.memref_slice %arg3[%dma_wait3A_59, %add3A_58, %dma_wait3A_64] : memref<2x2528x128xi32, #tpu.memory_space<hbm>> -> memref<1x1x128xi32, #tpu.memory_space<hbm>>
    %dma_wait3A_66 = tpu.memref_squeeze %dma_wait3A_65 : memref<1x1x128xi32, #tpu.memory_space<hbm>> -> memref<128xi32, #tpu.memory_space<hbm>>
    %dma_wait3A_67 = arith.constant 0 : i32
    %dma_wait3A_68 = tpu.memref_slice %arg9[%rem3A_41, %dma_wait3A_60, %dma_wait3A_67] : memref<3x2x128xi32, #tpu.memory_space<vmem>> -> memref<1x1x128xi32, #tpu.memory_space<vmem>>
    %dma_wait3A_69 = tpu.memref_squeeze %dma_wait3A_68 : memref<1x1x128xi32, #tpu.memory_space<vmem>> -> memref<128xi32, #tpu.memory_space<vmem>>
    %dma_wait3A_70 = arith.constant 0 : i32
    %dma_wait3A_71 = tpu.memref_slice %arg3[%dma_wait3A_59, %add3A_58, %dma_wait3A_70] : memref<2x2528x128xi32, #tpu.memory_space<hbm>> -> memref<1x1x128xi32, #tpu.memory_space<hbm>>
    %dma_wait3A_72 = tpu.memref_squeeze %dma_wait3A_71 : memref<1x1x128xi32, #tpu.memory_space<hbm>> -> memref<128xi32, #tpu.memory_space<hbm>>
    tpu.wait_dma2 semaphore(%arg13 : memref<!tpu.dma_semaphore, #tpu.memory_space<semaphore_mem>>) src(%dma_wait3A_72 : memref<128xi32, #tpu.memory_space<hbm>>) dst(%dma_wait3A_69 : memref<128xi32, #tpu.memory_space<vmem>>)
    %dma_start3A_73 = arith.constant 0 : i32
    %dma_start3A_74 = arith.constant 0 : i32
    %dma_start3A_75 = arith.constant 0 : i32
    %dma_start3A_76 = arith.constant 0 : i32
    %dma_start3A_77 = arith.constant 0 : i32
    %dma_start3A_78 = tpu.memref_slice %arg10[%dma_start3A_75, %dma_start3A_76, %dma_start3A_77] : memref<2x128x128xf32, #tpu.memory_space<vmem>> -> memref<1x128x128xf32, #tpu.memory_space<vmem>>
    %dma_start3A_79 = tpu.memref_squeeze %dma_start3A_78 : memref<1x128x128xf32, #tpu.memory_space<vmem>> -> memref<128x128xf32, #tpu.memory_space<vmem>>
    %dma_start3A_80 = arith.constant 0 : i32
    %dma_start3A_81 = tpu.memref_slice %arg9[%dma_start3A_73, %dma_start3A_74, %dma_start3A_80] : memref<3x2x128xi32, #tpu.memory_space<vmem>> -> memref<1x1x128xi32, #tpu.memory_space<vmem>>
    %dma_start3A_82 = tpu.memref_squeeze %dma_start3A_81 : memref<1x1x128xi32, #tpu.memory_space<vmem>> -> memref<128xi32, #tpu.memory_space<vmem>>
    %dma_start3A_83 = arith.constant 0 : i32
    %dma_start3A_84 = arith.constant 0 : i32
    %dma_start3A_85 = tpu.memref_slice %arg2[%dma_start3A_83, %dma_start3A_84] : memref<10240x128xf32, #tpu.memory_space<hbm>> -> memref<10240x128xf32, #tpu.memory_space<hbm>>
    tpu.enqueue_indirect_dma source(%dma_start3A_85 : memref<10240x128xf32, #tpu.memory_space<hbm>>) target(%dma_start3A_79 : memref<128x128xf32, #tpu.memory_space<vmem>>) offsets(%dma_start3A_82 : memref<128xi32, #tpu.memory_space<vmem>>) semaphore(%arg12 : memref<!tpu.dma_semaphore, #tpu.memory_space<semaphore_mem>>)
    %rem3A_86 = arith.constant 1 : i32
    %rem3A_87 = arith.constant 3 : i32
    %rem3A_88 = arith.remsi %rem3A_86, %rem3A_87 : i32
    %add3A_89 = arith.constant 1 : i32
    %add3A_90 = arith.addi %mul3A_5, %add3A_89 : i32
    %dma_start3A_91 = arith.constant 0 : i32
    %dma_start3A_92 = arith.constant 0 : i32
    %dma_start3A_93 = arith.constant 0 : i32
    %dma_start3A_94 = tpu.memref_slice %arg9[%rem3A_88, %dma_start3A_92, %dma_start3A_93] : memref<3x2x128xi32, #tpu.memory_space<vmem>> -> memref<1x1x128xi32, #tpu.memory_space<vmem>>
    %dma_start3A_95 = tpu.memref_squeeze %dma_start3A_94 : memref<1x1x128xi32, #tpu.memory_space<vmem>> -> memref<128xi32, #tpu.memory_space<vmem>>
    %dma_start3A_96 = arith.constant 0 : i32
    %dma_start3A_97 = tpu.memref_slice %arg3[%dma_start3A_91, %add3A_90, %dma_start3A_96] : memref<2x2528x128xi32, #tpu.memory_space<hbm>> -> memref<1x1x128xi32, #tpu.memory_space<hbm>>
    %dma_start3A_98 = tpu.memref_squeeze %dma_start3A_97 : memref<1x1x128xi32, #tpu.memory_space<hbm>> -> memref<128xi32, #tpu.memory_space<hbm>>
    %dma_start3A_99 = arith.constant 0 : i32
    %dma_start3A_100 = tpu.memref_slice %arg9[%rem3A_88, %dma_start3A_92, %dma_start3A_99] : memref<3x2x128xi32, #tpu.memory_space<vmem>> -> memref<1x1x128xi32, #tpu.memory_space<vmem>>
    %dma_start3A_101 = tpu.memref_squeeze %dma_start3A_100 : memref<1x1x128xi32, #tpu.memory_space<vmem>> -> memref<128xi32, #tpu.memory_space<vmem>>
    %dma_start3A_102 = arith.constant 0 : i32
    %dma_start3A_103 = tpu.memref_slice %arg3[%dma_start3A_91, %add3A_90, %dma_start3A_102] : memref<2x2528x128xi32, #tpu.memory_space<hbm>> -> memref<1x1x128xi32, #tpu.memory_space<hbm>>
    %dma_start3A_104 = tpu.memref_squeeze %dma_start3A_103 : memref<1x1x128xi32, #tpu.memory_space<hbm>> -> memref<128xi32, #tpu.memory_space<hbm>>
    tpu.enqueue_dma source(%dma_start3A_104 : memref<128xi32, #tpu.memory_space<hbm>>) target(%dma_start3A_101 : memref<128xi32, #tpu.memory_space<vmem>>) target_semaphore(%arg13 : memref<!tpu.dma_semaphore, #tpu.memory_space<semaphore_mem>>)
    %add3A_105 = arith.constant 1 : i32
    %add3A_106 = arith.addi %mul3A_5, %add3A_105 : i32
    %dma_start3A_107 = arith.constant 1 : i32
    %dma_start3A_108 = arith.constant 1 : i32
    %dma_start3A_109 = arith.constant 0 : i32
    %dma_start3A_110 = tpu.memref_slice %arg9[%rem3A_88, %dma_start3A_108, %dma_start3A_109] : memref<3x2x128xi32, #tpu.memory_space<vmem>> -> memref<1x1x128xi32, #tpu.memory_space<vmem>>
    %dma_start3A_111 = tpu.memref_squeeze %dma_start3A_110 : memref<1x1x128xi32, #tpu.memory_space<vmem>> -> memref<128xi32, #tpu.memory_space<vmem>>
    %dma_start3A_112 = arith.constant 0 : i32
    %dma_start3A_113 = tpu.memref_slice %arg3[%dma_start3A_107, %add3A_106, %dma_start3A_112] : memref<2x2528x128xi32, #tpu.memory_space<hbm>> -> memref<1x1x128xi32, #tpu.memory_space<hbm>>
    %dma_start3A_114 = tpu.memref_squeeze %dma_start3A_113 : memref<1x1x128xi32, #tpu.memory_space<hbm>> -> memref<128xi32, #tpu.memory_space<hbm>>
    %dma_start3A_115 = arith.constant 0 : i32
    %dma_start3A_116 = tpu.memref_slice %arg9[%rem3A_88, %dma_start3A_108, %dma_start3A_115] : memref<3x2x128xi32, #tpu.memory_space<vmem>> -> memref<1x1x128xi32, #tpu.memory_space<vmem>>
    %dma_start3A_117 = tpu.memref_squeeze %dma_start3A_116 : memref<1x1x128xi32, #tpu.memory_space<vmem>> -> memref<128xi32, #tpu.memory_space<vmem>>
    %dma_start3A_118 = arith.constant 0 : i32
    %dma_start3A_119 = tpu.memref_slice %arg3[%dma_start3A_107, %add3A_106, %dma_start3A_118] : memref<2x2528x128xi32, #tpu.memory_space<hbm>> -> memref<1x1x128xi32, #tpu.memory_space<hbm>>
    %dma_start3A_120 = tpu.memref_squeeze %dma_start3A_119 : memref<1x1x128xi32, #tpu.memory_space<hbm>> -> memref<128xi32, #tpu.memory_space<hbm>>
    tpu.enqueue_dma source(%dma_start3A_120 : memref<128xi32, #tpu.memory_space<hbm>>) target(%dma_start3A_117 : memref<128xi32, #tpu.memory_space<vmem>>) target_semaphore(%arg13 : memref<!tpu.dma_semaphore, #tpu.memory_space<semaphore_mem>>)
    %while3A = arith.constant 0 : i32
    %while3A_121 = arith.constant 0 : i32
    %while3A_122 = arith.constant 1 : i32
    %while3A_123 = arith.constant 0 : i32
    %while3A_124 = arith.constant 39 : i32
    %while3A_125 = arith.subi %while3A_124, %while3A_123 : i32
    %while3A_126 = arith.addi %while3A_123, %while3A_125 : i32
    %while3A_127 = arith.constant 1 : i32
    %while3A_128 = arith.divsi %while3A_125, %while3A_127 : i32
    %while3A_129 = arith.muli %while3A_128, %while3A_127 : i32
    %while3A_130 = arith.addi %while3A_123, %while3A_129 : i32
    %while3A_131 = arith.constant 1 : i32
    scf.for %while3A_249 = %while3A_123 to %while3A_130 step %while3A_131  : i32 {
      %mul3A_250 = arith.constant 2 : i32
      %mul3A_251 = arith.muli %while3A_249, %mul3A_250 : i32
      %rem3A_252 = arith.constant 3 : i32
      %rem3A_253 = arith.remsi %mul3A_251, %rem3A_252 : i32
      %add3A_254 = arith.constant 1 : i32
      %add3A_255 = arith.addi %mul3A_251, %add3A_254 : i32
      %lt3A_256 = arith.constant 79 : i32
      %lt3A_257 = arith.cmpi slt, %add3A_255, %lt3A_256 : i32
      %convert_element_type3A_258 = arith.extui %lt3A_257 : i1 to i32
      %cond3A_259 = arith.constant 0 : i32
      %cond3A_260 = arith.cmpi ne, %convert_element_type3A_258, %cond3A_259 : i32
      scf.if %cond3A_260 {
        %add3A_436 = arith.constant 1 : i32
        %add3A_437 = arith.addi %mul3A_251, %add3A_436 : i32
        %rem3A_438 = arith.constant 3 : i32
        %rem3A_439 = arith.remsi %add3A_437, %rem3A_438 : i32
        %add3A_440 = arith.addi %mul3A_5, %add3A_437 : i32
        %dma_wait3A_441 = arith.constant 0 : i32
        %dma_wait3A_442 = tpu.memref_slice %arg9[%rem3A_439, %while3A_121, %dma_wait3A_441] : memref<3x2x128xi32, #tpu.memory_space<vmem>> -> memref<1x1x128xi32, #tpu.memory_space<vmem>>
        %dma_wait3A_443 = tpu.memref_squeeze %dma_wait3A_442 : memref<1x1x128xi32, #tpu.memory_space<vmem>> -> memref<128xi32, #tpu.memory_space<vmem>>
        %dma_wait3A_444 = arith.constant 0 : i32
        %dma_wait3A_445 = tpu.memref_slice %arg3[%while3A_121, %add3A_440, %dma_wait3A_444] : memref<2x2528x128xi32, #tpu.memory_space<hbm>> -> memref<1x1x128xi32, #tpu.memory_space<hbm>>
        %dma_wait3A_446 = tpu.memref_squeeze %dma_wait3A_445 : memref<1x1x128xi32, #tpu.memory_space<hbm>> -> memref<128xi32, #tpu.memory_space<hbm>>
        %dma_wait3A_447 = arith.constant 0 : i32
        %dma_wait3A_448 = tpu.memref_slice %arg9[%rem3A_439, %while3A_121, %dma_wait3A_447] : memref<3x2x128xi32, #tpu.memory_space<vmem>> -> memref<1x1x128xi32, #tpu.memory_space<vmem>>
        %dma_wait3A_449 = tpu.memref_squeeze %dma_wait3A_448 : memref<1x1x128xi32, #tpu.memory_space<vmem>> -> memref<128xi32, #tpu.memory_space<vmem>>
        %dma_wait3A_450 = arith.constant 0 : i32
        %dma_wait3A_451 = tpu.memref_slice %arg3[%while3A_121, %add3A_440, %dma_wait3A_450] : memref<2x2528x128xi32, #tpu.memory_space<hbm>> -> memref<1x1x128xi32, #tpu.memory_space<hbm>>
        %dma_wait3A_452 = tpu.memref_squeeze %dma_wait3A_451 : memref<1x1x128xi32, #tpu.memory_space<hbm>> -> memref<128xi32, #tpu.memory_space<hbm>>
        tpu.wait_dma2 semaphore(%arg13 : memref<!tpu.dma_semaphore, #tpu.memory_space<semaphore_mem>>) src(%dma_wait3A_452 : memref<128xi32, #tpu.memory_space<hbm>>) dst(%dma_wait3A_449 : memref<128xi32, #tpu.memory_space<vmem>>)
        %add3A_453 = arith.addi %mul3A_5, %add3A_437 : i32
        %dma_wait3A_454 = arith.constant 0 : i32
        %dma_wait3A_455 = tpu.memref_slice %arg9[%rem3A_439, %while3A_122, %dma_wait3A_454] : memref<3x2x128xi32, #tpu.memory_space<vmem>> -> memref<1x1x128xi32, #tpu.memory_space<vmem>>
        %dma_wait3A_456 = tpu.memref_squeeze %dma_wait3A_455 : memref<1x1x128xi32, #tpu.memory_space<vmem>> -> memref<128xi32, #tpu.memory_space<vmem>>
        %dma_wait3A_457 = arith.constant 0 : i32
        %dma_wait3A_458 = tpu.memref_slice %arg3[%while3A_122, %add3A_453, %dma_wait3A_457] : memref<2x2528x128xi32, #tpu.memory_space<hbm>> -> memref<1x1x128xi32, #tpu.memory_space<hbm>>
        %dma_wait3A_459 = tpu.memref_squeeze %dma_wait3A_458 : memref<1x1x128xi32, #tpu.memory_space<hbm>> -> memref<128xi32, #tpu.memory_space<hbm>>
        %dma_wait3A_460 = arith.constant 0 : i32
        %dma_wait3A_461 = tpu.memref_slice %arg9[%rem3A_439, %while3A_122, %dma_wait3A_460] : memref<3x2x128xi32, #tpu.memory_space<vmem>> -> memref<1x1x128xi32, #tpu.memory_space<vmem>>
        %dma_wait3A_462 = tpu.memref_squeeze %dma_wait3A_461 : memref<1x1x128xi32, #tpu.memory_space<vmem>> -> memref<128xi32, #tpu.memory_space<vmem>>
        %dma_wait3A_463 = arith.constant 0 : i32
        %dma_wait3A_464 = tpu.memref_slice %arg3[%while3A_122, %add3A_453, %dma_wait3A_463] : memref<2x2528x128xi32, #tpu.memory_space<hbm>> -> memref<1x1x128xi32, #tpu.memory_space<hbm>>
        %dma_wait3A_465 = tpu.memref_squeeze %dma_wait3A_464 : memref<1x1x128xi32, #tpu.memory_space<hbm>> -> memref<128xi32, #tpu.memory_space<hbm>>
        tpu.wait_dma2 semaphore(%arg13 : memref<!tpu.dma_semaphore, #tpu.memory_space<semaphore_mem>>) src(%dma_wait3A_465 : memref<128xi32, #tpu.memory_space<hbm>>) dst(%dma_wait3A_462 : memref<128xi32, #tpu.memory_space<vmem>>)
      } else {
      }
      %dma_wait3A_261 = arith.constant 0 : i32
      %dma_wait3A_262 = arith.constant 0 : i32
      %dma_wait3A_263 = arith.constant 0 : i32
      %dma_wait3A_264 = tpu.memref_slice %arg10[%dma_wait3A_261, %dma_wait3A_262, %dma_wait3A_263] : memref<2x128x128xf32, #tpu.memory_space<vmem>> -> memref<1x128x128xf32, #tpu.memory_space<vmem>>
      %dma_wait3A_265 = tpu.memref_squeeze %dma_wait3A_264 : memref<1x128x128xf32, #tpu.memory_space<vmem>> -> memref<128x128xf32, #tpu.memory_space<vmem>>
      %dma_wait3A_266 = arith.constant 0 : i32
      %dma_wait3A_267 = tpu.memref_slice %arg9[%rem3A_253, %while3A_121, %dma_wait3A_266] : memref<3x2x128xi32, #tpu.memory_space<vmem>> -> memref<1x1x128xi32, #tpu.memory_space<vmem>>
      %dma_wait3A_268 = tpu.memref_squeeze %dma_wait3A_267 : memref<1x1x128xi32, #tpu.memory_space<vmem>> -> memref<128xi32, #tpu.memory_space<vmem>>
      %dma_wait3A_269 = arith.constant 0 : i32
      %dma_wait3A_270 = arith.constant 0 : i32
      %dma_wait3A_271 = tpu.memref_slice %arg2[%dma_wait3A_269, %dma_wait3A_270] : memref<10240x128xf32, #tpu.memory_space<hbm>> -> memref<10240x128xf32, #tpu.memory_space<hbm>>
      tpu.wait_indirect_dma semaphore(%arg12 : memref<!tpu.dma_semaphore, #tpu.memory_space<semaphore_mem>>) src(%dma_wait3A_271 : memref<10240x128xf32, #tpu.memory_space<hbm>>) dst(%dma_wait3A_265 : memref<128x128xf32, #tpu.memory_space<vmem>>)
      %ge3A_272 = arith.constant 1 : i32
      %ge3A_273 = arith.cmpi sge, %mul3A_251, %ge3A_272 : i32
      %convert_element_type3A_274 = arith.extui %ge3A_273 : i1 to i32
      %cond3A_275 = arith.constant 0 : i32
      %cond3A_276 = arith.cmpi ne, %convert_element_type3A_274, %cond3A_275 : i32
      scf.if %cond3A_276 {
        %sub3A = arith.constant 1 : i32
        %sub3A_436 = arith.subi %mul3A_251, %sub3A : i32
        %rem3A_437 = arith.constant 3 : i32
        %rem3A_438 = arith.remsi %sub3A_436, %rem3A_437 : i32
        %dma_wait3A_439 = arith.constant 1 : i32
        %dma_wait3A_440 = arith.constant 0 : i32
        %dma_wait3A_441 = arith.constant 0 : i32
        %dma_wait3A_442 = tpu.memref_slice %arg10[%dma_wait3A_439, %dma_wait3A_440, %dma_wait3A_441] : memref<2x128x128xf32, #tpu.memory_space<vmem>> -> memref<1x128x128xf32, #tpu.memory_space<vmem>>
        %dma_wait3A_443 = tpu.memref_squeeze %dma_wait3A_442 : memref<1x128x128xf32, #tpu.memory_space<vmem>> -> memref<128x128xf32, #tpu.memory_space<vmem>>
        %dma_wait3A_444 = arith.constant 0 : i32
        %dma_wait3A_445 = tpu.memref_slice %arg9[%rem3A_438, %while3A_122, %dma_wait3A_444] : memref<3x2x128xi32, #tpu.memory_space<vmem>> -> memref<1x1x128xi32, #tpu.memory_space<vmem>>
        %dma_wait3A_446 = tpu.memref_squeeze %dma_wait3A_445 : memref<1x1x128xi32, #tpu.memory_space<vmem>> -> memref<128xi32, #tpu.memory_space<vmem>>
        %dma_wait3A_447 = arith.constant 0 : i32
        %dma_wait3A_448 = arith.constant 0 : i32
        %dma_wait3A_449 = tpu.memref_slice %arg8[%dma_wait3A_447, %dma_wait3A_448] : memref<10240x128xf32, #tpu.memory_space<vmem_shared>> -> memref<10240x128xf32, #tpu.memory_space<vmem_shared>>
        tpu.wait_indirect_dma semaphore(%arg14 : memref<!tpu.dma_semaphore, #tpu.memory_space<semaphore_mem>>) src(%dma_wait3A_443 : memref<128x128xf32, #tpu.memory_space<vmem>>) dst(%dma_wait3A_449 : memref<10240x128xf32, #tpu.memory_space<vmem_shared>>)
      } else {
      }
      %add3A_277 = arith.constant 1 : i32
      %add3A_278 = arith.addi %mul3A_251, %add3A_277 : i32
      %lt3A_279 = arith.constant 79 : i32
      %lt3A_280 = arith.cmpi slt, %add3A_278, %lt3A_279 : i32
      %convert_element_type3A_281 = arith.extui %lt3A_280 : i1 to i32
      %cond3A_282 = arith.constant 0 : i32
      %cond3A_283 = arith.cmpi ne, %convert_element_type3A_281, %cond3A_282 : i32
      scf.if %cond3A_283 {
        %add3A_436 = arith.constant 1 : i32
        %add3A_437 = arith.addi %mul3A_251, %add3A_436 : i32
        %rem3A_438 = arith.constant 3 : i32
        %rem3A_439 = arith.remsi %add3A_437, %rem3A_438 : i32
        %dma_start3A_440 = arith.constant 1 : i32
        %dma_start3A_441 = arith.constant 0 : i32
        %dma_start3A_442 = arith.constant 0 : i32
        %dma_start3A_443 = tpu.memref_slice %arg10[%dma_start3A_440, %dma_start3A_441, %dma_start3A_442] : memref<2x128x128xf32, #tpu.memory_space<vmem>> -> memref<1x128x128xf32, #tpu.memory_space<vmem>>
        %dma_start3A_444 = tpu.memref_squeeze %dma_start3A_443 : memref<1x128x128xf32, #tpu.memory_space<vmem>> -> memref<128x128xf32, #tpu.memory_space<vmem>>
        %dma_start3A_445 = arith.constant 0 : i32
        %dma_start3A_446 = tpu.memref_slice %arg9[%rem3A_439, %while3A_121, %dma_start3A_445] : memref<3x2x128xi32, #tpu.memory_space<vmem>> -> memref<1x1x128xi32, #tpu.memory_space<vmem>>
        %dma_start3A_447 = tpu.memref_squeeze %dma_start3A_446 : memref<1x1x128xi32, #tpu.memory_space<vmem>> -> memref<128xi32, #tpu.memory_space<vmem>>
        %dma_start3A_448 = arith.constant 0 : i32
        %dma_start3A_449 = arith.constant 0 : i32
        %dma_start3A_450 = tpu.memref_slice %arg2[%dma_start3A_448, %dma_start3A_449] : memref<10240x128xf32, #tpu.memory_space<hbm>> -> memref<10240x128xf32, #tpu.memory_space<hbm>>
        tpu.enqueue_indirect_dma source(%dma_start3A_450 : memref<10240x128xf32, #tpu.memory_space<hbm>>) target(%dma_start3A_444 : memref<128x128xf32, #tpu.memory_space<vmem>>) offsets(%dma_start3A_447 : memref<128xi32, #tpu.memory_space<vmem>>) semaphore(%arg12 : memref<!tpu.dma_semaphore, #tpu.memory_space<semaphore_mem>>)
      } else {
      }
      %get3A_284 = arith.constant 1 : i64
      %get3A_285 = arith.index_cast %rem3A_253 : i32 to index
      %get3A_286 = arith.index_cast %get3A_284 : i64 to index
      %get3A_287 = arith.constant 0 : index
      %get3A_288 = tpu.vector_load %arg9[%get3A_285, %get3A_286, %get3A_287] {strides = array<i32>} : memref<3x2x128xi32, #tpu.memory_space<vmem>>, vector<16xi32>,
      tpu.vector_store_idx %arg11[%get3A_288], %broadcast_in_dim3A_3 {add = true} : memref<10240xf32, #tpu.memory_space<vmem>>[vector<16xi32>], vector<16xf32>,
      %get3A_289 = arith.constant 1 : i64
      %get3A_290 = arith.index_cast %rem3A_253 : i32 to index
      %get3A_291 = arith.index_cast %get3A_289 : i64 to index
      %get3A_292 = arith.constant 16 : index
      %get3A_293 = tpu.vector_load %arg9[%get3A_290, %get3A_291, %get3A_292] {strides = array<i32>} : memref<3x2x128xi32, #tpu.memory_space<vmem>>, vector<16xi32>,
      tpu.vector_store_idx %arg11[%get3A_293], %broadcast_in_dim3A_3 {add = true} : memref<10240xf32, #tpu.memory_space<vmem>>[vector<16xi32>], vector<16xf32>,
      %get3A_294 = arith.constant 1 : i64
      %get3A_295 = arith.index_cast %rem3A_253 : i32 to index
      %get3A_296 = arith.index_cast %get3A_294 : i64 to index
      %get3A_297 = arith.constant 32 : index
      %get3A_298 = tpu.vector_load %arg9[%get3A_295, %get3A_296, %get3A_297] {strides = array<i32>} : memref<3x2x128xi32, #tpu.memory_space<vmem>>, vector<16xi32>,
      tpu.vector_store_idx %arg11[%get3A_298], %broadcast_in_dim3A_3 {add = true} : memref<10240xf32, #tpu.memory_space<vmem>>[vector<16xi32>], vector<16xf32>,
      %get3A_299 = arith.constant 1 : i64
      %get3A_300 = arith.index_cast %rem3A_253 : i32 to index
      %get3A_301 = arith.index_cast %get3A_299 : i64 to index
      %get3A_302 = arith.constant 48 : index
      %get3A_303 = tpu.vector_load %arg9[%get3A_300, %get3A_301, %get3A_302] {strides = array<i32>} : memref<3x2x128xi32, #tpu.memory_space<vmem>>, vector<16xi32>,
      tpu.vector_store_idx %arg11[%get3A_303], %broadcast_in_dim3A_3 {add = true} : memref<10240xf32, #tpu.memory_space<vmem>>[vector<16xi32>], vector<16xf32>,
      %get3A_304 = arith.constant 1 : i64
      %get3A_305 = arith.index_cast %rem3A_253 : i32 to index
      %get3A_306 = arith.index_cast %get3A_304 : i64 to index
      %get3A_307 = arith.constant 64 : index
      %get3A_308 = tpu.vector_load %arg9[%get3A_305, %get3A_306, %get3A_307] {strides = array<i32>} : memref<3x2x128xi32, #tpu.memory_space<vmem>>, vector<16xi32>,
      tpu.vector_store_idx %arg11[%get3A_308], %broadcast_in_dim3A_3 {add = true} : memref<10240xf32, #tpu.memory_space<vmem>>[vector<16xi32>], vector<16xf32>,
      %get3A_309 = arith.constant 1 : i64
      %get3A_310 = arith.index_cast %rem3A_253 : i32 to index
      %get3A_311 = arith.index_cast %get3A_309 : i64 to index
      %get3A_312 = arith.constant 80 : index
      %get3A_313 = tpu.vector_load %arg9[%get3A_310, %get3A_311, %get3A_312] {strides = array<i32>} : memref<3x2x128xi32, #tpu.memory_space<vmem>>, vector<16xi32>,
      tpu.vector_store_idx %arg11[%get3A_313], %broadcast_in_dim3A_3 {add = true} : memref<10240xf32, #tpu.memory_space<vmem>>[vector<16xi32>], vector<16xf32>,
      %get3A_314 = arith.constant 1 : i64
      %get3A_315 = arith.index_cast %rem3A_253 : i32 to index
      %get3A_316 = arith.index_cast %get3A_314 : i64 to index
      %get3A_317 = arith.constant 96 : index
      %get3A_318 = tpu.vector_load %arg9[%get3A_315, %get3A_316, %get3A_317] {strides = array<i32>} : memref<3x2x128xi32, #tpu.memory_space<vmem>>, vector<16xi32>,
      tpu.vector_store_idx %arg11[%get3A_318], %broadcast_in_dim3A_3 {add = true} : memref<10240xf32, #tpu.memory_space<vmem>>[vector<16xi32>], vector<16xf32>,
      %get3A_319 = arith.constant 1 : i64
      %get3A_320 = arith.index_cast %rem3A_253 : i32 to index
      %get3A_321 = arith.index_cast %get3A_319 : i64 to index
      %get3A_322 = arith.constant 112 : index
      %get3A_323 = tpu.vector_load %arg9[%get3A_320, %get3A_321, %get3A_322] {strides = array<i32>} : memref<3x2x128xi32, #tpu.memory_space<vmem>>, vector<16xi32>,
      tpu.vector_store_idx %arg11[%get3A_323], %broadcast_in_dim3A_3 {add = true} : memref<10240xf32, #tpu.memory_space<vmem>>[vector<16xi32>], vector<16xf32>,
      %dma_start3A_324 = arith.constant 0 : i32
      %dma_start3A_325 = arith.constant 0 : i32
      %dma_start3A_326 = arith.constant 0 : i32
      %dma_start3A_327 = tpu.memref_slice %arg10[%dma_start3A_324, %dma_start3A_325, %dma_start3A_326] : memref<2x128x128xf32, #tpu.memory_space<vmem>> -> memref<1x128x128xf32, #tpu.memory_space<vmem>>
      %dma_start3A_328 = tpu.memref_squeeze %dma_start3A_327 : memref<1x128x128xf32, #tpu.memory_space<vmem>> -> memref<128x128xf32, #tpu.memory_space<vmem>>
      %dma_start3A_329 = arith.constant 0 : i32
      %dma_start3A_330 = tpu.memref_slice %arg9[%rem3A_253, %while3A_122, %dma_start3A_329] : memref<3x2x128xi32, #tpu.memory_space<vmem>> -> memref<1x1x128xi32, #tpu.memory_space<vmem>>
      %dma_start3A_331 = tpu.memref_squeeze %dma_start3A_330 : memref<1x1x128xi32, #tpu.memory_space<vmem>> -> memref<128xi32, #tpu.memory_space<vmem>>
      %dma_start3A_332 = arith.constant 0 : i32
      %dma_start3A_333 = arith.constant 0 : i32
      %dma_start3A_334 = tpu.memref_slice %arg8[%dma_start3A_332, %dma_start3A_333] : memref<10240x128xf32, #tpu.memory_space<vmem_shared>> -> memref<10240x128xf32, #tpu.memory_space<vmem_shared>>
      tpu.enqueue_indirect_dma source(%dma_start3A_328 : memref<128x128xf32, #tpu.memory_space<vmem>>) target(%dma_start3A_334 : memref<10240x128xf32, #tpu.memory_space<vmem_shared>>) offsets(%dma_start3A_331 : memref<128xi32, #tpu.memory_space<vmem>>) semaphore(%arg14 : memref<!tpu.dma_semaphore, #tpu.memory_space<semaphore_mem>>) {add = true}
      %add3A_335 = arith.constant 2 : i32
      %add3A_336 = arith.addi %mul3A_251, %add3A_335 : i32
      %lt3A_337 = arith.constant 79 : i32
      %lt3A_338 = arith.cmpi slt, %add3A_336, %lt3A_337 : i32
      %convert_element_type3A_339 = arith.extui %lt3A_338 : i1 to i32
      %cond3A_340 = arith.constant 0 : i32
      %cond3A_341 = arith.cmpi ne, %convert_element_type3A_339, %cond3A_340 : i32
      scf.if %cond3A_341 {
        %add3A_436 = arith.constant 2 : i32
        %add3A_437 = arith.addi %mul3A_251, %add3A_436 : i32
        %rem3A_438 = arith.constant 3 : i32
        %rem3A_439 = arith.remsi %add3A_437, %rem3A_438 : i32
        %add3A_440 = arith.addi %mul3A_5, %add3A_437 : i32
        %dma_start3A_441 = arith.constant 0 : i32
        %dma_start3A_442 = tpu.memref_slice %arg9[%rem3A_439, %while3A_121, %dma_start3A_441] : memref<3x2x128xi32, #tpu.memory_space<vmem>> -> memref<1x1x128xi32, #tpu.memory_space<vmem>>
        %dma_start3A_443 = tpu.memref_squeeze %dma_start3A_442 : memref<1x1x128xi32, #tpu.memory_space<vmem>> -> memref<128xi32, #tpu.memory_space<vmem>>
        %dma_start3A_444 = arith.constant 0 : i32
        %dma_start3A_445 = tpu.memref_slice %arg3[%while3A_121, %add3A_440, %dma_start3A_444] : memref<2x2528x128xi32, #tpu.memory_space<hbm>> -> memref<1x1x128xi32, #tpu.memory_space<hbm>>
        %dma_start3A_446 = tpu.memref_squeeze %dma_start3A_445 : memref<1x1x128xi32, #tpu.memory_space<hbm>> -> memref<128xi32, #tpu.memory_space<hbm>>
        %dma_start3A_447 = arith.constant 0 : i32
        %dma_start3A_448 = tpu.memref_slice %arg9[%rem3A_439, %while3A_121, %dma_start3A_447] : memref<3x2x128xi32, #tpu.memory_space<vmem>> -> memref<1x1x128xi32, #tpu.memory_space<vmem>>
        %dma_start3A_449 = tpu.memref_squeeze %dma_start3A_448 : memref<1x1x128xi32, #tpu.memory_space<vmem>> -> memref<128xi32, #tpu.memory_space<vmem>>
        %dma_start3A_450 = arith.constant 0 : i32
        %dma_start3A_451 = tpu.memref_slice %arg3[%while3A_121, %add3A_440, %dma_start3A_450] : memref<2x2528x128xi32, #tpu.memory_space<hbm>> -> memref<1x1x128xi32, #tpu.memory_space<hbm>>
        %dma_start3A_452 = tpu.memref_squeeze %dma_start3A_451 : memref<1x1x128xi32, #tpu.memory_space<hbm>> -> memref<128xi32, #tpu.memory_space<hbm>>
        tpu.enqueue_dma source(%dma_start3A_452 : memref<128xi32, #tpu.memory_space<hbm>>) target(%dma_start3A_449 : memref<128xi32, #tpu.memory_space<vmem>>) target_semaphore(%arg13 : memref<!tpu.dma_semaphore, #tpu.memory_space<semaphore_mem>>)
        %add3A_453 = arith.addi %mul3A_5, %add3A_437 : i32
        %dma_start3A_454 = arith.constant 0 : i32
        %dma_start3A_455 = tpu.memref_slice %arg9[%rem3A_439, %while3A_122, %dma_start3A_454] : memref<3x2x128xi32, #tpu.memory_space<vmem>> -> memref<1x1x128xi32, #tpu.memory_space<vmem>>
        %dma_start3A_456 = tpu.memref_squeeze %dma_start3A_455 : memref<1x1x128xi32, #tpu.memory_space<vmem>> -> memref<128xi32, #tpu.memory_space<vmem>>
        %dma_start3A_457 = arith.constant 0 : i32
        %dma_start3A_458 = tpu.memref_slice %arg3[%while3A_122, %add3A_453, %dma_start3A_457] : memref<2x2528x128xi32, #tpu.memory_space<hbm>> -> memref<1x1x128xi32, #tpu.memory_space<hbm>>
        %dma_start3A_459 = tpu.memref_squeeze %dma_start3A_458 : memref<1x1x128xi32, #tpu.memory_space<hbm>> -> memref<128xi32, #tpu.memory_space<hbm>>
        %dma_start3A_460 = arith.constant 0 : i32
        %dma_start3A_461 = tpu.memref_slice %arg9[%rem3A_439, %while3A_122, %dma_start3A_460] : memref<3x2x128xi32, #tpu.memory_space<vmem>> -> memref<1x1x128xi32, #tpu.memory_space<vmem>>
        %dma_start3A_462 = tpu.memref_squeeze %dma_start3A_461 : memref<1x1x128xi32, #tpu.memory_space<vmem>> -> memref<128xi32, #tpu.memory_space<vmem>>
        %dma_start3A_463 = arith.constant 0 : i32
        %dma_start3A_464 = tpu.memref_slice %arg3[%while3A_122, %add3A_453, %dma_start3A_463] : memref<2x2528x128xi32, #tpu.memory_space<hbm>> -> memref<1x1x128xi32, #tpu.memory_space<hbm>>
        %dma_start3A_465 = tpu.memref_squeeze %dma_start3A_464 : memref<1x1x128xi32, #tpu.memory_space<hbm>> -> memref<128xi32, #tpu.memory_space<hbm>>
        tpu.enqueue_dma source(%dma_start3A_465 : memref<128xi32, #tpu.memory_space<hbm>>) target(%dma_start3A_462 : memref<128xi32, #tpu.memory_space<vmem>>) target_semaphore(%arg13 : memref<!tpu.dma_semaphore, #tpu.memory_space<semaphore_mem>>)
      } else {
      }
      %mul3A_342 = arith.constant 2 : i32
      %mul3A_343 = arith.muli %while3A_249, %mul3A_342 : i32
      %add3A_344 = arith.constant 1 : i32
      %add3A_345 = arith.addi %mul3A_343, %add3A_344 : i32
      %rem3A_346 = arith.constant 3 : i32
      %rem3A_347 = arith.remsi %add3A_345, %rem3A_346 : i32
      %add3A_348 = arith.constant 1 : i32
      %add3A_349 = arith.addi %add3A_345, %add3A_348 : i32
      %lt3A_350 = arith.constant 79 : i32
      %lt3A_351 = arith.cmpi slt, %add3A_349, %lt3A_350 : i32
      %convert_element_type3A_352 = arith.extui %lt3A_351 : i1 to i32
      %cond3A_353 = arith.constant 0 : i32
      %cond3A_354 = arith.cmpi ne, %convert_element_type3A_352, %cond3A_353 : i32
      scf.if %cond3A_354 {
        %add3A_436 = arith.constant 1 : i32
        %add3A_437 = arith.addi %add3A_345, %add3A_436 : i32
        %rem3A_438 = arith.constant 3 : i32
        %rem3A_439 = arith.remsi %add3A_437, %rem3A_438 : i32
        %add3A_440 = arith.addi %mul3A_5, %add3A_437 : i32
        %dma_wait3A_441 = arith.constant 0 : i32
        %dma_wait3A_442 = tpu.memref_slice %arg9[%rem3A_439, %while3A_121, %dma_wait3A_441] : memref<3x2x128xi32, #tpu.memory_space<vmem>> -> memref<1x1x128xi32, #tpu.memory_space<vmem>>
        %dma_wait3A_443 = tpu.memref_squeeze %dma_wait3A_442 : memref<1x1x128xi32, #tpu.memory_space<vmem>> -> memref<128xi32, #tpu.memory_space<vmem>>
        %dma_wait3A_444 = arith.constant 0 : i32
        %dma_wait3A_445 = tpu.memref_slice %arg3[%while3A_121, %add3A_440, %dma_wait3A_444] : memref<2x2528x128xi32, #tpu.memory_space<hbm>> -> memref<1x1x128xi32, #tpu.memory_space<hbm>>
        %dma_wait3A_446 = tpu.memref_squeeze %dma_wait3A_445 : memref<1x1x128xi32, #tpu.memory_space<hbm>> -> memref<128xi32, #tpu.memory_space<hbm>>
        %dma_wait3A_447 = arith.constant 0 : i32
        %dma_wait3A_448 = tpu.memref_slice %arg9[%rem3A_439, %while3A_121, %dma_wait3A_447] : memref<3x2x128xi32, #tpu.memory_space<vmem>> -> memref<1x1x128xi32, #tpu.memory_space<vmem>>
        %dma_wait3A_449 = tpu.memref_squeeze %dma_wait3A_448 : memref<1x1x128xi32, #tpu.memory_space<vmem>> -> memref<128xi32, #tpu.memory_space<vmem>>
        %dma_wait3A_450 = arith.constant 0 : i32
        %dma_wait3A_451 = tpu.memref_slice %arg3[%while3A_121, %add3A_440, %dma_wait3A_450] : memref<2x2528x128xi32, #tpu.memory_space<hbm>> -> memref<1x1x128xi32, #tpu.memory_space<hbm>>
        %dma_wait3A_452 = tpu.memref_squeeze %dma_wait3A_451 : memref<1x1x128xi32, #tpu.memory_space<hbm>> -> memref<128xi32, #tpu.memory_space<hbm>>
        tpu.wait_dma2 semaphore(%arg13 : memref<!tpu.dma_semaphore, #tpu.memory_space<semaphore_mem>>) src(%dma_wait3A_452 : memref<128xi32, #tpu.memory_space<hbm>>) dst(%dma_wait3A_449 : memref<128xi32, #tpu.memory_space<vmem>>)
        %add3A_453 = arith.addi %mul3A_5, %add3A_437 : i32
        %dma_wait3A_454 = arith.constant 0 : i32
        %dma_wait3A_455 = tpu.memref_slice %arg9[%rem3A_439, %while3A_122, %dma_wait3A_454] : memref<3x2x128xi32, #tpu.memory_space<vmem>> -> memref<1x1x128xi32, #tpu.memory_space<vmem>>
        %dma_wait3A_456 = tpu.memref_squeeze %dma_wait3A_455 : memref<1x1x128xi32, #tpu.memory_space<vmem>> -> memref<128xi32, #tpu.memory_space<vmem>>
        %dma_wait3A_457 = arith.constant 0 : i32
        %dma_wait3A_458 = tpu.memref_slice %arg3[%while3A_122, %add3A_453, %dma_wait3A_457] : memref<2x2528x128xi32, #tpu.memory_space<hbm>> -> memref<1x1x128xi32, #tpu.memory_space<hbm>>
        %dma_wait3A_459 = tpu.memref_squeeze %dma_wait3A_458 : memref<1x1x128xi32, #tpu.memory_space<hbm>> -> memref<128xi32, #tpu.memory_space<hbm>>
        %dma_wait3A_460 = arith.constant 0 : i32
        %dma_wait3A_461 = tpu.memref_slice %arg9[%rem3A_439, %while3A_122, %dma_wait3A_460] : memref<3x2x128xi32, #tpu.memory_space<vmem>> -> memref<1x1x128xi32, #tpu.memory_space<vmem>>
        %dma_wait3A_462 = tpu.memref_squeeze %dma_wait3A_461 : memref<1x1x128xi32, #tpu.memory_space<vmem>> -> memref<128xi32, #tpu.memory_space<vmem>>
        %dma_wait3A_463 = arith.constant 0 : i32
        %dma_wait3A_464 = tpu.memref_slice %arg3[%while3A_122, %add3A_453, %dma_wait3A_463] : memref<2x2528x128xi32, #tpu.memory_space<hbm>> -> memref<1x1x128xi32, #tpu.memory_space<hbm>>
        %dma_wait3A_465 = tpu.memref_squeeze %dma_wait3A_464 : memref<1x1x128xi32, #tpu.memory_space<hbm>> -> memref<128xi32, #tpu.memory_space<hbm>>
        tpu.wait_dma2 semaphore(%arg13 : memref<!tpu.dma_semaphore, #tpu.memory_space<semaphore_mem>>) src(%dma_wait3A_465 : memref<128xi32, #tpu.memory_space<hbm>>) dst(%dma_wait3A_462 : memref<128xi32, #tpu.memory_space<vmem>>)
      } else {
      }
      %dma_wait3A_355 = arith.constant 1 : i32
      %dma_wait3A_356 = arith.constant 0 : i32
      %dma_wait3A_357 = arith.constant 0 : i32
      %dma_wait3A_358 = tpu.memref_slice %arg10[%dma_wait3A_355, %dma_wait3A_356, %dma_wait3A_357] : memref<2x128x128xf32, #tpu.memory_space<vmem>> -> memref<1x128x128xf32, #tpu.memory_space<vmem>>
      %dma_wait3A_359 = tpu.memref_squeeze %dma_wait3A_358 : memref<1x128x128xf32, #tpu.memory_space<vmem>> -> memref<128x128xf32, #tpu.memory_space<vmem>>
      %dma_wait3A_360 = arith.constant 0 : i32
      %dma_wait3A_361 = tpu.memref_slice %arg9[%rem3A_347, %while3A_121, %dma_wait3A_360] : memref<3x2x128xi32, #tpu.memory_space<vmem>> -> memref<1x1x128xi32, #tpu.memory_space<vmem>>
      %dma_wait3A_362 = tpu.memref_squeeze %dma_wait3A_361 : memref<1x1x128xi32, #tpu.memory_space<vmem>> -> memref<128xi32, #tpu.memory_space<vmem>>
      %dma_wait3A_363 = arith.constant 0 : i32
      %dma_wait3A_364 = arith.constant 0 : i32
      %dma_wait3A_365 = tpu.memref_slice %arg2[%dma_wait3A_363, %dma_wait3A_364] : memref<10240x128xf32, #tpu.memory_space<hbm>> -> memref<10240x128xf32, #tpu.memory_space<hbm>>
      tpu.wait_indirect_dma semaphore(%arg12 : memref<!tpu.dma_semaphore, #tpu.memory_space<semaphore_mem>>) src(%dma_wait3A_365 : memref<10240x128xf32, #tpu.memory_space<hbm>>) dst(%dma_wait3A_359 : memref<128x128xf32, #tpu.memory_space<vmem>>)
      %ge3A_366 = arith.constant 1 : i32
      %ge3A_367 = arith.cmpi sge, %add3A_345, %ge3A_366 : i32
      %convert_element_type3A_368 = arith.extui %ge3A_367 : i1 to i32
      %cond3A_369 = arith.constant 0 : i32
      %cond3A_370 = arith.cmpi ne, %convert_element_type3A_368, %cond3A_369 : i32
      scf.if %cond3A_370 {
        %sub3A = arith.constant 1 : i32
        %sub3A_436 = arith.subi %add3A_345, %sub3A : i32
        %rem3A_437 = arith.constant 3 : i32
        %rem3A_438 = arith.remsi %sub3A_436, %rem3A_437 : i32
        %dma_wait3A_439 = arith.constant 0 : i32
        %dma_wait3A_440 = arith.constant 0 : i32
        %dma_wait3A_441 = arith.constant 0 : i32
        %dma_wait3A_442 = tpu.memref_slice %arg10[%dma_wait3A_439, %dma_wait3A_440, %dma_wait3A_441] : memref<2x128x128xf32, #tpu.memory_space<vmem>> -> memref<1x128x128xf32, #tpu.memory_space<vmem>>
        %dma_wait3A_443 = tpu.memref_squeeze %dma_wait3A_442 : memref<1x128x128xf32, #tpu.memory_space<vmem>> -> memref<128x128xf32, #tpu.memory_space<vmem>>
        %dma_wait3A_444 = arith.constant 0 : i32
        %dma_wait3A_445 = tpu.memref_slice %arg9[%rem3A_438, %while3A_122, %dma_wait3A_444] : memref<3x2x128xi32, #tpu.memory_space<vmem>> -> memref<1x1x128xi32, #tpu.memory_space<vmem>>
        %dma_wait3A_446 = tpu.memref_squeeze %dma_wait3A_445 : memref<1x1x128xi32, #tpu.memory_space<vmem>> -> memref<128xi32, #tpu.memory_space<vmem>>
        %dma_wait3A_447 = arith.constant 0 : i32
        %dma_wait3A_448 = arith.constant 0 : i32
        %dma_wait3A_449 = tpu.memref_slice %arg8[%dma_wait3A_447, %dma_wait3A_448] : memref<10240x128xf32, #tpu.memory_space<vmem_shared>> -> memref<10240x128xf32, #tpu.memory_space<vmem_shared>>
        tpu.wait_indirect_dma semaphore(%arg14 : memref<!tpu.dma_semaphore, #tpu.memory_space<semaphore_mem>>) src(%dma_wait3A_443 : memref<128x128xf32, #tpu.memory_space<vmem>>) dst(%dma_wait3A_449 : memref<10240x128xf32, #tpu.memory_space<vmem_shared>>)
      } else {
      }
      %add3A_371 = arith.constant 1 : i32
      %add3A_372 = arith.addi %add3A_345, %add3A_371 : i32
      %lt3A_373 = arith.constant 79 : i32
      %lt3A_374 = arith.cmpi slt, %add3A_372, %lt3A_373 : i32
      %convert_element_type3A_375 = arith.extui %lt3A_374 : i1 to i32
      %cond3A_376 = arith.constant 0 : i32
      %cond3A_377 = arith.cmpi ne, %convert_element_type3A_375, %cond3A_376 : i32
      scf.if %cond3A_377 {
        %add3A_436 = arith.constant 1 : i32
        %add3A_437 = arith.addi %add3A_345, %add3A_436 : i32
        %rem3A_438 = arith.constant 3 : i32
        %rem3A_439 = arith.remsi %add3A_437, %rem3A_438 : i32
        %dma_start3A_440 = arith.constant 0 : i32
        %dma_start3A_441 = arith.constant 0 : i32
        %dma_start3A_442 = arith.constant 0 : i32
        %dma_start3A_443 = tpu.memref_slice %arg10[%dma_start3A_440, %dma_start3A_441, %dma_start3A_442] : memref<2x128x128xf32, #tpu.memory_space<vmem>> -> memref<1x128x128xf32, #tpu.memory_space<vmem>>
        %dma_start3A_444 = tpu.memref_squeeze %dma_start3A_443 : memref<1x128x128xf32, #tpu.memory_space<vmem>> -> memref<128x128xf32, #tpu.memory_space<vmem>>
        %dma_start3A_445 = arith.constant 0 : i32
        %dma_start3A_446 = tpu.memref_slice %arg9[%rem3A_439, %while3A_121, %dma_start3A_445] : memref<3x2x128xi32, #tpu.memory_space<vmem>> -> memref<1x1x128xi32, #tpu.memory_space<vmem>>
        %dma_start3A_447 = tpu.memref_squeeze %dma_start3A_446 : memref<1x1x128xi32, #tpu.memory_space<vmem>> -> memref<128xi32, #tpu.memory_space<vmem>>
        %dma_start3A_448 = arith.constant 0 : i32
        %dma_start3A_449 = arith.constant 0 : i32
        %dma_start3A_450 = tpu.memref_slice %arg2[%dma_start3A_448, %dma_start3A_449] : memref<10240x128xf32, #tpu.memory_space<hbm>> -> memref<10240x128xf32, #tpu.memory_space<hbm>>
        tpu.enqueue_indirect_dma source(%dma_start3A_450 : memref<10240x128xf32, #tpu.memory_space<hbm>>) target(%dma_start3A_444 : memref<128x128xf32, #tpu.memory_space<vmem>>) offsets(%dma_start3A_447 : memref<128xi32, #tpu.memory_space<vmem>>) semaphore(%arg12 : memref<!tpu.dma_semaphore, #tpu.memory_space<semaphore_mem>>)
      } else {
      }
      %get3A_378 = arith.constant 1 : i64
      %get3A_379 = arith.index_cast %rem3A_347 : i32 to index
      %get3A_380 = arith.index_cast %get3A_378 : i64 to index
      %get3A_381 = arith.constant 0 : index
      %get3A_382 = tpu.vector_load %arg9[%get3A_379, %get3A_380, %get3A_381] {strides = array<i32>} : memref<3x2x128xi32, #tpu.memory_space<vmem>>, vector<16xi32>,
      tpu.vector_store_idx %arg11[%get3A_382], %broadcast_in_dim3A_3 {add = true} : memref<10240xf32, #tpu.memory_space<vmem>>[vector<16xi32>], vector<16xf32>,
      %get3A_383 = arith.constant 1 : i64
      %get3A_384 = arith.index_cast %rem3A_347 : i32 to index
      %get3A_385 = arith.index_cast %get3A_383 : i64 to index
      %get3A_386 = arith.constant 16 : index
      %get3A_387 = tpu.vector_load %arg9[%get3A_384, %get3A_385, %get3A_386] {strides = array<i32>} : memref<3x2x128xi32, #tpu.memory_space<vmem>>, vector<16xi32>,
      tpu.vector_store_idx %arg11[%get3A_387], %broadcast_in_dim3A_3 {add = true} : memref<10240xf32, #tpu.memory_space<vmem>>[vector<16xi32>], vector<16xf32>,
      %get3A_388 = arith.constant 1 : i64
      %get3A_389 = arith.index_cast %rem3A_347 : i32 to index
      %get3A_390 = arith.index_cast %get3A_388 : i64 to index
      %get3A_391 = arith.constant 32 : index
      %get3A_392 = tpu.vector_load %arg9[%get3A_389, %get3A_390, %get3A_391] {strides = array<i32>} : memref<3x2x128xi32, #tpu.memory_space<vmem>>, vector<16xi32>,
      tpu.vector_store_idx %arg11[%get3A_392], %broadcast_in_dim3A_3 {add = true} : memref<10240xf32, #tpu.memory_space<vmem>>[vector<16xi32>], vector<16xf32>,
      %get3A_393 = arith.constant 1 : i64
      %get3A_394 = arith.index_cast %rem3A_347 : i32 to index
      %get3A_395 = arith.index_cast %get3A_393 : i64 to index
      %get3A_396 = arith.constant 48 : index
      %get3A_397 = tpu.vector_load %arg9[%get3A_394, %get3A_395, %get3A_396] {strides = array<i32>} : memref<3x2x128xi32, #tpu.memory_space<vmem>>, vector<16xi32>,
      tpu.vector_store_idx %arg11[%get3A_397], %broadcast_in_dim3A_3 {add = true} : memref<10240xf32, #tpu.memory_space<vmem>>[vector<16xi32>], vector<16xf32>,
      %get3A_398 = arith.constant 1 : i64
      %get3A_399 = arith.index_cast %rem3A_347 : i32 to index
      %get3A_400 = arith.index_cast %get3A_398 : i64 to index
      %get3A_401 = arith.constant 64 : index
      %get3A_402 = tpu.vector_load %arg9[%get3A_399, %get3A_400, %get3A_401] {strides = array<i32>} : memref<3x2x128xi32, #tpu.memory_space<vmem>>, vector<16xi32>,
      tpu.vector_store_idx %arg11[%get3A_402], %broadcast_in_dim3A_3 {add = true} : memref<10240xf32, #tpu.memory_space<vmem>>[vector<16xi32>], vector<16xf32>,
      %get3A_403 = arith.constant 1 : i64
      %get3A_404 = arith.index_cast %rem3A_347 : i32 to index
      %get3A_405 = arith.index_cast %get3A_403 : i64 to index
      %get3A_406 = arith.constant 80 : index
      %get3A_407 = tpu.vector_load %arg9[%get3A_404, %get3A_405, %get3A_406] {strides = array<i32>} : memref<3x2x128xi32, #tpu.memory_space<vmem>>, vector<16xi32>,
      tpu.vector_store_idx %arg11[%get3A_407], %broadcast_in_dim3A_3 {add = true} : memref<10240xf32, #tpu.memory_space<vmem>>[vector<16xi32>], vector<16xf32>,
      %get3A_408 = arith.constant 1 : i64
      %get3A_409 = arith.index_cast %rem3A_347 : i32 to index
      %get3A_410 = arith.index_cast %get3A_408 : i64 to index
      %get3A_411 = arith.constant 96 : index
      %get3A_412 = tpu.vector_load %arg9[%get3A_409, %get3A_410, %get3A_411] {strides = array<i32>} : memref<3x2x128xi32, #tpu.memory_space<vmem>>, vector<16xi32>,
      tpu.vector_store_idx %arg11[%get3A_412], %broadcast_in_dim3A_3 {add = true} : memref<10240xf32, #tpu.memory_space<vmem>>[vector<16xi32>], vector<16xf32>,
      %get3A_413 = arith.constant 1 : i64
      %get3A_414 = arith.index_cast %rem3A_347 : i32 to index
      %get3A_415 = arith.index_cast %get3A_413 : i64 to index
      %get3A_416 = arith.constant 112 : index
      %get3A_417 = tpu.vector_load %arg9[%get3A_414, %get3A_415, %get3A_416] {strides = array<i32>} : memref<3x2x128xi32, #tpu.memory_space<vmem>>, vector<16xi32>,
      tpu.vector_store_idx %arg11[%get3A_417], %broadcast_in_dim3A_3 {add = true} : memref<10240xf32, #tpu.memory_space<vmem>>[vector<16xi32>], vector<16xf32>,
      %dma_start3A_418 = arith.constant 1 : i32
      %dma_start3A_419 = arith.constant 0 : i32
      %dma_start3A_420 = arith.constant 0 : i32
      %dma_start3A_421 = tpu.memref_slice %arg10[%dma_start3A_418, %dma_start3A_419, %dma_start3A_420] : memref<2x128x128xf32, #tpu.memory_space<vmem>> -> memref<1x128x128xf32, #tpu.memory_space<vmem>>
      %dma_start3A_422 = tpu.memref_squeeze %dma_start3A_421 : memref<1x128x128xf32, #tpu.memory_space<vmem>> -> memref<128x128xf32, #tpu.memory_space<vmem>>
      %dma_start3A_423 = arith.constant 0 : i32
      %dma_start3A_424 = tpu.memref_slice %arg9[%rem3A_347, %while3A_122, %dma_start3A_423] : memref<3x2x128xi32, #tpu.memory_space<vmem>> -> memref<1x1x128xi32, #tpu.memory_space<vmem>>
      %dma_start3A_425 = tpu.memref_squeeze %dma_start3A_424 : memref<1x1x128xi32, #tpu.memory_space<vmem>> -> memref<128xi32, #tpu.memory_space<vmem>>
      %dma_start3A_426 = arith.constant 0 : i32
      %dma_start3A_427 = arith.constant 0 : i32
      %dma_start3A_428 = tpu.memref_slice %arg8[%dma_start3A_426, %dma_start3A_427] : memref<10240x128xf32, #tpu.memory_space<vmem_shared>> -> memref<10240x128xf32, #tpu.memory_space<vmem_shared>>
      tpu.enqueue_indirect_dma source(%dma_start3A_422 : memref<128x128xf32, #tpu.memory_space<vmem>>) target(%dma_start3A_428 : memref<10240x128xf32, #tpu.memory_space<vmem_shared>>) offsets(%dma_start3A_425 : memref<128xi32, #tpu.memory_space<vmem>>) semaphore(%arg14 : memref<!tpu.dma_semaphore, #tpu.memory_space<semaphore_mem>>) {add = true}
      %add3A_429 = arith.constant 2 : i32
      %add3A_430 = arith.addi %add3A_345, %add3A_429 : i32
      %lt3A_431 = arith.constant 79 : i32
      %lt3A_432 = arith.cmpi slt, %add3A_430, %lt3A_431 : i32
      %convert_element_type3A_433 = arith.extui %lt3A_432 : i1 to i32
      %cond3A_434 = arith.constant 0 : i32
      %cond3A_435 = arith.cmpi ne, %convert_element_type3A_433, %cond3A_434 : i32
      scf.if %cond3A_435 {
        %add3A_436 = arith.constant 2 : i32
        %add3A_437 = arith.addi %add3A_345, %add3A_436 : i32
        %rem3A_438 = arith.constant 3 : i32
        %rem3A_439 = arith.remsi %add3A_437, %rem3A_438 : i32
        %add3A_440 = arith.addi %mul3A_5, %add3A_437 : i32
        %dma_start3A_441 = arith.constant 0 : i32
        %dma_start3A_442 = tpu.memref_slice %arg9[%rem3A_439, %while3A_121, %dma_start3A_441] : memref<3x2x128xi32, #tpu.memory_space<vmem>> -> memref<1x1x128xi32, #tpu.memory_space<vmem>>
        %dma_start3A_443 = tpu.memref_squeeze %dma_start3A_442 : memref<1x1x128xi32, #tpu.memory_space<vmem>> -> memref<128xi32, #tpu.memory_space<vmem>>
        %dma_start3A_444 = arith.constant 0 : i32
        %dma_start3A_445 = tpu.memref_slice %arg3[%while3A_121, %add3A_440, %dma_start3A_444] : memref<2x2528x128xi32, #tpu.memory_space<hbm>> -> memref<1x1x128xi32, #tpu.memory_space<hbm>>
        %dma_start3A_446 = tpu.memref_squeeze %dma_start3A_445 : memref<1x1x128xi32, #tpu.memory_space<hbm>> -> memref<128xi32, #tpu.memory_space<hbm>>
        %dma_start3A_447 = arith.constant 0 : i32
        %dma_start3A_448 = tpu.memref_slice %arg9[%rem3A_439, %while3A_121, %dma_start3A_447] : memref<3x2x128xi32, #tpu.memory_space<vmem>> -> memref<1x1x128xi32, #tpu.memory_space<vmem>>
        %dma_start3A_449 = tpu.memref_squeeze %dma_start3A_448 : memref<1x1x128xi32, #tpu.memory_space<vmem>> -> memref<128xi32, #tpu.memory_space<vmem>>
        %dma_start3A_450 = arith.constant 0 : i32
        %dma_start3A_451 = tpu.memref_slice %arg3[%while3A_121, %add3A_440, %dma_start3A_450] : memref<2x2528x128xi32, #tpu.memory_space<hbm>> -> memref<1x1x128xi32, #tpu.memory_space<hbm>>
        %dma_start3A_452 = tpu.memref_squeeze %dma_start3A_451 : memref<1x1x128xi32, #tpu.memory_space<hbm>> -> memref<128xi32, #tpu.memory_space<hbm>>
        tpu.enqueue_dma source(%dma_start3A_452 : memref<128xi32, #tpu.memory_space<hbm>>) target(%dma_start3A_449 : memref<128xi32, #tpu.memory_space<vmem>>) target_semaphore(%arg13 : memref<!tpu.dma_semaphore, #tpu.memory_space<semaphore_mem>>)
        %add3A_453 = arith.addi %mul3A_5, %add3A_437 : i32
        %dma_start3A_454 = arith.constant 0 : i32
        %dma_start3A_455 = tpu.memref_slice %arg9[%rem3A_439, %while3A_122, %dma_start3A_454] : memref<3x2x128xi32, #tpu.memory_space<vmem>> -> memref<1x1x128xi32, #tpu.memory_space<vmem>>
        %dma_start3A_456 = tpu.memref_squeeze %dma_start3A_455 : memref<1x1x128xi32, #tpu.memory_space<vmem>> -> memref<128xi32, #tpu.memory_space<vmem>>
        %dma_start3A_457 = arith.constant 0 : i32
        %dma_start3A_458 = tpu.memref_slice %arg3[%while3A_122, %add3A_453, %dma_start3A_457] : memref<2x2528x128xi32, #tpu.memory_space<hbm>> -> memref<1x1x128xi32, #tpu.memory_space<hbm>>
        %dma_start3A_459 = tpu.memref_squeeze %dma_start3A_458 : memref<1x1x128xi32, #tpu.memory_space<hbm>> -> memref<128xi32, #tpu.memory_space<hbm>>
        %dma_start3A_460 = arith.constant 0 : i32
        %dma_start3A_461 = tpu.memref_slice %arg9[%rem3A_439, %while3A_122, %dma_start3A_460] : memref<3x2x128xi32, #tpu.memory_space<vmem>> -> memref<1x1x128xi32, #tpu.memory_space<vmem>>
        %dma_start3A_462 = tpu.memref_squeeze %dma_start3A_461 : memref<1x1x128xi32, #tpu.memory_space<vmem>> -> memref<128xi32, #tpu.memory_space<vmem>>
        %dma_start3A_463 = arith.constant 0 : i32
        %dma_start3A_464 = tpu.memref_slice %arg3[%while3A_122, %add3A_453, %dma_start3A_463] : memref<2x2528x128xi32, #tpu.memory_space<hbm>> -> memref<1x1x128xi32, #tpu.memory_space<hbm>>
        %dma_start3A_465 = tpu.memref_squeeze %dma_start3A_464 : memref<1x1x128xi32, #tpu.memory_space<hbm>> -> memref<128xi32, #tpu.memory_space<hbm>>
        tpu.enqueue_dma source(%dma_start3A_465 : memref<128xi32, #tpu.memory_space<hbm>>) target(%dma_start3A_462 : memref<128xi32, #tpu.memory_space<vmem>>) target_semaphore(%arg13 : memref<!tpu.dma_semaphore, #tpu.memory_space<semaphore_mem>>)
      } else {
      }
    }
    %while3A_132 = arith.constant 1 : i32
    scf.for %while3A_249 = %while3A_130 to %while3A_126 step %while3A_132  : i32 {
      %mul3A_250 = arith.constant 2 : i32
      %mul3A_251 = arith.muli %while3A_249, %mul3A_250 : i32
      %rem3A_252 = arith.constant 3 : i32
      %rem3A_253 = arith.remsi %mul3A_251, %rem3A_252 : i32
      %add3A_254 = arith.constant 1 : i32
      %add3A_255 = arith.addi %mul3A_251, %add3A_254 : i32
      %lt3A_256 = arith.constant 79 : i32
      %lt3A_257 = arith.cmpi slt, %add3A_255, %lt3A_256 : i32
      %convert_element_type3A_258 = arith.extui %lt3A_257 : i1 to i32
      %cond3A_259 = arith.constant 0 : i32
      %cond3A_260 = arith.cmpi ne, %convert_element_type3A_258, %cond3A_259 : i32
      scf.if %cond3A_260 {
        %add3A_436 = arith.constant 1 : i32
        %add3A_437 = arith.addi %mul3A_251, %add3A_436 : i32
        %rem3A_438 = arith.constant 3 : i32
        %rem3A_439 = arith.remsi %add3A_437, %rem3A_438 : i32
        %add3A_440 = arith.addi %mul3A_5, %add3A_437 : i32
        %dma_wait3A_441 = arith.constant 0 : i32
        %dma_wait3A_442 = tpu.memref_slice %arg9[%rem3A_439, %while3A_121, %dma_wait3A_441] : memref<3x2x128xi32, #tpu.memory_space<vmem>> -> memref<1x1x128xi32, #tpu.memory_space<vmem>>
        %dma_wait3A_443 = tpu.memref_squeeze %dma_wait3A_442 : memref<1x1x128xi32, #tpu.memory_space<vmem>> -> memref<128xi32, #tpu.memory_space<vmem>>
        %dma_wait3A_444 = arith.constant 0 : i32
        %dma_wait3A_445 = tpu.memref_slice %arg3[%while3A_121, %add3A_440, %dma_wait3A_444] : memref<2x2528x128xi32, #tpu.memory_space<hbm>> -> memref<1x1x128xi32, #tpu.memory_space<hbm>>
        %dma_wait3A_446 = tpu.memref_squeeze %dma_wait3A_445 : memref<1x1x128xi32, #tpu.memory_space<hbm>> -> memref<128xi32, #tpu.memory_space<hbm>>
        %dma_wait3A_447 = arith.constant 0 : i32
        %dma_wait3A_448 = tpu.memref_slice %arg9[%rem3A_439, %while3A_121, %dma_wait3A_447] : memref<3x2x128xi32, #tpu.memory_space<vmem>> -> memref<1x1x128xi32, #tpu.memory_space<vmem>>
        %dma_wait3A_449 = tpu.memref_squeeze %dma_wait3A_448 : memref<1x1x128xi32, #tpu.memory_space<vmem>> -> memref<128xi32, #tpu.memory_space<vmem>>
        %dma_wait3A_450 = arith.constant 0 : i32
        %dma_wait3A_451 = tpu.memref_slice %arg3[%while3A_121, %add3A_440, %dma_wait3A_450] : memref<2x2528x128xi32, #tpu.memory_space<hbm>> -> memref<1x1x128xi32, #tpu.memory_space<hbm>>
        %dma_wait3A_452 = tpu.memref_squeeze %dma_wait3A_451 : memref<1x1x128xi32, #tpu.memory_space<hbm>> -> memref<128xi32, #tpu.memory_space<hbm>>
        tpu.wait_dma2 semaphore(%arg13 : memref<!tpu.dma_semaphore, #tpu.memory_space<semaphore_mem>>) src(%dma_wait3A_452 : memref<128xi32, #tpu.memory_space<hbm>>) dst(%dma_wait3A_449 : memref<128xi32, #tpu.memory_space<vmem>>)
        %add3A_453 = arith.addi %mul3A_5, %add3A_437 : i32
        %dma_wait3A_454 = arith.constant 0 : i32
        %dma_wait3A_455 = tpu.memref_slice %arg9[%rem3A_439, %while3A_122, %dma_wait3A_454] : memref<3x2x128xi32, #tpu.memory_space<vmem>> -> memref<1x1x128xi32, #tpu.memory_space<vmem>>
        %dma_wait3A_456 = tpu.memref_squeeze %dma_wait3A_455 : memref<1x1x128xi32, #tpu.memory_space<vmem>> -> memref<128xi32, #tpu.memory_space<vmem>>
        %dma_wait3A_457 = arith.constant 0 : i32
        %dma_wait3A_458 = tpu.memref_slice %arg3[%while3A_122, %add3A_453, %dma_wait3A_457] : memref<2x2528x128xi32, #tpu.memory_space<hbm>> -> memref<1x1x128xi32, #tpu.memory_space<hbm>>
        %dma_wait3A_459 = tpu.memref_squeeze %dma_wait3A_458 : memref<1x1x128xi32, #tpu.memory_space<hbm>> -> memref<128xi32, #tpu.memory_space<hbm>>
        %dma_wait3A_460 = arith.constant 0 : i32
        %dma_wait3A_461 = tpu.memref_slice %arg9[%rem3A_439, %while3A_122, %dma_wait3A_460] : memref<3x2x128xi32, #tpu.memory_space<vmem>> -> memref<1x1x128xi32, #tpu.memory_space<vmem>>
        %dma_wait3A_462 = tpu.memref_squeeze %dma_wait3A_461 : memref<1x1x128xi32, #tpu.memory_space<vmem>> -> memref<128xi32, #tpu.memory_space<vmem>>
        %dma_wait3A_463 = arith.constant 0 : i32
        %dma_wait3A_464 = tpu.memref_slice %arg3[%while3A_122, %add3A_453, %dma_wait3A_463] : memref<2x2528x128xi32, #tpu.memory_space<hbm>> -> memref<1x1x128xi32, #tpu.memory_space<hbm>>
        %dma_wait3A_465 = tpu.memref_squeeze %dma_wait3A_464 : memref<1x1x128xi32, #tpu.memory_space<hbm>> -> memref<128xi32, #tpu.memory_space<hbm>>
        tpu.wait_dma2 semaphore(%arg13 : memref<!tpu.dma_semaphore, #tpu.memory_space<semaphore_mem>>) src(%dma_wait3A_465 : memref<128xi32, #tpu.memory_space<hbm>>) dst(%dma_wait3A_462 : memref<128xi32, #tpu.memory_space<vmem>>)
      } else {
      }
      %dma_wait3A_261 = arith.constant 0 : i32
      %dma_wait3A_262 = arith.constant 0 : i32
      %dma_wait3A_263 = arith.constant 0 : i32
      %dma_wait3A_264 = tpu.memref_slice %arg10[%dma_wait3A_261, %dma_wait3A_262, %dma_wait3A_263] : memref<2x128x128xf32, #tpu.memory_space<vmem>> -> memref<1x128x128xf32, #tpu.memory_space<vmem>>
      %dma_wait3A_265 = tpu.memref_squeeze %dma_wait3A_264 : memref<1x128x128xf32, #tpu.memory_space<vmem>> -> memref<128x128xf32, #tpu.memory_space<vmem>>
      %dma_wait3A_266 = arith.constant 0 : i32
      %dma_wait3A_267 = tpu.memref_slice %arg9[%rem3A_253, %while3A_121, %dma_wait3A_266] : memref<3x2x128xi32, #tpu.memory_space<vmem>> -> memref<1x1x128xi32, #tpu.memory_space<vmem>>
      %dma_wait3A_268 = tpu.memref_squeeze %dma_wait3A_267 : memref<1x1x128xi32, #tpu.memory_space<vmem>> -> memref<128xi32, #tpu.memory_space<vmem>>
      %dma_wait3A_269 = arith.constant 0 : i32
      %dma_wait3A_270 = arith.constant 0 : i32
      %dma_wait3A_271 = tpu.memref_slice %arg2[%dma_wait3A_269, %dma_wait3A_270] : memref<10240x128xf32, #tpu.memory_space<hbm>> -> memref<10240x128xf32, #tpu.memory_space<hbm>>
      tpu.wait_indirect_dma semaphore(%arg12 : memref<!tpu.dma_semaphore, #tpu.memory_space<semaphore_mem>>) src(%dma_wait3A_271 : memref<10240x128xf32, #tpu.memory_space<hbm>>) dst(%dma_wait3A_265 : memref<128x128xf32, #tpu.memory_space<vmem>>)
      %ge3A_272 = arith.constant 1 : i32
      %ge3A_273 = arith.cmpi sge, %mul3A_251, %ge3A_272 : i32
      %convert_element_type3A_274 = arith.extui %ge3A_273 : i1 to i32
      %cond3A_275 = arith.constant 0 : i32
      %cond3A_276 = arith.cmpi ne, %convert_element_type3A_274, %cond3A_275 : i32
      scf.if %cond3A_276 {
        %sub3A = arith.constant 1 : i32
        %sub3A_436 = arith.subi %mul3A_251, %sub3A : i32
        %rem3A_437 = arith.constant 3 : i32
        %rem3A_438 = arith.remsi %sub3A_436, %rem3A_437 : i32
        %dma_wait3A_439 = arith.constant 1 : i32
        %dma_wait3A_440 = arith.constant 0 : i32
        %dma_wait3A_441 = arith.constant 0 : i32
        %dma_wait3A_442 = tpu.memref_slice %arg10[%dma_wait3A_439, %dma_wait3A_440, %dma_wait3A_441] : memref<2x128x128xf32, #tpu.memory_space<vmem>> -> memref<1x128x128xf32, #tpu.memory_space<vmem>>
        %dma_wait3A_443 = tpu.memref_squeeze %dma_wait3A_442 : memref<1x128x128xf32, #tpu.memory_space<vmem>> -> memref<128x128xf32, #tpu.memory_space<vmem>>
        %dma_wait3A_444 = arith.constant 0 : i32
        %dma_wait3A_445 = tpu.memref_slice %arg9[%rem3A_438, %while3A_122, %dma_wait3A_444] : memref<3x2x128xi32, #tpu.memory_space<vmem>> -> memref<1x1x128xi32, #tpu.memory_space<vmem>>
        %dma_wait3A_446 = tpu.memref_squeeze %dma_wait3A_445 : memref<1x1x128xi32, #tpu.memory_space<vmem>> -> memref<128xi32, #tpu.memory_space<vmem>>
        %dma_wait3A_447 = arith.constant 0 : i32
        %dma_wait3A_448 = arith.constant 0 : i32
        %dma_wait3A_449 = tpu.memref_slice %arg8[%dma_wait3A_447, %dma_wait3A_448] : memref<10240x128xf32, #tpu.memory_space<vmem_shared>> -> memref<10240x128xf32, #tpu.memory_space<vmem_shared>>
        tpu.wait_indirect_dma semaphore(%arg14 : memref<!tpu.dma_semaphore, #tpu.memory_space<semaphore_mem>>) src(%dma_wait3A_443 : memref<128x128xf32, #tpu.memory_space<vmem>>) dst(%dma_wait3A_449 : memref<10240x128xf32, #tpu.memory_space<vmem_shared>>)
      } else {
      }
      %add3A_277 = arith.constant 1 : i32
      %add3A_278 = arith.addi %mul3A_251, %add3A_277 : i32
      %lt3A_279 = arith.constant 79 : i32
      %lt3A_280 = arith.cmpi slt, %add3A_278, %lt3A_279 : i32
      %convert_element_type3A_281 = arith.extui %lt3A_280 : i1 to i32
      %cond3A_282 = arith.constant 0 : i32
      %cond3A_283 = arith.cmpi ne, %convert_element_type3A_281, %cond3A_282 : i32
      scf.if %cond3A_283 {
        %add3A_436 = arith.constant 1 : i32
        %add3A_437 = arith.addi %mul3A_251, %add3A_436 : i32
        %rem3A_438 = arith.constant 3 : i32
        %rem3A_439 = arith.remsi %add3A_437, %rem3A_438 : i32
        %dma_start3A_440 = arith.constant 1 : i32
        %dma_start3A_441 = arith.constant 0 : i32
        %dma_start3A_442 = arith.constant 0 : i32
        %dma_start3A_443 = tpu.memref_slice %arg10[%dma_start3A_440, %dma_start3A_441, %dma_start3A_442] : memref<2x128x128xf32, #tpu.memory_space<vmem>> -> memref<1x128x128xf32, #tpu.memory_space<vmem>>
        %dma_start3A_444 = tpu.memref_squeeze %dma_start3A_443 : memref<1x128x128xf32, #tpu.memory_space<vmem>> -> memref<128x128xf32, #tpu.memory_space<vmem>>
        %dma_start3A_445 = arith.constant 0 : i32
        %dma_start3A_446 = tpu.memref_slice %arg9[%rem3A_439, %while3A_121, %dma_start3A_445] : memref<3x2x128xi32, #tpu.memory_space<vmem>> -> memref<1x1x128xi32, #tpu.memory_space<vmem>>
        %dma_start3A_447 = tpu.memref_squeeze %dma_start3A_446 : memref<1x1x128xi32, #tpu.memory_space<vmem>> -> memref<128xi32, #tpu.memory_space<vmem>>
        %dma_start3A_448 = arith.constant 0 : i32
        %dma_start3A_449 = arith.constant 0 : i32
        %dma_start3A_450 = tpu.memref_slice %arg2[%dma_start3A_448, %dma_start3A_449] : memref<10240x128xf32, #tpu.memory_space<hbm>> -> memref<10240x128xf32, #tpu.memory_space<hbm>>
        tpu.enqueue_indirect_dma source(%dma_start3A_450 : memref<10240x128xf32, #tpu.memory_space<hbm>>) target(%dma_start3A_444 : memref<128x128xf32, #tpu.memory_space<vmem>>) offsets(%dma_start3A_447 : memref<128xi32, #tpu.memory_space<vmem>>) semaphore(%arg12 : memref<!tpu.dma_semaphore, #tpu.memory_space<semaphore_mem>>)
      } else {
      }
      %get3A_284 = arith.constant 1 : i64
      %get3A_285 = arith.index_cast %rem3A_253 : i32 to index
      %get3A_286 = arith.index_cast %get3A_284 : i64 to index
      %get3A_287 = arith.constant 0 : index
      %get3A_288 = tpu.vector_load %arg9[%get3A_285, %get3A_286, %get3A_287] {strides = array<i32>} : memref<3x2x128xi32, #tpu.memory_space<vmem>>, vector<16xi32>,
      tpu.vector_store_idx %arg11[%get3A_288], %broadcast_in_dim3A_3 {add = true} : memref<10240xf32, #tpu.memory_space<vmem>>[vector<16xi32>], vector<16xf32>,
      %get3A_289 = arith.constant 1 : i64
      %get3A_290 = arith.index_cast %rem3A_253 : i32 to index
      %get3A_291 = arith.index_cast %get3A_289 : i64 to index
      %get3A_292 = arith.constant 16 : index
      %get3A_293 = tpu.vector_load %arg9[%get3A_290, %get3A_291, %get3A_292] {strides = array<i32>} : memref<3x2x128xi32, #tpu.memory_space<vmem>>, vector<16xi32>,
      tpu.vector_store_idx %arg11[%get3A_293], %broadcast_in_dim3A_3 {add = true} : memref<10240xf32, #tpu.memory_space<vmem>>[vector<16xi32>], vector<16xf32>,
      %get3A_294 = arith.constant 1 : i64
      %get3A_295 = arith.index_cast %rem3A_253 : i32 to index
      %get3A_296 = arith.index_cast %get3A_294 : i64 to index
      %get3A_297 = arith.constant 32 : index
      %get3A_298 = tpu.vector_load %arg9[%get3A_295, %get3A_296, %get3A_297] {strides = array<i32>} : memref<3x2x128xi32, #tpu.memory_space<vmem>>, vector<16xi32>,
      tpu.vector_store_idx %arg11[%get3A_298], %broadcast_in_dim3A_3 {add = true} : memref<10240xf32, #tpu.memory_space<vmem>>[vector<16xi32>], vector<16xf32>,
      %get3A_299 = arith.constant 1 : i64
      %get3A_300 = arith.index_cast %rem3A_253 : i32 to index
      %get3A_301 = arith.index_cast %get3A_299 : i64 to index
      %get3A_302 = arith.constant 48 : index
      %get3A_303 = tpu.vector_load %arg9[%get3A_300, %get3A_301, %get3A_302] {strides = array<i32>} : memref<3x2x128xi32, #tpu.memory_space<vmem>>, vector<16xi32>,
      tpu.vector_store_idx %arg11[%get3A_303], %broadcast_in_dim3A_3 {add = true} : memref<10240xf32, #tpu.memory_space<vmem>>[vector<16xi32>], vector<16xf32>,
      %get3A_304 = arith.constant 1 : i64
      %get3A_305 = arith.index_cast %rem3A_253 : i32 to index
      %get3A_306 = arith.index_cast %get3A_304 : i64 to index
      %get3A_307 = arith.constant 64 : index
      %get3A_308 = tpu.vector_load %arg9[%get3A_305, %get3A_306, %get3A_307] {strides = array<i32>} : memref<3x2x128xi32, #tpu.memory_space<vmem>>, vector<16xi32>,
      tpu.vector_store_idx %arg11[%get3A_308], %broadcast_in_dim3A_3 {add = true} : memref<10240xf32, #tpu.memory_space<vmem>>[vector<16xi32>], vector<16xf32>,
      %get3A_309 = arith.constant 1 : i64
      %get3A_310 = arith.index_cast %rem3A_253 : i32 to index
      %get3A_311 = arith.index_cast %get3A_309 : i64 to index
      %get3A_312 = arith.constant 80 : index
      %get3A_313 = tpu.vector_load %arg9[%get3A_310, %get3A_311, %get3A_312] {strides = array<i32>} : memref<3x2x128xi32, #tpu.memory_space<vmem>>, vector<16xi32>,
      tpu.vector_store_idx %arg11[%get3A_313], %broadcast_in_dim3A_3 {add = true} : memref<10240xf32, #tpu.memory_space<vmem>>[vector<16xi32>], vector<16xf32>,
      %get3A_314 = arith.constant 1 : i64
      %get3A_315 = arith.index_cast %rem3A_253 : i32 to index
      %get3A_316 = arith.index_cast %get3A_314 : i64 to index
      %get3A_317 = arith.constant 96 : index
      %get3A_318 = tpu.vector_load %arg9[%get3A_315, %get3A_316, %get3A_317] {strides = array<i32>} : memref<3x2x128xi32, #tpu.memory_space<vmem>>, vector<16xi32>,
      tpu.vector_store_idx %arg11[%get3A_318], %broadcast_in_dim3A_3 {add = true} : memref<10240xf32, #tpu.memory_space<vmem>>[vector<16xi32>], vector<16xf32>,
      %get3A_319 = arith.constant 1 : i64
      %get3A_320 = arith.index_cast %rem3A_253 : i32 to index
      %get3A_321 = arith.index_cast %get3A_319 : i64 to index
      %get3A_322 = arith.constant 112 : index
      %get3A_323 = tpu.vector_load %arg9[%get3A_320, %get3A_321, %get3A_322] {strides = array<i32>} : memref<3x2x128xi32, #tpu.memory_space<vmem>>, vector<16xi32>,
      tpu.vector_store_idx %arg11[%get3A_323], %broadcast_in_dim3A_3 {add = true} : memref<10240xf32, #tpu.memory_space<vmem>>[vector<16xi32>], vector<16xf32>,
      %dma_start3A_324 = arith.constant 0 : i32
      %dma_start3A_325 = arith.constant 0 : i32
      %dma_start3A_326 = arith.constant 0 : i32
      %dma_start3A_327 = tpu.memref_slice %arg10[%dma_start3A_324, %dma_start3A_325, %dma_start3A_326] : memref<2x128x128xf32, #tpu.memory_space<vmem>> -> memref<1x128x128xf32, #tpu.memory_space<vmem>>
      %dma_start3A_328 = tpu.memref_squeeze %dma_start3A_327 : memref<1x128x128xf32, #tpu.memory_space<vmem>> -> memref<128x128xf32, #tpu.memory_space<vmem>>
      %dma_start3A_329 = arith.constant 0 : i32
      %dma_start3A_330 = tpu.memref_slice %arg9[%rem3A_253, %while3A_122, %dma_start3A_329] : memref<3x2x128xi32, #tpu.memory_space<vmem>> -> memref<1x1x128xi32, #tpu.memory_space<vmem>>
      %dma_start3A_331 = tpu.memref_squeeze %dma_start3A_330 : memref<1x1x128xi32, #tpu.memory_space<vmem>> -> memref<128xi32, #tpu.memory_space<vmem>>
      %dma_start3A_332 = arith.constant 0 : i32
      %dma_start3A_333 = arith.constant 0 : i32
      %dma_start3A_334 = tpu.memref_slice %arg8[%dma_start3A_332, %dma_start3A_333] : memref<10240x128xf32, #tpu.memory_space<vmem_shared>> -> memref<10240x128xf32, #tpu.memory_space<vmem_shared>>
      tpu.enqueue_indirect_dma source(%dma_start3A_328 : memref<128x128xf32, #tpu.memory_space<vmem>>) target(%dma_start3A_334 : memref<10240x128xf32, #tpu.memory_space<vmem_shared>>) offsets(%dma_start3A_331 : memref<128xi32, #tpu.memory_space<vmem>>) semaphore(%arg14 : memref<!tpu.dma_semaphore, #tpu.memory_space<semaphore_mem>>) {add = true}
      %add3A_335 = arith.constant 2 : i32
      %add3A_336 = arith.addi %mul3A_251, %add3A_335 : i32
      %lt3A_337 = arith.constant 79 : i32
      %lt3A_338 = arith.cmpi slt, %add3A_336, %lt3A_337 : i32
      %convert_element_type3A_339 = arith.extui %lt3A_338 : i1 to i32
      %cond3A_340 = arith.constant 0 : i32
      %cond3A_341 = arith.cmpi ne, %convert_element_type3A_339, %cond3A_340 : i32
      scf.if %cond3A_341 {
        %add3A_436 = arith.constant 2 : i32
        %add3A_437 = arith.addi %mul3A_251, %add3A_436 : i32
        %rem3A_438 = arith.constant 3 : i32
        %rem3A_439 = arith.remsi %add3A_437, %rem3A_438 : i32
        %add3A_440 = arith.addi %mul3A_5, %add3A_437 : i32
        %dma_start3A_441 = arith.constant 0 : i32
        %dma_start3A_442 = tpu.memref_slice %arg9[%rem3A_439, %while3A_121, %dma_start3A_441] : memref<3x2x128xi32, #tpu.memory_space<vmem>> -> memref<1x1x128xi32, #tpu.memory_space<vmem>>
        %dma_start3A_443 = tpu.memref_squeeze %dma_start3A_442 : memref<1x1x128xi32, #tpu.memory_space<vmem>> -> memref<128xi32, #tpu.memory_space<vmem>>
        %dma_start3A_444 = arith.constant 0 : i32
        %dma_start3A_445 = tpu.memref_slice %arg3[%while3A_121, %add3A_440, %dma_start3A_444] : memref<2x2528x128xi32, #tpu.memory_space<hbm>> -> memref<1x1x128xi32, #tpu.memory_space<hbm>>
        %dma_start3A_446 = tpu.memref_squeeze %dma_start3A_445 : memref<1x1x128xi32, #tpu.memory_space<hbm>> -> memref<128xi32, #tpu.memory_space<hbm>>
        %dma_start3A_447 = arith.constant 0 : i32
        %dma_start3A_448 = tpu.memref_slice %arg9[%rem3A_439, %while3A_121, %dma_start3A_447] : memref<3x2x128xi32, #tpu.memory_space<vmem>> -> memref<1x1x128xi32, #tpu.memory_space<vmem>>
        %dma_start3A_449 = tpu.memref_squeeze %dma_start3A_448 : memref<1x1x128xi32, #tpu.memory_space<vmem>> -> memref<128xi32, #tpu.memory_space<vmem>>
        %dma_start3A_450 = arith.constant 0 : i32
        %dma_start3A_451 = tpu.memref_slice %arg3[%while3A_121, %add3A_440, %dma_start3A_450] : memref<2x2528x128xi32, #tpu.memory_space<hbm>> -> memref<1x1x128xi32, #tpu.memory_space<hbm>>
        %dma_start3A_452 = tpu.memref_squeeze %dma_start3A_451 : memref<1x1x128xi32, #tpu.memory_space<hbm>> -> memref<128xi32, #tpu.memory_space<hbm>>
        tpu.enqueue_dma source(%dma_start3A_452 : memref<128xi32, #tpu.memory_space<hbm>>) target(%dma_start3A_449 : memref<128xi32, #tpu.memory_space<vmem>>) target_semaphore(%arg13 : memref<!tpu.dma_semaphore, #tpu.memory_space<semaphore_mem>>)
        %add3A_453 = arith.addi %mul3A_5, %add3A_437 : i32
        %dma_start3A_454 = arith.constant 0 : i32
        %dma_start3A_455 = tpu.memref_slice %arg9[%rem3A_439, %while3A_122, %dma_start3A_454] : memref<3x2x128xi32, #tpu.memory_space<vmem>> -> memref<1x1x128xi32, #tpu.memory_space<vmem>>
        %dma_start3A_456 = tpu.memref_squeeze %dma_start3A_455 : memref<1x1x128xi32, #tpu.memory_space<vmem>> -> memref<128xi32, #tpu.memory_space<vmem>>
        %dma_start3A_457 = arith.constant 0 : i32
        %dma_start3A_458 = tpu.memref_slice %arg3[%while3A_122, %add3A_453, %dma_start3A_457] : memref<2x2528x128xi32, #tpu.memory_space<hbm>> -> memref<1x1x128xi32, #tpu.memory_space<hbm>>
        %dma_start3A_459 = tpu.memref_squeeze %dma_start3A_458 : memref<1x1x128xi32, #tpu.memory_space<hbm>> -> memref<128xi32, #tpu.memory_space<hbm>>
        %dma_start3A_460 = arith.constant 0 : i32
        %dma_start3A_461 = tpu.memref_slice %arg9[%rem3A_439, %while3A_122, %dma_start3A_460] : memref<3x2x128xi32, #tpu.memory_space<vmem>> -> memref<1x1x128xi32, #tpu.memory_space<vmem>>
        %dma_start3A_462 = tpu.memref_squeeze %dma_start3A_461 : memref<1x1x128xi32, #tpu.memory_space<vmem>> -> memref<128xi32, #tpu.memory_space<vmem>>
        %dma_start3A_463 = arith.constant 0 : i32
        %dma_start3A_464 = tpu.memref_slice %arg3[%while3A_122, %add3A_453, %dma_start3A_463] : memref<2x2528x128xi32, #tpu.memory_space<hbm>> -> memref<1x1x128xi32, #tpu.memory_space<hbm>>
        %dma_start3A_465 = tpu.memref_squeeze %dma_start3A_464 : memref<1x1x128xi32, #tpu.memory_space<hbm>> -> memref<128xi32, #tpu.memory_space<hbm>>
        tpu.enqueue_dma source(%dma_start3A_465 : memref<128xi32, #tpu.memory_space<hbm>>) target(%dma_start3A_462 : memref<128xi32, #tpu.memory_space<vmem>>) target_semaphore(%arg13 : memref<!tpu.dma_semaphore, #tpu.memory_space<semaphore_mem>>)
      } else {
      }
      %mul3A_342 = arith.constant 2 : i32
      %mul3A_343 = arith.muli %while3A_249, %mul3A_342 : i32
      %add3A_344 = arith.constant 1 : i32
      %add3A_345 = arith.addi %mul3A_343, %add3A_344 : i32
      %rem3A_346 = arith.constant 3 : i32
      %rem3A_347 = arith.remsi %add3A_345, %rem3A_346 : i32
      %add3A_348 = arith.constant 1 : i32
      %add3A_349 = arith.addi %add3A_345, %add3A_348 : i32
      %lt3A_350 = arith.constant 79 : i32
      %lt3A_351 = arith.cmpi slt, %add3A_349, %lt3A_350 : i32
      %convert_element_type3A_352 = arith.extui %lt3A_351 : i1 to i32
      %cond3A_353 = arith.constant 0 : i32
      %cond3A_354 = arith.cmpi ne, %convert_element_type3A_352, %cond3A_353 : i32
      scf.if %cond3A_354 {
        %add3A_436 = arith.constant 1 : i32
        %add3A_437 = arith.addi %add3A_345, %add3A_436 : i32
        %rem3A_438 = arith.constant 3 : i32
        %rem3A_439 = arith.remsi %add3A_437, %rem3A_438 : i32
        %add3A_440 = arith.addi %mul3A_5, %add3A_437 : i32
        %dma_wait3A_441 = arith.constant 0 : i32
        %dma_wait3A_442 = tpu.memref_slice %arg9[%rem3A_439, %while3A_121, %dma_wait3A_441] : memref<3x2x128xi32, #tpu.memory_space<vmem>> -> memref<1x1x128xi32, #tpu.memory_space<vmem>>
        %dma_wait3A_443 = tpu.memref_squeeze %dma_wait3A_442 : memref<1x1x128xi32, #tpu.memory_space<vmem>> -> memref<128xi32, #tpu.memory_space<vmem>>
        %dma_wait3A_444 = arith.constant 0 : i32
        %dma_wait3A_445 = tpu.memref_slice %arg3[%while3A_121, %add3A_440, %dma_wait3A_444] : memref<2x2528x128xi32, #tpu.memory_space<hbm>> -> memref<1x1x128xi32, #tpu.memory_space<hbm>>
        %dma_wait3A_446 = tpu.memref_squeeze %dma_wait3A_445 : memref<1x1x128xi32, #tpu.memory_space<hbm>> -> memref<128xi32, #tpu.memory_space<hbm>>
        %dma_wait3A_447 = arith.constant 0 : i32
        %dma_wait3A_448 = tpu.memref_slice %arg9[%rem3A_439, %while3A_121, %dma_wait3A_447] : memref<3x2x128xi32, #tpu.memory_space<vmem>> -> memref<1x1x128xi32, #tpu.memory_space<vmem>>
        %dma_wait3A_449 = tpu.memref_squeeze %dma_wait3A_448 : memref<1x1x128xi32, #tpu.memory_space<vmem>> -> memref<128xi32, #tpu.memory_space<vmem>>
        %dma_wait3A_450 = arith.constant 0 : i32
        %dma_wait3A_451 = tpu.memref_slice %arg3[%while3A_121, %add3A_440, %dma_wait3A_450] : memref<2x2528x128xi32, #tpu.memory_space<hbm>> -> memref<1x1x128xi32, #tpu.memory_space<hbm>>
        %dma_wait3A_452 = tpu.memref_squeeze %dma_wait3A_451 : memref<1x1x128xi32, #tpu.memory_space<hbm>> -> memref<128xi32, #tpu.memory_space<hbm>>
        tpu.wait_dma2 semaphore(%arg13 : memref<!tpu.dma_semaphore, #tpu.memory_space<semaphore_mem>>) src(%dma_wait3A_452 : memref<128xi32, #tpu.memory_space<hbm>>) dst(%dma_wait3A_449 : memref<128xi32, #tpu.memory_space<vmem>>)
        %add3A_453 = arith.addi %mul3A_5, %add3A_437 : i32
        %dma_wait3A_454 = arith.constant 0 : i32
        %dma_wait3A_455 = tpu.memref_slice %arg9[%rem3A_439, %while3A_122, %dma_wait3A_454] : memref<3x2x128xi32, #tpu.memory_space<vmem>> -> memref<1x1x128xi32, #tpu.memory_space<vmem>>
        %dma_wait3A_456 = tpu.memref_squeeze %dma_wait3A_455 : memref<1x1x128xi32, #tpu.memory_space<vmem>> -> memref<128xi32, #tpu.memory_space<vmem>>
        %dma_wait3A_457 = arith.constant 0 : i32
        %dma_wait3A_458 = tpu.memref_slice %arg3[%while3A_122, %add3A_453, %dma_wait3A_457] : memref<2x2528x128xi32, #tpu.memory_space<hbm>> -> memref<1x1x128xi32, #tpu.memory_space<hbm>>
        %dma_wait3A_459 = tpu.memref_squeeze %dma_wait3A_458 : memref<1x1x128xi32, #tpu.memory_space<hbm>> -> memref<128xi32, #tpu.memory_space<hbm>>
        %dma_wait3A_460 = arith.constant 0 : i32
        %dma_wait3A_461 = tpu.memref_slice %arg9[%rem3A_439, %while3A_122, %dma_wait3A_460] : memref<3x2x128xi32, #tpu.memory_space<vmem>> -> memref<1x1x128xi32, #tpu.memory_space<vmem>>
        %dma_wait3A_462 = tpu.memref_squeeze %dma_wait3A_461 : memref<1x1x128xi32, #tpu.memory_space<vmem>> -> memref<128xi32, #tpu.memory_space<vmem>>
        %dma_wait3A_463 = arith.constant 0 : i32
        %dma_wait3A_464 = tpu.memref_slice %arg3[%while3A_122, %add3A_453, %dma_wait3A_463] : memref<2x2528x128xi32, #tpu.memory_space<hbm>> -> memref<1x1x128xi32, #tpu.memory_space<hbm>>
        %dma_wait3A_465 = tpu.memref_squeeze %dma_wait3A_464 : memref<1x1x128xi32, #tpu.memory_space<hbm>> -> memref<128xi32, #tpu.memory_space<hbm>>
        tpu.wait_dma2 semaphore(%arg13 : memref<!tpu.dma_semaphore, #tpu.memory_space<semaphore_mem>>) src(%dma_wait3A_465 : memref<128xi32, #tpu.memory_space<hbm>>) dst(%dma_wait3A_462 : memref<128xi32, #tpu.memory_space<vmem>>)
      } else {
      }
      %dma_wait3A_355 = arith.constant 1 : i32
      %dma_wait3A_356 = arith.constant 0 : i32
      %dma_wait3A_357 = arith.constant 0 : i32
      %dma_wait3A_358 = tpu.memref_slice %arg10[%dma_wait3A_355, %dma_wait3A_356, %dma_wait3A_357] : memref<2x128x128xf32, #tpu.memory_space<vmem>> -> memref<1x128x128xf32, #tpu.memory_space<vmem>>
      %dma_wait3A_359 = tpu.memref_squeeze %dma_wait3A_358 : memref<1x128x128xf32, #tpu.memory_space<vmem>> -> memref<128x128xf32, #tpu.memory_space<vmem>>
      %dma_wait3A_360 = arith.constant 0 : i32
      %dma_wait3A_361 = tpu.memref_slice %arg9[%rem3A_347, %while3A_121, %dma_wait3A_360] : memref<3x2x128xi32, #tpu.memory_space<vmem>> -> memref<1x1x128xi32, #tpu.memory_space<vmem>>
      %dma_wait3A_362 = tpu.memref_squeeze %dma_wait3A_361 : memref<1x1x128xi32, #tpu.memory_space<vmem>> -> memref<128xi32, #tpu.memory_space<vmem>>
      %dma_wait3A_363 = arith.constant 0 : i32
      %dma_wait3A_364 = arith.constant 0 : i32
      %dma_wait3A_365 = tpu.memref_slice %arg2[%dma_wait3A_363, %dma_wait3A_364] : memref<10240x128xf32, #tpu.memory_space<hbm>> -> memref<10240x128xf32, #tpu.memory_space<hbm>>
      tpu.wait_indirect_dma semaphore(%arg12 : memref<!tpu.dma_semaphore, #tpu.memory_space<semaphore_mem>>) src(%dma_wait3A_365 : memref<10240x128xf32, #tpu.memory_space<hbm>>) dst(%dma_wait3A_359 : memref<128x128xf32, #tpu.memory_space<vmem>>)
      %ge3A_366 = arith.constant 1 : i32
      %ge3A_367 = arith.cmpi sge, %add3A_345, %ge3A_366 : i32
      %convert_element_type3A_368 = arith.extui %ge3A_367 : i1 to i32
      %cond3A_369 = arith.constant 0 : i32
      %cond3A_370 = arith.cmpi ne, %convert_element_type3A_368, %cond3A_369 : i32
      scf.if %cond3A_370 {
        %sub3A = arith.constant 1 : i32
        %sub3A_436 = arith.subi %add3A_345, %sub3A : i32
        %rem3A_437 = arith.constant 3 : i32
        %rem3A_438 = arith.remsi %sub3A_436, %rem3A_437 : i32
        %dma_wait3A_439 = arith.constant 0 : i32
        %dma_wait3A_440 = arith.constant 0 : i32
        %dma_wait3A_441 = arith.constant 0 : i32
        %dma_wait3A_442 = tpu.memref_slice %arg10[%dma_wait3A_439, %dma_wait3A_440, %dma_wait3A_441] : memref<2x128x128xf32, #tpu.memory_space<vmem>> -> memref<1x128x128xf32, #tpu.memory_space<vmem>>
        %dma_wait3A_443 = tpu.memref_squeeze %dma_wait3A_442 : memref<1x128x128xf32, #tpu.memory_space<vmem>> -> memref<128x128xf32, #tpu.memory_space<vmem>>
        %dma_wait3A_444 = arith.constant 0 : i32
        %dma_wait3A_445 = tpu.memref_slice %arg9[%rem3A_438, %while3A_122, %dma_wait3A_444] : memref<3x2x128xi32, #tpu.memory_space<vmem>> -> memref<1x1x128xi32, #tpu.memory_space<vmem>>
        %dma_wait3A_446 = tpu.memref_squeeze %dma_wait3A_445 : memref<1x1x128xi32, #tpu.memory_space<vmem>> -> memref<128xi32, #tpu.memory_space<vmem>>
        %dma_wait3A_447 = arith.constant 0 : i32
        %dma_wait3A_448 = arith.constant 0 : i32
        %dma_wait3A_449 = tpu.memref_slice %arg8[%dma_wait3A_447, %dma_wait3A_448] : memref<10240x128xf32, #tpu.memory_space<vmem_shared>> -> memref<10240x128xf32, #tpu.memory_space<vmem_shared>>
        tpu.wait_indirect_dma semaphore(%arg14 : memref<!tpu.dma_semaphore, #tpu.memory_space<semaphore_mem>>) src(%dma_wait3A_443 : memref<128x128xf32, #tpu.memory_space<vmem>>) dst(%dma_wait3A_449 : memref<10240x128xf32, #tpu.memory_space<vmem_shared>>)
      } else {
      }
      %add3A_371 = arith.constant 1 : i32
      %add3A_372 = arith.addi %add3A_345, %add3A_371 : i32
      %lt3A_373 = arith.constant 79 : i32
      %lt3A_374 = arith.cmpi slt, %add3A_372, %lt3A_373 : i32
      %convert_element_type3A_375 = arith.extui %lt3A_374 : i1 to i32
      %cond3A_376 = arith.constant 0 : i32
      %cond3A_377 = arith.cmpi ne, %convert_element_type3A_375, %cond3A_376 : i32
      scf.if %cond3A_377 {
        %add3A_436 = arith.constant 1 : i32
        %add3A_437 = arith.addi %add3A_345, %add3A_436 : i32
        %rem3A_438 = arith.constant 3 : i32
        %rem3A_439 = arith.remsi %add3A_437, %rem3A_438 : i32
        %dma_start3A_440 = arith.constant 0 : i32
        %dma_start3A_441 = arith.constant 0 : i32
        %dma_start3A_442 = arith.constant 0 : i32
        %dma_start3A_443 = tpu.memref_slice %arg10[%dma_start3A_440, %dma_start3A_441, %dma_start3A_442] : memref<2x128x128xf32, #tpu.memory_space<vmem>> -> memref<1x128x128xf32, #tpu.memory_space<vmem>>
        %dma_start3A_444 = tpu.memref_squeeze %dma_start3A_443 : memref<1x128x128xf32, #tpu.memory_space<vmem>> -> memref<128x128xf32, #tpu.memory_space<vmem>>
        %dma_start3A_445 = arith.constant 0 : i32
        %dma_start3A_446 = tpu.memref_slice %arg9[%rem3A_439, %while3A_121, %dma_start3A_445] : memref<3x2x128xi32, #tpu.memory_space<vmem>> -> memref<1x1x128xi32, #tpu.memory_space<vmem>>
        %dma_start3A_447 = tpu.memref_squeeze %dma_start3A_446 : memref<1x1x128xi32, #tpu.memory_space<vmem>> -> memref<128xi32, #tpu.memory_space<vmem>>
        %dma_start3A_448 = arith.constant 0 : i32
        %dma_start3A_449 = arith.constant 0 : i32
        %dma_start3A_450 = tpu.memref_slice %arg2[%dma_start3A_448, %dma_start3A_449] : memref<10240x128xf32, #tpu.memory_space<hbm>> -> memref<10240x128xf32, #tpu.memory_space<hbm>>
        tpu.enqueue_indirect_dma source(%dma_start3A_450 : memref<10240x128xf32, #tpu.memory_space<hbm>>) target(%dma_start3A_444 : memref<128x128xf32, #tpu.memory_space<vmem>>) offsets(%dma_start3A_447 : memref<128xi32, #tpu.memory_space<vmem>>) semaphore(%arg12 : memref<!tpu.dma_semaphore, #tpu.memory_space<semaphore_mem>>)
      } else {
      }
      %get3A_378 = arith.constant 1 : i64
      %get3A_379 = arith.index_cast %rem3A_347 : i32 to index
      %get3A_380 = arith.index_cast %get3A_378 : i64 to index
      %get3A_381 = arith.constant 0 : index
      %get3A_382 = tpu.vector_load %arg9[%get3A_379, %get3A_380, %get3A_381] {strides = array<i32>} : memref<3x2x128xi32, #tpu.memory_space<vmem>>, vector<16xi32>,
      tpu.vector_store_idx %arg11[%get3A_382], %broadcast_in_dim3A_3 {add = true} : memref<10240xf32, #tpu.memory_space<vmem>>[vector<16xi32>], vector<16xf32>,
      %get3A_383 = arith.constant 1 : i64
      %get3A_384 = arith.index_cast %rem3A_347 : i32 to index
      %get3A_385 = arith.index_cast %get3A_383 : i64 to index
      %get3A_386 = arith.constant 16 : index
      %get3A_387 = tpu.vector_load %arg9[%get3A_384, %get3A_385, %get3A_386] {strides = array<i32>} : memref<3x2x128xi32, #tpu.memory_space<vmem>>, vector<16xi32>,
      tpu.vector_store_idx %arg11[%get3A_387], %broadcast_in_dim3A_3 {add = true} : memref<10240xf32, #tpu.memory_space<vmem>>[vector<16xi32>], vector<16xf32>,
      %get3A_388 = arith.constant 1 : i64
      %get3A_389 = arith.index_cast %rem3A_347 : i32 to index
      %get3A_390 = arith.index_cast %get3A_388 : i64 to index
      %get3A_391 = arith.constant 32 : index
      %get3A_392 = tpu.vector_load %arg9[%get3A_389, %get3A_390, %get3A_391] {strides = array<i32>} : memref<3x2x128xi32, #tpu.memory_space<vmem>>, vector<16xi32>,
      tpu.vector_store_idx %arg11[%get3A_392], %broadcast_in_dim3A_3 {add = true} : memref<10240xf32, #tpu.memory_space<vmem>>[vector<16xi32>], vector<16xf32>,
      %get3A_393 = arith.constant 1 : i64
      %get3A_394 = arith.index_cast %rem3A_347 : i32 to index
      %get3A_395 = arith.index_cast %get3A_393 : i64 to index
      %get3A_396 = arith.constant 48 : index
      %get3A_397 = tpu.vector_load %arg9[%get3A_394, %get3A_395, %get3A_396] {strides = array<i32>} : memref<3x2x128xi32, #tpu.memory_space<vmem>>, vector<16xi32>,
      tpu.vector_store_idx %arg11[%get3A_397], %broadcast_in_dim3A_3 {add = true} : memref<10240xf32, #tpu.memory_space<vmem>>[vector<16xi32>], vector<16xf32>,
      %get3A_398 = arith.constant 1 : i64
      %get3A_399 = arith.index_cast %rem3A_347 : i32 to index
      %get3A_400 = arith.index_cast %get3A_398 : i64 to index
      %get3A_401 = arith.constant 64 : index
      %get3A_402 = tpu.vector_load %arg9[%get3A_399, %get3A_400, %get3A_401] {strides = array<i32>} : memref<3x2x128xi32, #tpu.memory_space<vmem>>, vector<16xi32>,
      tpu.vector_store_idx %arg11[%get3A_402], %broadcast_in_dim3A_3 {add = true} : memref<10240xf32, #tpu.memory_space<vmem>>[vector<16xi32>], vector<16xf32>,
      %get3A_403 = arith.constant 1 : i64
      %get3A_404 = arith.index_cast %rem3A_347 : i32 to index
      %get3A_405 = arith.index_cast %get3A_403 : i64 to index
      %get3A_406 = arith.constant 80 : index
      %get3A_407 = tpu.vector_load %arg9[%get3A_404, %get3A_405, %get3A_406] {strides = array<i32>} : memref<3x2x128xi32, #tpu.memory_space<vmem>>, vector<16xi32>,
      tpu.vector_store_idx %arg11[%get3A_407], %broadcast_in_dim3A_3 {add = true} : memref<10240xf32, #tpu.memory_space<vmem>>[vector<16xi32>], vector<16xf32>,
      %get3A_408 = arith.constant 1 : i64
      %get3A_409 = arith.index_cast %rem3A_347 : i32 to index
      %get3A_410 = arith.index_cast %get3A_408 : i64 to index
      %get3A_411 = arith.constant 96 : index
      %get3A_412 = tpu.vector_load %arg9[%get3A_409, %get3A_410, %get3A_411] {strides = array<i32>} : memref<3x2x128xi32, #tpu.memory_space<vmem>>, vector<16xi32>,
      tpu.vector_store_idx %arg11[%get3A_412], %broadcast_in_dim3A_3 {add = true} : memref<10240xf32, #tpu.memory_space<vmem>>[vector<16xi32>], vector<16xf32>,
      %get3A_413 = arith.constant 1 : i64
      %get3A_414 = arith.index_cast %rem3A_347 : i32 to index
      %get3A_415 = arith.index_cast %get3A_413 : i64 to index
      %get3A_416 = arith.constant 112 : index
      %get3A_417 = tpu.vector_load %arg9[%get3A_414, %get3A_415, %get3A_416] {strides = array<i32>} : memref<3x2x128xi32, #tpu.memory_space<vmem>>, vector<16xi32>,
      tpu.vector_store_idx %arg11[%get3A_417], %broadcast_in_dim3A_3 {add = true} : memref<10240xf32, #tpu.memory_space<vmem>>[vector<16xi32>], vector<16xf32>,
      %dma_start3A_418 = arith.constant 1 : i32
      %dma_start3A_419 = arith.constant 0 : i32
      %dma_start3A_420 = arith.constant 0 : i32
      %dma_start3A_421 = tpu.memref_slice %arg10[%dma_start3A_418, %dma_start3A_419, %dma_start3A_420] : memref<2x128x128xf32, #tpu.memory_space<vmem>> -> memref<1x128x128xf32, #tpu.memory_space<vmem>>
      %dma_start3A_422 = tpu.memref_squeeze %dma_start3A_421 : memref<1x128x128xf32, #tpu.memory_space<vmem>> -> memref<128x128xf32, #tpu.memory_space<vmem>>
      %dma_start3A_423 = arith.constant 0 : i32
      %dma_start3A_424 = tpu.memref_slice %arg9[%rem3A_347, %while3A_122, %dma_start3A_423] : memref<3x2x128xi32, #tpu.memory_space<vmem>> -> memref<1x1x128xi32, #tpu.memory_space<vmem>>
      %dma_start3A_425 = tpu.memref_squeeze %dma_start3A_424 : memref<1x1x128xi32, #tpu.memory_space<vmem>> -> memref<128xi32, #tpu.memory_space<vmem>>
      %dma_start3A_426 = arith.constant 0 : i32
      %dma_start3A_427 = arith.constant 0 : i32
      %dma_start3A_428 = tpu.memref_slice %arg8[%dma_start3A_426, %dma_start3A_427] : memref<10240x128xf32, #tpu.memory_space<vmem_shared>> -> memref<10240x128xf32, #tpu.memory_space<vmem_shared>>
      tpu.enqueue_indirect_dma source(%dma_start3A_422 : memref<128x128xf32, #tpu.memory_space<vmem>>) target(%dma_start3A_428 : memref<10240x128xf32, #tpu.memory_space<vmem_shared>>) offsets(%dma_start3A_425 : memref<128xi32, #tpu.memory_space<vmem>>) semaphore(%arg14 : memref<!tpu.dma_semaphore, #tpu.memory_space<semaphore_mem>>) {add = true}
      %add3A_429 = arith.constant 2 : i32
      %add3A_430 = arith.addi %add3A_345, %add3A_429 : i32
      %lt3A_431 = arith.constant 79 : i32
      %lt3A_432 = arith.cmpi slt, %add3A_430, %lt3A_431 : i32
      %convert_element_type3A_433 = arith.extui %lt3A_432 : i1 to i32
      %cond3A_434 = arith.constant 0 : i32
      %cond3A_435 = arith.cmpi ne, %convert_element_type3A_433, %cond3A_434 : i32
      scf.if %cond3A_435 {
        %add3A_436 = arith.constant 2 : i32
        %add3A_437 = arith.addi %add3A_345, %add3A_436 : i32
        %rem3A_438 = arith.constant 3 : i32
        %rem3A_439 = arith.remsi %add3A_437, %rem3A_438 : i32
        %add3A_440 = arith.addi %mul3A_5, %add3A_437 : i32
        %dma_start3A_441 = arith.constant 0 : i32
        %dma_start3A_442 = tpu.memref_slice %arg9[%rem3A_439, %while3A_121, %dma_start3A_441] : memref<3x2x128xi32, #tpu.memory_space<vmem>> -> memref<1x1x128xi32, #tpu.memory_space<vmem>>
        %dma_start3A_443 = tpu.memref_squeeze %dma_start3A_442 : memref<1x1x128xi32, #tpu.memory_space<vmem>> -> memref<128xi32, #tpu.memory_space<vmem>>
        %dma_start3A_444 = arith.constant 0 : i32
        %dma_start3A_445 = tpu.memref_slice %arg3[%while3A_121, %add3A_440, %dma_start3A_444] : memref<2x2528x128xi32, #tpu.memory_space<hbm>> -> memref<1x1x128xi32, #tpu.memory_space<hbm>>
        %dma_start3A_446 = tpu.memref_squeeze %dma_start3A_445 : memref<1x1x128xi32, #tpu.memory_space<hbm>> -> memref<128xi32, #tpu.memory_space<hbm>>
        %dma_start3A_447 = arith.constant 0 : i32
        %dma_start3A_448 = tpu.memref_slice %arg9[%rem3A_439, %while3A_121, %dma_start3A_447] : memref<3x2x128xi32, #tpu.memory_space<vmem>> -> memref<1x1x128xi32, #tpu.memory_space<vmem>>
        %dma_start3A_449 = tpu.memref_squeeze %dma_start3A_448 : memref<1x1x128xi32, #tpu.memory_space<vmem>> -> memref<128xi32, #tpu.memory_space<vmem>>
        %dma_start3A_450 = arith.constant 0 : i32
        %dma_start3A_451 = tpu.memref_slice %arg3[%while3A_121, %add3A_440, %dma_start3A_450] : memref<2x2528x128xi32, #tpu.memory_space<hbm>> -> memref<1x1x128xi32, #tpu.memory_space<hbm>>
        %dma_start3A_452 = tpu.memref_squeeze %dma_start3A_451 : memref<1x1x128xi32, #tpu.memory_space<hbm>> -> memref<128xi32, #tpu.memory_space<hbm>>
        tpu.enqueue_dma source(%dma_start3A_452 : memref<128xi32, #tpu.memory_space<hbm>>) target(%dma_start3A_449 : memref<128xi32, #tpu.memory_space<vmem>>) target_semaphore(%arg13 : memref<!tpu.dma_semaphore, #tpu.memory_space<semaphore_mem>>)
        %add3A_453 = arith.addi %mul3A_5, %add3A_437 : i32
        %dma_start3A_454 = arith.constant 0 : i32
        %dma_start3A_455 = tpu.memref_slice %arg9[%rem3A_439, %while3A_122, %dma_start3A_454] : memref<3x2x128xi32, #tpu.memory_space<vmem>> -> memref<1x1x128xi32, #tpu.memory_space<vmem>>
        %dma_start3A_456 = tpu.memref_squeeze %dma_start3A_455 : memref<1x1x128xi32, #tpu.memory_space<vmem>> -> memref<128xi32, #tpu.memory_space<vmem>>
        %dma_start3A_457 = arith.constant 0 : i32
        %dma_start3A_458 = tpu.memref_slice %arg3[%while3A_122, %add3A_453, %dma_start3A_457] : memref<2x2528x128xi32, #tpu.memory_space<hbm>> -> memref<1x1x128xi32, #tpu.memory_space<hbm>>
        %dma_start3A_459 = tpu.memref_squeeze %dma_start3A_458 : memref<1x1x128xi32, #tpu.memory_space<hbm>> -> memref<128xi32, #tpu.memory_space<hbm>>
        %dma_start3A_460 = arith.constant 0 : i32
        %dma_start3A_461 = tpu.memref_slice %arg9[%rem3A_439, %while3A_122, %dma_start3A_460] : memref<3x2x128xi32, #tpu.memory_space<vmem>> -> memref<1x1x128xi32, #tpu.memory_space<vmem>>
        %dma_start3A_462 = tpu.memref_squeeze %dma_start3A_461 : memref<1x1x128xi32, #tpu.memory_space<vmem>> -> memref<128xi32, #tpu.memory_space<vmem>>
        %dma_start3A_463 = arith.constant 0 : i32
        %dma_start3A_464 = tpu.memref_slice %arg3[%while3A_122, %add3A_453, %dma_start3A_463] : memref<2x2528x128xi32, #tpu.memory_space<hbm>> -> memref<1x1x128xi32, #tpu.memory_space<hbm>>
        %dma_start3A_465 = tpu.memref_squeeze %dma_start3A_464 : memref<1x1x128xi32, #tpu.memory_space<hbm>> -> memref<128xi32, #tpu.memory_space<hbm>>
        tpu.enqueue_dma source(%dma_start3A_465 : memref<128xi32, #tpu.memory_space<hbm>>) target(%dma_start3A_462 : memref<128xi32, #tpu.memory_space<vmem>>) target_semaphore(%arg13 : memref<!tpu.dma_semaphore, #tpu.memory_space<semaphore_mem>>)
      } else {
      }
    }
    %rem3A_133 = arith.constant 78 : i32
    %rem3A_134 = arith.constant 3 : i32
    %rem3A_135 = arith.remsi %rem3A_133, %rem3A_134 : i32
    %add3A_136 = arith.constant 78 : i32
    %add3A_137 = arith.constant 1 : i32
    %add3A_138 = arith.addi %add3A_136, %add3A_137 : i32
    %lt3A = arith.constant 79 : i32
    %lt3A_139 = arith.cmpi slt, %add3A_138, %lt3A : i32
    %convert_element_type3A = arith.extui %lt3A_139 : i1 to i32
    %cond3A = arith.constant 78 : i32
    %cond3A_140 = arith.constant 0 : i32
    %cond3A_141 = arith.constant 1 : i32
    %cond3A_142 = arith.constant 0 : i32
    %cond3A_143 = arith.cmpi ne, %convert_element_type3A, %cond3A_142 : i32
    scf.if %cond3A_143 {
      %add3A_249 = arith.constant 1 : i32
      %add3A_250 = arith.addi %cond3A, %add3A_249 : i32
      %rem3A_251 = arith.constant 3 : i32
      %rem3A_252 = arith.remsi %add3A_250, %rem3A_251 : i32
      %add3A_253 = arith.addi %mul3A_5, %add3A_250 : i32
      %dma_wait3A_254 = arith.constant 0 : i32
      %dma_wait3A_255 = tpu.memref_slice %arg9[%rem3A_252, %cond3A_140, %dma_wait3A_254] : memref<3x2x128xi32, #tpu.memory_space<vmem>> -> memref<1x1x128xi32, #tpu.memory_space<vmem>>
      %dma_wait3A_256 = tpu.memref_squeeze %dma_wait3A_255 : memref<1x1x128xi32, #tpu.memory_space<vmem>> -> memref<128xi32, #tpu.memory_space<vmem>>
      %dma_wait3A_257 = arith.constant 0 : i32
      %dma_wait3A_258 = tpu.memref_slice %arg3[%cond3A_140, %add3A_253, %dma_wait3A_257] : memref<2x2528x128xi32, #tpu.memory_space<hbm>> -> memref<1x1x128xi32, #tpu.memory_space<hbm>>
      %dma_wait3A_259 = tpu.memref_squeeze %dma_wait3A_258 : memref<1x1x128xi32, #tpu.memory_space<hbm>> -> memref<128xi32, #tpu.memory_space<hbm>>
      %dma_wait3A_260 = arith.constant 0 : i32
      %dma_wait3A_261 = tpu.memref_slice %arg9[%rem3A_252, %cond3A_140, %dma_wait3A_260] : memref<3x2x128xi32, #tpu.memory_space<vmem>> -> memref<1x1x128xi32, #tpu.memory_space<vmem>>
      %dma_wait3A_262 = tpu.memref_squeeze %dma_wait3A_261 : memref<1x1x128xi32, #tpu.memory_space<vmem>> -> memref<128xi32, #tpu.memory_space<vmem>>
      %dma_wait3A_263 = arith.constant 0 : i32
      %dma_wait3A_264 = tpu.memref_slice %arg3[%cond3A_140, %add3A_253, %dma_wait3A_263] : memref<2x2528x128xi32, #tpu.memory_space<hbm>> -> memref<1x1x128xi32, #tpu.memory_space<hbm>>
      %dma_wait3A_265 = tpu.memref_squeeze %dma_wait3A_264 : memref<1x1x128xi32, #tpu.memory_space<hbm>> -> memref<128xi32, #tpu.memory_space<hbm>>
      tpu.wait_dma2 semaphore(%arg13 : memref<!tpu.dma_semaphore, #tpu.memory_space<semaphore_mem>>) src(%dma_wait3A_265 : memref<128xi32, #tpu.memory_space<hbm>>) dst(%dma_wait3A_262 : memref<128xi32, #tpu.memory_space<vmem>>)
      %add3A_266 = arith.addi %mul3A_5, %add3A_250 : i32
      %dma_wait3A_267 = arith.constant 0 : i32
      %dma_wait3A_268 = tpu.memref_slice %arg9[%rem3A_252, %cond3A_141, %dma_wait3A_267] : memref<3x2x128xi32, #tpu.memory_space<vmem>> -> memref<1x1x128xi32, #tpu.memory_space<vmem>>
      %dma_wait3A_269 = tpu.memref_squeeze %dma_wait3A_268 : memref<1x1x128xi32, #tpu.memory_space<vmem>> -> memref<128xi32, #tpu.memory_space<vmem>>
      %dma_wait3A_270 = arith.constant 0 : i32
      %dma_wait3A_271 = tpu.memref_slice %arg3[%cond3A_141, %add3A_266, %dma_wait3A_270] : memref<2x2528x128xi32, #tpu.memory_space<hbm>> -> memref<1x1x128xi32, #tpu.memory_space<hbm>>
      %dma_wait3A_272 = tpu.memref_squeeze %dma_wait3A_271 : memref<1x1x128xi32, #tpu.memory_space<hbm>> -> memref<128xi32, #tpu.memory_space<hbm>>
      %dma_wait3A_273 = arith.constant 0 : i32
      %dma_wait3A_274 = tpu.memref_slice %arg9[%rem3A_252, %cond3A_141, %dma_wait3A_273] : memref<3x2x128xi32, #tpu.memory_space<vmem>> -> memref<1x1x128xi32, #tpu.memory_space<vmem>>
      %dma_wait3A_275 = tpu.memref_squeeze %dma_wait3A_274 : memref<1x1x128xi32, #tpu.memory_space<vmem>> -> memref<128xi32, #tpu.memory_space<vmem>>
      %dma_wait3A_276 = arith.constant 0 : i32
      %dma_wait3A_277 = tpu.memref_slice %arg3[%cond3A_141, %add3A_266, %dma_wait3A_276] : memref<2x2528x128xi32, #tpu.memory_space<hbm>> -> memref<1x1x128xi32, #tpu.memory_space<hbm>>
      %dma_wait3A_278 = tpu.memref_squeeze %dma_wait3A_277 : memref<1x1x128xi32, #tpu.memory_space<hbm>> -> memref<128xi32, #tpu.memory_space<hbm>>
      tpu.wait_dma2 semaphore(%arg13 : memref<!tpu.dma_semaphore, #tpu.memory_space<semaphore_mem>>) src(%dma_wait3A_278 : memref<128xi32, #tpu.memory_space<hbm>>) dst(%dma_wait3A_275 : memref<128xi32, #tpu.memory_space<vmem>>)
    } else {
    }
    %dma_wait3A_144 = arith.constant 0 : i32
    %dma_wait3A_145 = arith.constant 0 : i32
    %dma_wait3A_146 = arith.constant 0 : i32
    %dma_wait3A_147 = arith.constant 0 : i32
    %dma_wait3A_148 = tpu.memref_slice %arg10[%dma_wait3A_145, %dma_wait3A_146, %dma_wait3A_147] : memref<2x128x128xf32, #tpu.memory_space<vmem>> -> memref<1x128x128xf32, #tpu.memory_space<vmem>>
    %dma_wait3A_149 = tpu.memref_squeeze %dma_wait3A_148 : memref<1x128x128xf32, #tpu.memory_space<vmem>> -> memref<128x128xf32, #tpu.memory_space<vmem>>
    %dma_wait3A_150 = arith.constant 0 : i32
    %dma_wait3A_151 = tpu.memref_slice %arg9[%rem3A_135, %dma_wait3A_144, %dma_wait3A_150] : memref<3x2x128xi32, #tpu.memory_space<vmem>> -> memref<1x1x128xi32, #tpu.memory_space<vmem>>
    %dma_wait3A_152 = tpu.memref_squeeze %dma_wait3A_151 : memref<1x1x128xi32, #tpu.memory_space<vmem>> -> memref<128xi32, #tpu.memory_space<vmem>>
    %dma_wait3A_153 = arith.constant 0 : i32
    %dma_wait3A_154 = arith.constant 0 : i32
    %dma_wait3A_155 = tpu.memref_slice %arg2[%dma_wait3A_153, %dma_wait3A_154] : memref<10240x128xf32, #tpu.memory_space<hbm>> -> memref<10240x128xf32, #tpu.memory_space<hbm>>
    tpu.wait_indirect_dma semaphore(%arg12 : memref<!tpu.dma_semaphore, #tpu.memory_space<semaphore_mem>>) src(%dma_wait3A_155 : memref<10240x128xf32, #tpu.memory_space<hbm>>) dst(%dma_wait3A_149 : memref<128x128xf32, #tpu.memory_space<vmem>>)
    %ge3A = arith.constant 78 : i32
    %ge3A_156 = arith.constant 1 : i32
    %ge3A_157 = arith.cmpi sge, %ge3A, %ge3A_156 : i32
    %convert_element_type3A_158 = arith.extui %ge3A_157 : i1 to i32
    %cond3A_159 = arith.constant 78 : i32
    %cond3A_160 = arith.constant 1 : i32
    %cond3A_161 = arith.constant 0 : i32
    %cond3A_162 = arith.cmpi ne, %convert_element_type3A_158, %cond3A_161 : i32
    scf.if %cond3A_162 {
      %sub3A = arith.constant 1 : i32
      %sub3A_249 = arith.subi %cond3A_159, %sub3A : i32
      %rem3A_250 = arith.constant 3 : i32
      %rem3A_251 = arith.remsi %sub3A_249, %rem3A_250 : i32
      %dma_wait3A_252 = arith.constant 1 : i32
      %dma_wait3A_253 = arith.constant 0 : i32
      %dma_wait3A_254 = arith.constant 0 : i32
      %dma_wait3A_255 = tpu.memref_slice %arg10[%dma_wait3A_252, %dma_wait3A_253, %dma_wait3A_254] : memref<2x128x128xf32, #tpu.memory_space<vmem>> -> memref<1x128x128xf32, #tpu.memory_space<vmem>>
      %dma_wait3A_256 = tpu.memref_squeeze %dma_wait3A_255 : memref<1x128x128xf32, #tpu.memory_space<vmem>> -> memref<128x128xf32, #tpu.memory_space<vmem>>
      %dma_wait3A_257 = arith.constant 0 : i32
      %dma_wait3A_258 = tpu.memref_slice %arg9[%rem3A_251, %cond3A_160, %dma_wait3A_257] : memref<3x2x128xi32, #tpu.memory_space<vmem>> -> memref<1x1x128xi32, #tpu.memory_space<vmem>>
      %dma_wait3A_259 = tpu.memref_squeeze %dma_wait3A_258 : memref<1x1x128xi32, #tpu.memory_space<vmem>> -> memref<128xi32, #tpu.memory_space<vmem>>
      %dma_wait3A_260 = arith.constant 0 : i32
      %dma_wait3A_261 = arith.constant 0 : i32
      %dma_wait3A_262 = tpu.memref_slice %arg8[%dma_wait3A_260, %dma_wait3A_261] : memref<10240x128xf32, #tpu.memory_space<vmem_shared>> -> memref<10240x128xf32, #tpu.memory_space<vmem_shared>>
      tpu.wait_indirect_dma semaphore(%arg14 : memref<!tpu.dma_semaphore, #tpu.memory_space<semaphore_mem>>) src(%dma_wait3A_256 : memref<128x128xf32, #tpu.memory_space<vmem>>) dst(%dma_wait3A_262 : memref<10240x128xf32, #tpu.memory_space<vmem_shared>>)
    } else {
    }
    %add3A_163 = arith.constant 78 : i32
    %add3A_164 = arith.constant 1 : i32
    %add3A_165 = arith.addi %add3A_163, %add3A_164 : i32
    %lt3A_166 = arith.constant 79 : i32
    %lt3A_167 = arith.cmpi slt, %add3A_165, %lt3A_166 : i32
    %convert_element_type3A_168 = arith.extui %lt3A_167 : i1 to i32
    %cond3A_169 = arith.constant 78 : i32
    %cond3A_170 = arith.constant 0 : i32
    %cond3A_171 = arith.constant 0 : i32
    %cond3A_172 = arith.cmpi ne, %convert_element_type3A_168, %cond3A_171 : i32
    scf.if %cond3A_172 {
      %add3A_249 = arith.constant 1 : i32
      %add3A_250 = arith.addi %cond3A_169, %add3A_249 : i32
      %rem3A_251 = arith.constant 3 : i32
      %rem3A_252 = arith.remsi %add3A_250, %rem3A_251 : i32
      %dma_start3A_253 = arith.constant 1 : i32
      %dma_start3A_254 = arith.constant 0 : i32
      %dma_start3A_255 = arith.constant 0 : i32
      %dma_start3A_256 = tpu.memref_slice %arg10[%dma_start3A_253, %dma_start3A_254, %dma_start3A_255] : memref<2x128x128xf32, #tpu.memory_space<vmem>> -> memref<1x128x128xf32, #tpu.memory_space<vmem>>
      %dma_start3A_257 = tpu.memref_squeeze %dma_start3A_256 : memref<1x128x128xf32, #tpu.memory_space<vmem>> -> memref<128x128xf32, #tpu.memory_space<vmem>>
      %dma_start3A_258 = arith.constant 0 : i32
      %dma_start3A_259 = tpu.memref_slice %arg9[%rem3A_252, %cond3A_170, %dma_start3A_258] : memref<3x2x128xi32, #tpu.memory_space<vmem>> -> memref<1x1x128xi32, #tpu.memory_space<vmem>>
      %dma_start3A_260 = tpu.memref_squeeze %dma_start3A_259 : memref<1x1x128xi32, #tpu.memory_space<vmem>> -> memref<128xi32, #tpu.memory_space<vmem>>
      %dma_start3A_261 = arith.constant 0 : i32
      %dma_start3A_262 = arith.constant 0 : i32
      %dma_start3A_263 = tpu.memref_slice %arg2[%dma_start3A_261, %dma_start3A_262] : memref<10240x128xf32, #tpu.memory_space<hbm>> -> memref<10240x128xf32, #tpu.memory_space<hbm>>
      tpu.enqueue_indirect_dma source(%dma_start3A_263 : memref<10240x128xf32, #tpu.memory_space<hbm>>) target(%dma_start3A_257 : memref<128x128xf32, #tpu.memory_space<vmem>>) offsets(%dma_start3A_260 : memref<128xi32, #tpu.memory_space<vmem>>) semaphore(%arg12 : memref<!tpu.dma_semaphore, #tpu.memory_space<semaphore_mem>>)
    } else {
    }
    %get3A = arith.constant 1 : i64
    %get3A_173 = arith.index_cast %rem3A_135 : i32 to index
    %get3A_174 = arith.index_cast %get3A : i64 to index
    %get3A_175 = arith.constant 0 : index
    %get3A_176 = tpu.vector_load %arg9[%get3A_173, %get3A_174, %get3A_175] {strides = array<i32>} : memref<3x2x128xi32, #tpu.memory_space<vmem>>, vector<16xi32>,
    tpu.vector_store_idx %arg11[%get3A_176], %broadcast_in_dim3A_3 {add = true} : memref<10240xf32, #tpu.memory_space<vmem>>[vector<16xi32>], vector<16xf32>,
    %get3A_177 = arith.constant 1 : i64
    %get3A_178 = arith.index_cast %rem3A_135 : i32 to index
    %get3A_179 = arith.index_cast %get3A_177 : i64 to index
    %get3A_180 = arith.constant 16 : index
    %get3A_181 = tpu.vector_load %arg9[%get3A_178, %get3A_179, %get3A_180] {strides = array<i32>} : memref<3x2x128xi32, #tpu.memory_space<vmem>>, vector<16xi32>,
    tpu.vector_store_idx %arg11[%get3A_181], %broadcast_in_dim3A_3 {add = true} : memref<10240xf32, #tpu.memory_space<vmem>>[vector<16xi32>], vector<16xf32>,
    %get3A_182 = arith.constant 1 : i64
    %get3A_183 = arith.index_cast %rem3A_135 : i32 to index
    %get3A_184 = arith.index_cast %get3A_182 : i64 to index
    %get3A_185 = arith.constant 32 : index
    %get3A_186 = tpu.vector_load %arg9[%get3A_183, %get3A_184, %get3A_185] {strides = array<i32>} : memref<3x2x128xi32, #tpu.memory_space<vmem>>, vector<16xi32>,
    tpu.vector_store_idx %arg11[%get3A_186], %broadcast_in_dim3A_3 {add = true} : memref<10240xf32, #tpu.memory_space<vmem>>[vector<16xi32>], vector<16xf32>,
    %get3A_187 = arith.constant 1 : i64
    %get3A_188 = arith.index_cast %rem3A_135 : i32 to index
    %get3A_189 = arith.index_cast %get3A_187 : i64 to index
    %get3A_190 = arith.constant 48 : index
    %get3A_191 = tpu.vector_load %arg9[%get3A_188, %get3A_189, %get3A_190] {strides = array<i32>} : memref<3x2x128xi32, #tpu.memory_space<vmem>>, vector<16xi32>,
    tpu.vector_store_idx %arg11[%get3A_191], %broadcast_in_dim3A_3 {add = true} : memref<10240xf32, #tpu.memory_space<vmem>>[vector<16xi32>], vector<16xf32>,
    %get3A_192 = arith.constant 1 : i64
    %get3A_193 = arith.index_cast %rem3A_135 : i32 to index
    %get3A_194 = arith.index_cast %get3A_192 : i64 to index
    %get3A_195 = arith.constant 64 : index
    %get3A_196 = tpu.vector_load %arg9[%get3A_193, %get3A_194, %get3A_195] {strides = array<i32>} : memref<3x2x128xi32, #tpu.memory_space<vmem>>, vector<16xi32>,
    tpu.vector_store_idx %arg11[%get3A_196], %broadcast_in_dim3A_3 {add = true} : memref<10240xf32, #tpu.memory_space<vmem>>[vector<16xi32>], vector<16xf32>,
    %get3A_197 = arith.constant 1 : i64
    %get3A_198 = arith.index_cast %rem3A_135 : i32 to index
    %get3A_199 = arith.index_cast %get3A_197 : i64 to index
    %get3A_200 = arith.constant 80 : index
    %get3A_201 = tpu.vector_load %arg9[%get3A_198, %get3A_199, %get3A_200] {strides = array<i32>} : memref<3x2x128xi32, #tpu.memory_space<vmem>>, vector<16xi32>,
    tpu.vector_store_idx %arg11[%get3A_201], %broadcast_in_dim3A_3 {add = true} : memref<10240xf32, #tpu.memory_space<vmem>>[vector<16xi32>], vector<16xf32>,
    %get3A_202 = arith.constant 1 : i64
    %get3A_203 = arith.index_cast %rem3A_135 : i32 to index
    %get3A_204 = arith.index_cast %get3A_202 : i64 to index
    %get3A_205 = arith.constant 96 : index
    %get3A_206 = tpu.vector_load %arg9[%get3A_203, %get3A_204, %get3A_205] {strides = array<i32>} : memref<3x2x128xi32, #tpu.memory_space<vmem>>, vector<16xi32>,
    tpu.vector_store_idx %arg11[%get3A_206], %broadcast_in_dim3A_3 {add = true} : memref<10240xf32, #tpu.memory_space<vmem>>[vector<16xi32>], vector<16xf32>,
    %get3A_207 = arith.constant 1 : i64
    %get3A_208 = arith.index_cast %rem3A_135 : i32 to index
    %get3A_209 = arith.index_cast %get3A_207 : i64 to index
    %get3A_210 = arith.constant 112 : index
    %get3A_211 = tpu.vector_load %arg9[%get3A_208, %get3A_209, %get3A_210] {strides = array<i32>} : memref<3x2x128xi32, #tpu.memory_space<vmem>>, vector<16xi32>,
    tpu.vector_store_idx %arg11[%get3A_211], %broadcast_in_dim3A_3 {add = true} : memref<10240xf32, #tpu.memory_space<vmem>>[vector<16xi32>], vector<16xf32>,
    %dma_start3A_212 = arith.constant 0 : i32
    %dma_start3A_213 = arith.constant 1 : i32
    %dma_start3A_214 = arith.constant 0 : i32
    %dma_start3A_215 = arith.constant 0 : i32
    %dma_start3A_216 = tpu.memref_slice %arg10[%dma_start3A_212, %dma_start3A_214, %dma_start3A_215] : memref<2x128x128xf32, #tpu.memory_space<vmem>> -> memref<1x128x128xf32, #tpu.memory_space<vmem>>
    %dma_start3A_217 = tpu.memref_squeeze %dma_start3A_216 : memref<1x128x128xf32, #tpu.memory_space<vmem>> -> memref<128x128xf32, #tpu.memory_space<vmem>>
    %dma_start3A_218 = arith.constant 0 : i32
    %dma_start3A_219 = tpu.memref_slice %arg9[%rem3A_135, %dma_start3A_213, %dma_start3A_218] : memref<3x2x128xi32, #tpu.memory_space<vmem>> -> memref<1x1x128xi32, #tpu.memory_space<vmem>>
    %dma_start3A_220 = tpu.memref_squeeze %dma_start3A_219 : memref<1x1x128xi32, #tpu.memory_space<vmem>> -> memref<128xi32, #tpu.memory_space<vmem>>
    %dma_start3A_221 = arith.constant 0 : i32
    %dma_start3A_222 = arith.constant 0 : i32
    %dma_start3A_223 = tpu.memref_slice %arg8[%dma_start3A_221, %dma_start3A_222] : memref<10240x128xf32, #tpu.memory_space<vmem_shared>> -> memref<10240x128xf32, #tpu.memory_space<vmem_shared>>
    tpu.enqueue_indirect_dma source(%dma_start3A_217 : memref<128x128xf32, #tpu.memory_space<vmem>>) target(%dma_start3A_223 : memref<10240x128xf32, #tpu.memory_space<vmem_shared>>) offsets(%dma_start3A_220 : memref<128xi32, #tpu.memory_space<vmem>>) semaphore(%arg14 : memref<!tpu.dma_semaphore, #tpu.memory_space<semaphore_mem>>) {add = true}
    %add3A_224 = arith.constant 78 : i32
    %add3A_225 = arith.constant 2 : i32
    %add3A_226 = arith.addi %add3A_224, %add3A_225 : i32
    %lt3A_227 = arith.constant 79 : i32
    %lt3A_228 = arith.cmpi slt, %add3A_226, %lt3A_227 : i32
    %convert_element_type3A_229 = arith.extui %lt3A_228 : i1 to i32
    %cond3A_230 = arith.constant 78 : i32
    %cond3A_231 = arith.constant 0 : i32
    %cond3A_232 = arith.constant 1 : i32
    %cond3A_233 = arith.constant 0 : i32
    %cond3A_234 = arith.cmpi ne, %convert_element_type3A_229, %cond3A_233 : i32
    scf.if %cond3A_234 {
      %add3A_249 = arith.constant 2 : i32
      %add3A_250 = arith.addi %cond3A_230, %add3A_249 : i32
      %rem3A_251 = arith.constant 3 : i32
      %rem3A_252 = arith.remsi %add3A_250, %rem3A_251 : i32
      %add3A_253 = arith.addi %mul3A_5, %add3A_250 : i32
      %dma_start3A_254 = arith.constant 0 : i32
      %dma_start3A_255 = tpu.memref_slice %arg9[%rem3A_252, %cond3A_231, %dma_start3A_254] : memref<3x2x128xi32, #tpu.memory_space<vmem>> -> memref<1x1x128xi32, #tpu.memory_space<vmem>>
      %dma_start3A_256 = tpu.memref_squeeze %dma_start3A_255 : memref<1x1x128xi32, #tpu.memory_space<vmem>> -> memref<128xi32, #tpu.memory_space<vmem>>
      %dma_start3A_257 = arith.constant 0 : i32
      %dma_start3A_258 = tpu.memref_slice %arg3[%cond3A_231, %add3A_253, %dma_start3A_257] : memref<2x2528x128xi32, #tpu.memory_space<hbm>> -> memref<1x1x128xi32, #tpu.memory_space<hbm>>
      %dma_start3A_259 = tpu.memref_squeeze %dma_start3A_258 : memref<1x1x128xi32, #tpu.memory_space<hbm>> -> memref<128xi32, #tpu.memory_space<hbm>>
      %dma_start3A_260 = arith.constant 0 : i32
      %dma_start3A_261 = tpu.memref_slice %arg9[%rem3A_252, %cond3A_231, %dma_start3A_260] : memref<3x2x128xi32, #tpu.memory_space<vmem>> -> memref<1x1x128xi32, #tpu.memory_space<vmem>>
      %dma_start3A_262 = tpu.memref_squeeze %dma_start3A_261 : memref<1x1x128xi32, #tpu.memory_space<vmem>> -> memref<128xi32, #tpu.memory_space<vmem>>
      %dma_start3A_263 = arith.constant 0 : i32
      %dma_start3A_264 = tpu.memref_slice %arg3[%cond3A_231, %add3A_253, %dma_start3A_263] : memref<2x2528x128xi32, #tpu.memory_space<hbm>> -> memref<1x1x128xi32, #tpu.memory_space<hbm>>
      %dma_start3A_265 = tpu.memref_squeeze %dma_start3A_264 : memref<1x1x128xi32, #tpu.memory_space<hbm>> -> memref<128xi32, #tpu.memory_space<hbm>>
      tpu.enqueue_dma source(%dma_start3A_265 : memref<128xi32, #tpu.memory_space<hbm>>) target(%dma_start3A_262 : memref<128xi32, #tpu.memory_space<vmem>>) target_semaphore(%arg13 : memref<!tpu.dma_semaphore, #tpu.memory_space<semaphore_mem>>)
      %add3A_266 = arith.addi %mul3A_5, %add3A_250 : i32
      %dma_start3A_267 = arith.constant 0 : i32
      %dma_start3A_268 = tpu.memref_slice %arg9[%rem3A_252, %cond3A_232, %dma_start3A_267] : memref<3x2x128xi32, #tpu.memory_space<vmem>> -> memref<1x1x128xi32, #tpu.memory_space<vmem>>
      %dma_start3A_269 = tpu.memref_squeeze %dma_start3A_268 : memref<1x1x128xi32, #tpu.memory_space<vmem>> -> memref<128xi32, #tpu.memory_space<vmem>>
      %dma_start3A_270 = arith.constant 0 : i32
      %dma_start3A_271 = tpu.memref_slice %arg3[%cond3A_232, %add3A_266, %dma_start3A_270] : memref<2x2528x128xi32, #tpu.memory_space<hbm>> -> memref<1x1x128xi32, #tpu.memory_space<hbm>>
      %dma_start3A_272 = tpu.memref_squeeze %dma_start3A_271 : memref<1x1x128xi32, #tpu.memory_space<hbm>> -> memref<128xi32, #tpu.memory_space<hbm>>
      %dma_start3A_273 = arith.constant 0 : i32
      %dma_start3A_274 = tpu.memref_slice %arg9[%rem3A_252, %cond3A_232, %dma_start3A_273] : memref<3x2x128xi32, #tpu.memory_space<vmem>> -> memref<1x1x128xi32, #tpu.memory_space<vmem>>
      %dma_start3A_275 = tpu.memref_squeeze %dma_start3A_274 : memref<1x1x128xi32, #tpu.memory_space<vmem>> -> memref<128xi32, #tpu.memory_space<vmem>>
      %dma_start3A_276 = arith.constant 0 : i32
      %dma_start3A_277 = tpu.memref_slice %arg3[%cond3A_232, %add3A_266, %dma_start3A_276] : memref<2x2528x128xi32, #tpu.memory_space<hbm>> -> memref<1x1x128xi32, #tpu.memory_space<hbm>>
      %dma_start3A_278 = tpu.memref_squeeze %dma_start3A_277 : memref<1x1x128xi32, #tpu.memory_space<hbm>> -> memref<128xi32, #tpu.memory_space<hbm>>
      tpu.enqueue_dma source(%dma_start3A_278 : memref<128xi32, #tpu.memory_space<hbm>>) target(%dma_start3A_275 : memref<128xi32, #tpu.memory_space<vmem>>) target_semaphore(%arg13 : memref<!tpu.dma_semaphore, #tpu.memory_space<semaphore_mem>>)
    } else {
    }
    %dma_wait3A_235 = arith.constant 0 : i32
    %dma_wait3A_236 = arith.constant 0 : i32
    %dma_wait3A_237 = arith.constant 1 : i32
    %dma_wait3A_238 = arith.constant 0 : i32
    %dma_wait3A_239 = arith.constant 0 : i32
    %dma_wait3A_240 = tpu.memref_slice %arg10[%dma_wait3A_235, %dma_wait3A_238, %dma_wait3A_239] : memref<2x128x128xf32, #tpu.memory_space<vmem>> -> memref<1x128x128xf32, #tpu.memory_space<vmem>>
    %dma_wait3A_241 = tpu.memref_squeeze %dma_wait3A_240 : memref<1x128x128xf32, #tpu.memory_space<vmem>> -> memref<128x128xf32, #tpu.memory_space<vmem>>
    %dma_wait3A_242 = arith.constant 0 : i32
    %dma_wait3A_243 = tpu.memref_slice %arg9[%dma_wait3A_236, %dma_wait3A_237, %dma_wait3A_242] : memref<3x2x128xi32, #tpu.memory_space<vmem>> -> memref<1x1x128xi32, #tpu.memory_space<vmem>>
    %dma_wait3A_244 = tpu.memref_squeeze %dma_wait3A_243 : memref<1x1x128xi32, #tpu.memory_space<vmem>> -> memref<128xi32, #tpu.memory_space<vmem>>
    %dma_wait3A_245 = arith.constant 0 : i32
    %dma_wait3A_246 = arith.constant 0 : i32
    %dma_wait3A_247 = tpu.memref_slice %arg8[%dma_wait3A_245, %dma_wait3A_246] : memref<10240x128xf32, #tpu.memory_space<vmem_shared>> -> memref<10240x128xf32, #tpu.memory_space<vmem_shared>>
    tpu.wait_indirect_dma semaphore(%arg14 : memref<!tpu.dma_semaphore, #tpu.memory_space<semaphore_mem>>) src(%dma_wait3A_241 : memref<128x128xf32, #tpu.memory_space<vmem>>) dst(%dma_wait3A_247 : memref<10240x128xf32, #tpu.memory_space<vmem_shared>>)
    %barrier3A_248 = arith.constant 0 : index
    tpu.barrier barrier_id(%barrier3A_248)
    "tpu.region"() ({
      %run_scoped3A = tpu.sem_alloc : memref<!tpu.dma_semaphore, #tpu.memory_space<semaphore_mem>>
      %dma_start3A_249 = arith.constant 0 : i32
      %dma_start3A_250 = tpu.memref_slice %arg6[%arg0, %mul3A_2, %dma_start3A_249] : memref<2x10240x128xf32, #tpu.memory_space<hbm>> -> memref<1x640x128xf32, #tpu.memory_space<hbm>>
      %dma_start3A_251 = tpu.memref_squeeze %dma_start3A_250 : memref<1x640x128xf32, #tpu.memory_space<hbm>> -> memref<640x128xf32, #tpu.memory_space<hbm>>
      %dma_start3A_252 = arith.constant 0 : i32
      %dma_start3A_253 = tpu.memref_slice %arg8[%mul3A_2, %dma_start3A_252] : memref<10240x128xf32, #tpu.memory_space<vmem_shared>> -> memref<640x128xf32, #tpu.memory_space<vmem_shared>>
      tpu.enqueue_dma source(%dma_start3A_253 : memref<640x128xf32, #tpu.memory_space<vmem_shared>>) target(%dma_start3A_251 : memref<640x128xf32, #tpu.memory_space<hbm>>) target_semaphore(%run_scoped3A : memref<!tpu.dma_semaphore, #tpu.memory_space<semaphore_mem>>)
      %dma_wait3A_254 = arith.constant 0 : i32
      %dma_wait3A_255 = tpu.memref_slice %arg6[%arg0, %mul3A_2, %dma_wait3A_254] : memref<2x10240x128xf32, #tpu.memory_space<hbm>> -> memref<1x640x128xf32, #tpu.memory_space<hbm>>
      %dma_wait3A_256 = tpu.memref_squeeze %dma_wait3A_255 : memref<1x640x128xf32, #tpu.memory_space<hbm>> -> memref<640x128xf32, #tpu.memory_space<hbm>>
      %dma_wait3A_257 = arith.constant 0 : i32
      %dma_wait3A_258 = tpu.memref_slice %arg8[%mul3A_2, %dma_wait3A_257] : memref<10240x128xf32, #tpu.memory_space<vmem_shared>> -> memref<640x128xf32, #tpu.memory_space<vmem_shared>>
      tpu.wait_dma2 semaphore(%run_scoped3A : memref<!tpu.dma_semaphore, #tpu.memory_space<semaphore_mem>>) src(%dma_wait3A_258 : memref<640x128xf32, #tpu.memory_space<vmem_shared>>) dst(%dma_wait3A_256 : memref<640x128xf32, #tpu.memory_space<hbm>>)
      tpu.yield
    }) : () -> ()
    "tpu.region"() ({
      %run_scoped3A = tpu.sem_alloc : memref<!tpu.dma_semaphore, #tpu.memory_space<semaphore_mem>>
      %dma_start3A_249 = arith.constant 0 : i32
      %dma_start3A_250 = tpu.memref_slice %arg7[%add3A, %dma_start3A_249] : memref<32x10240xf32, #tpu.memory_space<hbm>> -> memref<1x10240xf32, #tpu.memory_space<hbm>>
      %dma_start3A_251 = tpu.memref_squeeze %dma_start3A_250 : memref<1x10240xf32, #tpu.memory_space<hbm>> -> memref<10240xf32, #tpu.memory_space<hbm>>
      %dma_start3A_252 = arith.constant 0 : i32
      %dma_start3A_253 = tpu.memref_slice %arg7[%add3A, %dma_start3A_252] : memref<32x10240xf32, #tpu.memory_space<hbm>> -> memref<1x10240xf32, #tpu.memory_space<hbm>>
      %dma_start3A_254 = tpu.memref_squeeze %dma_start3A_253 : memref<1x10240xf32, #tpu.memory_space<hbm>> -> memref<10240xf32, #tpu.memory_space<hbm>>
      tpu.enqueue_dma source(%arg11 : memref<10240xf32, #tpu.memory_space<vmem>>) target(%dma_start3A_254 : memref<10240xf32, #tpu.memory_space<hbm>>) target_semaphore(%run_scoped3A : memref<!tpu.dma_semaphore, #tpu.memory_space<semaphore_mem>>)
      %dma_wait3A_255 = arith.constant 0 : i32
      %dma_wait3A_256 = tpu.memref_slice %arg7[%add3A, %dma_wait3A_255] : memref<32x10240xf32, #tpu.memory_space<hbm>> -> memref<1x10240xf32, #tpu.memory_space<hbm>>
      %dma_wait3A_257 = tpu.memref_squeeze %dma_wait3A_256 : memref<1x10240xf32, #tpu.memory_space<hbm>> -> memref<10240xf32, #tpu.memory_space<hbm>>
      %dma_wait3A_258 = arith.constant 0 : i32
      %dma_wait3A_259 = tpu.memref_slice %arg7[%add3A, %dma_wait3A_258] : memref<32x10240xf32, #tpu.memory_space<hbm>> -> memref<1x10240xf32, #tpu.memory_space<hbm>>
      %dma_wait3A_260 = tpu.memref_squeeze %dma_wait3A_259 : memref<1x10240xf32, #tpu.memory_space<hbm>> -> memref<10240xf32, #tpu.memory_space<hbm>>
      tpu.wait_dma2 semaphore(%run_scoped3A : memref<!tpu.dma_semaphore, #tpu.memory_space<semaphore_mem>>) src(%arg11 : memref<10240xf32, #tpu.memory_space<vmem>>) dst(%dma_wait3A_260 : memref<10240xf32, #tpu.memory_space<hbm>>)
      tpu.yield
    }) : () -> ()
    return
  }
}

#map = affine_map<(d0, d1) -> (0, 0)>
#map1 = affine_map<(d0, d1) -> (0, 0, 0)>
module attributes {stable_mosaic.version = 14 : i64} {
  func.func @sc_segsum_deg0(%arg0: i32, %arg1: i32, %arg2: memref<10240x128xf32, #tpu.memory_space<hbm>>, %arg3: memref<2x2528x128xi32, #tpu.memory_space<hbm>>, %arg4: memref<640x128xf32, #tpu.memory_space<hbm>>, %arg5: memref<2x10240x128xf32, #tpu.memory_space<hbm>>, %arg6: memref<10240x128xf32, #tpu.memory_space<vmem_shared>>, %arg7: memref<3x2x128xi32, #tpu.memory_space<vmem>>, %arg8: memref<2x128x128xf32, #tpu.memory_space<vmem>>, %arg9: memref<!tpu.dma_semaphore, #tpu.memory_space<semaphore_mem>>, %arg10: memref<!tpu.dma_semaphore, #tpu.memory_space<semaphore_mem>>, %arg11: memref<!tpu.dma_semaphore, #tpu.memory_space<semaphore_mem>>) attributes {dimension_semantics = [#tpu.dimension_semantics<core_parallel>, #tpu.dimension_semantics<subcore_parallel>], iteration_bounds = array<i64: 2, 16>, scalar_prefetch = 0 : i64, scratch_operands = 6 : i64, tpu.core_type = #tpu.core_type<sc_vector_subcore>, window_params = [{transform_indices = #map}, {transform_indices = #map1}, {transform_indices = #map}, {transform_indices = #map1}]} {
    %mul3A = arith.constant 2 : i32
    %mul3A_0 = arith.muli %arg1, %mul3A : i32
    %add3A = arith.addi %mul3A_0, %arg0 : i32
    %mul3A_1 = arith.constant 640 : i32
    %mul3A_2 = arith.muli %arg1, %mul3A_1 : i32
    "tpu.region"() ({
      %run_scoped3A = tpu.sem_alloc : memref<!tpu.dma_semaphore, #tpu.memory_space<semaphore_mem>>
      %dma_start3A_210 = arith.constant 0 : i32
      %dma_start3A_211 = tpu.memref_slice %arg6[%mul3A_2, %dma_start3A_210] : memref<10240x128xf32, #tpu.memory_space<vmem_shared>> -> memref<640x128xf32, #tpu.memory_space<vmem_shared>>
      tpu.enqueue_dma source(%arg4 : memref<640x128xf32, #tpu.memory_space<hbm>>) target(%dma_start3A_211 : memref<640x128xf32, #tpu.memory_space<vmem_shared>>) target_semaphore(%run_scoped3A : memref<!tpu.dma_semaphore, #tpu.memory_space<semaphore_mem>>)
      %dma_wait3A_212 = arith.constant 0 : i32
      %dma_wait3A_213 = tpu.memref_slice %arg6[%mul3A_2, %dma_wait3A_212] : memref<10240x128xf32, #tpu.memory_space<vmem_shared>> -> memref<640x128xf32, #tpu.memory_space<vmem_shared>>
      tpu.wait_dma2 semaphore(%run_scoped3A : memref<!tpu.dma_semaphore, #tpu.memory_space<semaphore_mem>>) src(%arg4 : memref<640x128xf32, #tpu.memory_space<hbm>>) dst(%dma_wait3A_213 : memref<640x128xf32, #tpu.memory_space<vmem_shared>>)
      tpu.yield
    }) : () -> ()
    %barrier3A = arith.constant 0 : index
    tpu.barrier barrier_id(%barrier3A)
    %broadcast_in_dim3A = arith.constant 1.000000e+00 : f32
    %broadcast_in_dim3A_3 = vector.broadcast %broadcast_in_dim3A : f32 to vector<16xf32>
    %mul3A_4 = arith.constant 79 : i32
    %mul3A_5 = arith.muli %add3A, %mul3A_4 : i32
    %rem3A = arith.constant 0 : i32
    %rem3A_6 = arith.constant 3 : i32
    %rem3A_7 = arith.remsi %rem3A, %rem3A_6 : i32
    %add3A_8 = arith.constant 0 : i32
    %add3A_9 = arith.addi %mul3A_5, %add3A_8 : i32
    %dma_start3A = arith.constant 0 : i32
    %dma_start3A_10 = arith.constant 0 : i32
    %dma_start3A_11 = arith.constant 0 : i32
    %dma_start3A_12 = tpu.memref_slice %arg7[%rem3A_7, %dma_start3A_10, %dma_start3A_11] : memref<3x2x128xi32, #tpu.memory_space<vmem>> -> memref<1x1x128xi32, #tpu.memory_space<vmem>>
    %dma_start3A_13 = tpu.memref_squeeze %dma_start3A_12 : memref<1x1x128xi32, #tpu.memory_space<vmem>> -> memref<128xi32, #tpu.memory_space<vmem>>
    %dma_start3A_14 = arith.constant 0 : i32
    %dma_start3A_15 = tpu.memref_slice %arg3[%dma_start3A, %add3A_9, %dma_start3A_14] : memref<2x2528x128xi32, #tpu.memory_space<hbm>> -> memref<1x1x128xi32, #tpu.memory_space<hbm>>
    %dma_start3A_16 = tpu.memref_squeeze %dma_start3A_15 : memref<1x1x128xi32, #tpu.memory_space<hbm>> -> memref<128xi32, #tpu.memory_space<hbm>>
    %dma_start3A_17 = arith.constant 0 : i32
    %dma_start3A_18 = tpu.memref_slice %arg7[%rem3A_7, %dma_start3A_10, %dma_start3A_17] : memref<3x2x128xi32, #tpu.memory_space<vmem>> -> memref<1x1x128xi32, #tpu.memory_space<vmem>>
    %dma_start3A_19 = tpu.memref_squeeze %dma_start3A_18 : memref<1x1x128xi32, #tpu.memory_space<vmem>> -> memref<128xi32, #tpu.memory_space<vmem>>
    %dma_start3A_20 = arith.constant 0 : i32
    %dma_start3A_21 = tpu.memref_slice %arg3[%dma_start3A, %add3A_9, %dma_start3A_20] : memref<2x2528x128xi32, #tpu.memory_space<hbm>> -> memref<1x1x128xi32, #tpu.memory_space<hbm>>
    %dma_start3A_22 = tpu.memref_squeeze %dma_start3A_21 : memref<1x1x128xi32, #tpu.memory_space<hbm>> -> memref<128xi32, #tpu.memory_space<hbm>>
    tpu.enqueue_dma source(%dma_start3A_22 : memref<128xi32, #tpu.memory_space<hbm>>) target(%dma_start3A_19 : memref<128xi32, #tpu.memory_space<vmem>>) target_semaphore(%arg10 : memref<!tpu.dma_semaphore, #tpu.memory_space<semaphore_mem>>)
    %add3A_23 = arith.constant 0 : i32
    %add3A_24 = arith.addi %mul3A_5, %add3A_23 : i32
    %dma_start3A_25 = arith.constant 1 : i32
    %dma_start3A_26 = arith.constant 1 : i32
    %dma_start3A_27 = arith.constant 0 : i32
    %dma_start3A_28 = tpu.memref_slice %arg7[%rem3A_7, %dma_start3A_26, %dma_start3A_27] : memref<3x2x128xi32, #tpu.memory_space<vmem>> -> memref<1x1x128xi32, #tpu.memory_space<vmem>>
    %dma_start3A_29 = tpu.memref_squeeze %dma_start3A_28 : memref<1x1x128xi32, #tpu.memory_space<vmem>> -> memref<128xi32, #tpu.memory_space<vmem>>
    %dma_start3A_30 = arith.constant 0 : i32
    %dma_start3A_31 = tpu.memref_slice %arg3[%dma_start3A_25, %add3A_24, %dma_start3A_30] : memref<2x2528x128xi32, #tpu.memory_space<hbm>> -> memref<1x1x128xi32, #tpu.memory_space<hbm>>
    %dma_start3A_32 = tpu.memref_squeeze %dma_start3A_31 : memref<1x1x128xi32, #tpu.memory_space<hbm>> -> memref<128xi32, #tpu.memory_space<hbm>>
    %dma_start3A_33 = arith.constant 0 : i32
    %dma_start3A_34 = tpu.memref_slice %arg7[%rem3A_7, %dma_start3A_26, %dma_start3A_33] : memref<3x2x128xi32, #tpu.memory_space<vmem>> -> memref<1x1x128xi32, #tpu.memory_space<vmem>>
    %dma_start3A_35 = tpu.memref_squeeze %dma_start3A_34 : memref<1x1x128xi32, #tpu.memory_space<vmem>> -> memref<128xi32, #tpu.memory_space<vmem>>
    %dma_start3A_36 = arith.constant 0 : i32
    %dma_start3A_37 = tpu.memref_slice %arg3[%dma_start3A_25, %add3A_24, %dma_start3A_36] : memref<2x2528x128xi32, #tpu.memory_space<hbm>> -> memref<1x1x128xi32, #tpu.memory_space<hbm>>
    %dma_start3A_38 = tpu.memref_squeeze %dma_start3A_37 : memref<1x1x128xi32, #tpu.memory_space<hbm>> -> memref<128xi32, #tpu.memory_space<hbm>>
    tpu.enqueue_dma source(%dma_start3A_38 : memref<128xi32, #tpu.memory_space<hbm>>) target(%dma_start3A_35 : memref<128xi32, #tpu.memory_space<vmem>>) target_semaphore(%arg10 : memref<!tpu.dma_semaphore, #tpu.memory_space<semaphore_mem>>)
    %rem3A_39 = arith.constant 0 : i32
    %rem3A_40 = arith.constant 3 : i32
    %rem3A_41 = arith.remsi %rem3A_39, %rem3A_40 : i32
    %add3A_42 = arith.constant 0 : i32
    %add3A_43 = arith.addi %mul3A_5, %add3A_42 : i32
    %dma_wait3A = arith.constant 0 : i32
    %dma_wait3A_44 = arith.constant 0 : i32
    %dma_wait3A_45 = arith.constant 0 : i32
    %dma_wait3A_46 = tpu.memref_slice %arg7[%rem3A_41, %dma_wait3A_44, %dma_wait3A_45] : memref<3x2x128xi32, #tpu.memory_space<vmem>> -> memref<1x1x128xi32, #tpu.memory_space<vmem>>
    %dma_wait3A_47 = tpu.memref_squeeze %dma_wait3A_46 : memref<1x1x128xi32, #tpu.memory_space<vmem>> -> memref<128xi32, #tpu.memory_space<vmem>>
    %dma_wait3A_48 = arith.constant 0 : i32
    %dma_wait3A_49 = tpu.memref_slice %arg3[%dma_wait3A, %add3A_43, %dma_wait3A_48] : memref<2x2528x128xi32, #tpu.memory_space<hbm>> -> memref<1x1x128xi32, #tpu.memory_space<hbm>>
    %dma_wait3A_50 = tpu.memref_squeeze %dma_wait3A_49 : memref<1x1x128xi32, #tpu.memory_space<hbm>> -> memref<128xi32, #tpu.memory_space<hbm>>
    %dma_wait3A_51 = arith.constant 0 : i32
    %dma_wait3A_52 = tpu.memref_slice %arg7[%rem3A_41, %dma_wait3A_44, %dma_wait3A_51] : memref<3x2x128xi32, #tpu.memory_space<vmem>> -> memref<1x1x128xi32, #tpu.memory_space<vmem>>
    %dma_wait3A_53 = tpu.memref_squeeze %dma_wait3A_52 : memref<1x1x128xi32, #tpu.memory_space<vmem>> -> memref<128xi32, #tpu.memory_space<vmem>>
    %dma_wait3A_54 = arith.constant 0 : i32
    %dma_wait3A_55 = tpu.memref_slice %arg3[%dma_wait3A, %add3A_43, %dma_wait3A_54] : memref<2x2528x128xi32, #tpu.memory_space<hbm>> -> memref<1x1x128xi32, #tpu.memory_space<hbm>>
    %dma_wait3A_56 = tpu.memref_squeeze %dma_wait3A_55 : memref<1x1x128xi32, #tpu.memory_space<hbm>> -> memref<128xi32, #tpu.memory_space<hbm>>
    tpu.wait_dma2 semaphore(%arg10 : memref<!tpu.dma_semaphore, #tpu.memory_space<semaphore_mem>>) src(%dma_wait3A_56 : memref<128xi32, #tpu.memory_space<hbm>>) dst(%dma_wait3A_53 : memref<128xi32, #tpu.memory_space<vmem>>)
    %add3A_57 = arith.constant 0 : i32
    %add3A_58 = arith.addi %mul3A_5, %add3A_57 : i32
    %dma_wait3A_59 = arith.constant 1 : i32
    %dma_wait3A_60 = arith.constant 1 : i32
    %dma_wait3A_61 = arith.constant 0 : i32
    %dma_wait3A_62 = tpu.memref_slice %arg7[%rem3A_41, %dma_wait3A_60, %dma_wait3A_61] : memref<3x2x128xi32, #tpu.memory_space<vmem>> -> memref<1x1x128xi32, #tpu.memory_space<vmem>>
    %dma_wait3A_63 = tpu.memref_squeeze %dma_wait3A_62 : memref<1x1x128xi32, #tpu.memory_space<vmem>> -> memref<128xi32, #tpu.memory_space<vmem>>
    %dma_wait3A_64 = arith.constant 0 : i32
    %dma_wait3A_65 = tpu.memref_slice %arg3[%dma_wait3A_59, %add3A_58, %dma_wait3A_64] : memref<2x2528x128xi32, #tpu.memory_space<hbm>> -> memref<1x1x128xi32, #tpu.memory_space<hbm>>
    %dma_wait3A_66 = tpu.memref_squeeze %dma_wait3A_65 : memref<1x1x128xi32, #tpu.memory_space<hbm>> -> memref<128xi32, #tpu.memory_space<hbm>>
    %dma_wait3A_67 = arith.constant 0 : i32
    %dma_wait3A_68 = tpu.memref_slice %arg7[%rem3A_41, %dma_wait3A_60, %dma_wait3A_67] : memref<3x2x128xi32, #tpu.memory_space<vmem>> -> memref<1x1x128xi32, #tpu.memory_space<vmem>>
    %dma_wait3A_69 = tpu.memref_squeeze %dma_wait3A_68 : memref<1x1x128xi32, #tpu.memory_space<vmem>> -> memref<128xi32, #tpu.memory_space<vmem>>
    %dma_wait3A_70 = arith.constant 0 : i32
    %dma_wait3A_71 = tpu.memref_slice %arg3[%dma_wait3A_59, %add3A_58, %dma_wait3A_70] : memref<2x2528x128xi32, #tpu.memory_space<hbm>> -> memref<1x1x128xi32, #tpu.memory_space<hbm>>
    %dma_wait3A_72 = tpu.memref_squeeze %dma_wait3A_71 : memref<1x1x128xi32, #tpu.memory_space<hbm>> -> memref<128xi32, #tpu.memory_space<hbm>>
    tpu.wait_dma2 semaphore(%arg10 : memref<!tpu.dma_semaphore, #tpu.memory_space<semaphore_mem>>) src(%dma_wait3A_72 : memref<128xi32, #tpu.memory_space<hbm>>) dst(%dma_wait3A_69 : memref<128xi32, #tpu.memory_space<vmem>>)
    %dma_start3A_73 = arith.constant 0 : i32
    %dma_start3A_74 = arith.constant 0 : i32
    %dma_start3A_75 = arith.constant 0 : i32
    %dma_start3A_76 = arith.constant 0 : i32
    %dma_start3A_77 = arith.constant 0 : i32
    %dma_start3A_78 = tpu.memref_slice %arg8[%dma_start3A_75, %dma_start3A_76, %dma_start3A_77] : memref<2x128x128xf32, #tpu.memory_space<vmem>> -> memref<1x128x128xf32, #tpu.memory_space<vmem>>
    %dma_start3A_79 = tpu.memref_squeeze %dma_start3A_78 : memref<1x128x128xf32, #tpu.memory_space<vmem>> -> memref<128x128xf32, #tpu.memory_space<vmem>>
    %dma_start3A_80 = arith.constant 0 : i32
    %dma_start3A_81 = tpu.memref_slice %arg7[%dma_start3A_73, %dma_start3A_74, %dma_start3A_80] : memref<3x2x128xi32, #tpu.memory_space<vmem>> -> memref<1x1x128xi32, #tpu.memory_space<vmem>>
    %dma_start3A_82 = tpu.memref_squeeze %dma_start3A_81 : memref<1x1x128xi32, #tpu.memory_space<vmem>> -> memref<128xi32, #tpu.memory_space<vmem>>
    %dma_start3A_83 = arith.constant 0 : i32
    %dma_start3A_84 = arith.constant 0 : i32
    %dma_start3A_85 = tpu.memref_slice %arg2[%dma_start3A_83, %dma_start3A_84] : memref<10240x128xf32, #tpu.memory_space<hbm>> -> memref<10240x128xf32, #tpu.memory_space<hbm>>
    tpu.enqueue_indirect_dma source(%dma_start3A_85 : memref<10240x128xf32, #tpu.memory_space<hbm>>) target(%dma_start3A_79 : memref<128x128xf32, #tpu.memory_space<vmem>>) offsets(%dma_start3A_82 : memref<128xi32, #tpu.memory_space<vmem>>) semaphore(%arg9 : memref<!tpu.dma_semaphore, #tpu.memory_space<semaphore_mem>>)
    %rem3A_86 = arith.constant 1 : i32
    %rem3A_87 = arith.constant 3 : i32
    %rem3A_88 = arith.remsi %rem3A_86, %rem3A_87 : i32
    %add3A_89 = arith.constant 1 : i32
    %add3A_90 = arith.addi %mul3A_5, %add3A_89 : i32
    %dma_start3A_91 = arith.constant 0 : i32
    %dma_start3A_92 = arith.constant 0 : i32
    %dma_start3A_93 = arith.constant 0 : i32
    %dma_start3A_94 = tpu.memref_slice %arg7[%rem3A_88, %dma_start3A_92, %dma_start3A_93] : memref<3x2x128xi32, #tpu.memory_space<vmem>> -> memref<1x1x128xi32, #tpu.memory_space<vmem>>
    %dma_start3A_95 = tpu.memref_squeeze %dma_start3A_94 : memref<1x1x128xi32, #tpu.memory_space<vmem>> -> memref<128xi32, #tpu.memory_space<vmem>>
    %dma_start3A_96 = arith.constant 0 : i32
    %dma_start3A_97 = tpu.memref_slice %arg3[%dma_start3A_91, %add3A_90, %dma_start3A_96] : memref<2x2528x128xi32, #tpu.memory_space<hbm>> -> memref<1x1x128xi32, #tpu.memory_space<hbm>>
    %dma_start3A_98 = tpu.memref_squeeze %dma_start3A_97 : memref<1x1x128xi32, #tpu.memory_space<hbm>> -> memref<128xi32, #tpu.memory_space<hbm>>
    %dma_start3A_99 = arith.constant 0 : i32
    %dma_start3A_100 = tpu.memref_slice %arg7[%rem3A_88, %dma_start3A_92, %dma_start3A_99] : memref<3x2x128xi32, #tpu.memory_space<vmem>> -> memref<1x1x128xi32, #tpu.memory_space<vmem>>
    %dma_start3A_101 = tpu.memref_squeeze %dma_start3A_100 : memref<1x1x128xi32, #tpu.memory_space<vmem>> -> memref<128xi32, #tpu.memory_space<vmem>>
    %dma_start3A_102 = arith.constant 0 : i32
    %dma_start3A_103 = tpu.memref_slice %arg3[%dma_start3A_91, %add3A_90, %dma_start3A_102] : memref<2x2528x128xi32, #tpu.memory_space<hbm>> -> memref<1x1x128xi32, #tpu.memory_space<hbm>>
    %dma_start3A_104 = tpu.memref_squeeze %dma_start3A_103 : memref<1x1x128xi32, #tpu.memory_space<hbm>> -> memref<128xi32, #tpu.memory_space<hbm>>
    tpu.enqueue_dma source(%dma_start3A_104 : memref<128xi32, #tpu.memory_space<hbm>>) target(%dma_start3A_101 : memref<128xi32, #tpu.memory_space<vmem>>) target_semaphore(%arg10 : memref<!tpu.dma_semaphore, #tpu.memory_space<semaphore_mem>>)
    %add3A_105 = arith.constant 1 : i32
    %add3A_106 = arith.addi %mul3A_5, %add3A_105 : i32
    %dma_start3A_107 = arith.constant 1 : i32
    %dma_start3A_108 = arith.constant 1 : i32
    %dma_start3A_109 = arith.constant 0 : i32
    %dma_start3A_110 = tpu.memref_slice %arg7[%rem3A_88, %dma_start3A_108, %dma_start3A_109] : memref<3x2x128xi32, #tpu.memory_space<vmem>> -> memref<1x1x128xi32, #tpu.memory_space<vmem>>
    %dma_start3A_111 = tpu.memref_squeeze %dma_start3A_110 : memref<1x1x128xi32, #tpu.memory_space<vmem>> -> memref<128xi32, #tpu.memory_space<vmem>>
    %dma_start3A_112 = arith.constant 0 : i32
    %dma_start3A_113 = tpu.memref_slice %arg3[%dma_start3A_107, %add3A_106, %dma_start3A_112] : memref<2x2528x128xi32, #tpu.memory_space<hbm>> -> memref<1x1x128xi32, #tpu.memory_space<hbm>>
    %dma_start3A_114 = tpu.memref_squeeze %dma_start3A_113 : memref<1x1x128xi32, #tpu.memory_space<hbm>> -> memref<128xi32, #tpu.memory_space<hbm>>
    %dma_start3A_115 = arith.constant 0 : i32
    %dma_start3A_116 = tpu.memref_slice %arg7[%rem3A_88, %dma_start3A_108, %dma_start3A_115] : memref<3x2x128xi32, #tpu.memory_space<vmem>> -> memref<1x1x128xi32, #tpu.memory_space<vmem>>
    %dma_start3A_117 = tpu.memref_squeeze %dma_start3A_116 : memref<1x1x128xi32, #tpu.memory_space<vmem>> -> memref<128xi32, #tpu.memory_space<vmem>>
    %dma_start3A_118 = arith.constant 0 : i32
    %dma_start3A_119 = tpu.memref_slice %arg3[%dma_start3A_107, %add3A_106, %dma_start3A_118] : memref<2x2528x128xi32, #tpu.memory_space<hbm>> -> memref<1x1x128xi32, #tpu.memory_space<hbm>>
    %dma_start3A_120 = tpu.memref_squeeze %dma_start3A_119 : memref<1x1x128xi32, #tpu.memory_space<hbm>> -> memref<128xi32, #tpu.memory_space<hbm>>
    tpu.enqueue_dma source(%dma_start3A_120 : memref<128xi32, #tpu.memory_space<hbm>>) target(%dma_start3A_117 : memref<128xi32, #tpu.memory_space<vmem>>) target_semaphore(%arg10 : memref<!tpu.dma_semaphore, #tpu.memory_space<semaphore_mem>>)
    %while3A = arith.constant 0 : i32
    %while3A_121 = arith.constant 0 : i32
    %while3A_122 = arith.constant 1 : i32
    %while3A_123 = arith.constant 0 : i32
    %while3A_124 = arith.constant 39 : i32
    %while3A_125 = arith.subi %while3A_124, %while3A_123 : i32
    %while3A_126 = arith.addi %while3A_123, %while3A_125 : i32
    %while3A_127 = arith.constant 1 : i32
    %while3A_128 = arith.divsi %while3A_125, %while3A_127 : i32
    %while3A_129 = arith.muli %while3A_128, %while3A_127 : i32
    %while3A_130 = arith.addi %while3A_123, %while3A_129 : i32
    %while3A_131 = arith.constant 1 : i32
    scf.for %while3A_210 = %while3A_123 to %while3A_130 step %while3A_131  : i32 {
      %mul3A_211 = arith.constant 2 : i32
      %mul3A_212 = arith.muli %while3A_210, %mul3A_211 : i32
      %rem3A_213 = arith.constant 3 : i32
      %rem3A_214 = arith.remsi %mul3A_212, %rem3A_213 : i32
      %add3A_215 = arith.constant 1 : i32
      %add3A_216 = arith.addi %mul3A_212, %add3A_215 : i32
      %lt3A_217 = arith.constant 79 : i32
      %lt3A_218 = arith.cmpi slt, %add3A_216, %lt3A_217 : i32
      %convert_element_type3A_219 = arith.extui %lt3A_218 : i1 to i32
      %cond3A_220 = arith.constant 0 : i32
      %cond3A_221 = arith.cmpi ne, %convert_element_type3A_219, %cond3A_220 : i32
      scf.if %cond3A_221 {
        %add3A_317 = arith.constant 1 : i32
        %add3A_318 = arith.addi %mul3A_212, %add3A_317 : i32
        %rem3A_319 = arith.constant 3 : i32
        %rem3A_320 = arith.remsi %add3A_318, %rem3A_319 : i32
        %add3A_321 = arith.addi %mul3A_5, %add3A_318 : i32
        %dma_wait3A_322 = arith.constant 0 : i32
        %dma_wait3A_323 = tpu.memref_slice %arg7[%rem3A_320, %while3A_121, %dma_wait3A_322] : memref<3x2x128xi32, #tpu.memory_space<vmem>> -> memref<1x1x128xi32, #tpu.memory_space<vmem>>
        %dma_wait3A_324 = tpu.memref_squeeze %dma_wait3A_323 : memref<1x1x128xi32, #tpu.memory_space<vmem>> -> memref<128xi32, #tpu.memory_space<vmem>>
        %dma_wait3A_325 = arith.constant 0 : i32
        %dma_wait3A_326 = tpu.memref_slice %arg3[%while3A_121, %add3A_321, %dma_wait3A_325] : memref<2x2528x128xi32, #tpu.memory_space<hbm>> -> memref<1x1x128xi32, #tpu.memory_space<hbm>>
        %dma_wait3A_327 = tpu.memref_squeeze %dma_wait3A_326 : memref<1x1x128xi32, #tpu.memory_space<hbm>> -> memref<128xi32, #tpu.memory_space<hbm>>
        %dma_wait3A_328 = arith.constant 0 : i32
        %dma_wait3A_329 = tpu.memref_slice %arg7[%rem3A_320, %while3A_121, %dma_wait3A_328] : memref<3x2x128xi32, #tpu.memory_space<vmem>> -> memref<1x1x128xi32, #tpu.memory_space<vmem>>
        %dma_wait3A_330 = tpu.memref_squeeze %dma_wait3A_329 : memref<1x1x128xi32, #tpu.memory_space<vmem>> -> memref<128xi32, #tpu.memory_space<vmem>>
        %dma_wait3A_331 = arith.constant 0 : i32
        %dma_wait3A_332 = tpu.memref_slice %arg3[%while3A_121, %add3A_321, %dma_wait3A_331] : memref<2x2528x128xi32, #tpu.memory_space<hbm>> -> memref<1x1x128xi32, #tpu.memory_space<hbm>>
        %dma_wait3A_333 = tpu.memref_squeeze %dma_wait3A_332 : memref<1x1x128xi32, #tpu.memory_space<hbm>> -> memref<128xi32, #tpu.memory_space<hbm>>
        tpu.wait_dma2 semaphore(%arg10 : memref<!tpu.dma_semaphore, #tpu.memory_space<semaphore_mem>>) src(%dma_wait3A_333 : memref<128xi32, #tpu.memory_space<hbm>>) dst(%dma_wait3A_330 : memref<128xi32, #tpu.memory_space<vmem>>)
        %add3A_334 = arith.addi %mul3A_5, %add3A_318 : i32
        %dma_wait3A_335 = arith.constant 0 : i32
        %dma_wait3A_336 = tpu.memref_slice %arg7[%rem3A_320, %while3A_122, %dma_wait3A_335] : memref<3x2x128xi32, #tpu.memory_space<vmem>> -> memref<1x1x128xi32, #tpu.memory_space<vmem>>
        %dma_wait3A_337 = tpu.memref_squeeze %dma_wait3A_336 : memref<1x1x128xi32, #tpu.memory_space<vmem>> -> memref<128xi32, #tpu.memory_space<vmem>>
        %dma_wait3A_338 = arith.constant 0 : i32
        %dma_wait3A_339 = tpu.memref_slice %arg3[%while3A_122, %add3A_334, %dma_wait3A_338] : memref<2x2528x128xi32, #tpu.memory_space<hbm>> -> memref<1x1x128xi32, #tpu.memory_space<hbm>>
        %dma_wait3A_340 = tpu.memref_squeeze %dma_wait3A_339 : memref<1x1x128xi32, #tpu.memory_space<hbm>> -> memref<128xi32, #tpu.memory_space<hbm>>
        %dma_wait3A_341 = arith.constant 0 : i32
        %dma_wait3A_342 = tpu.memref_slice %arg7[%rem3A_320, %while3A_122, %dma_wait3A_341] : memref<3x2x128xi32, #tpu.memory_space<vmem>> -> memref<1x1x128xi32, #tpu.memory_space<vmem>>
        %dma_wait3A_343 = tpu.memref_squeeze %dma_wait3A_342 : memref<1x1x128xi32, #tpu.memory_space<vmem>> -> memref<128xi32, #tpu.memory_space<vmem>>
        %dma_wait3A_344 = arith.constant 0 : i32
        %dma_wait3A_345 = tpu.memref_slice %arg3[%while3A_122, %add3A_334, %dma_wait3A_344] : memref<2x2528x128xi32, #tpu.memory_space<hbm>> -> memref<1x1x128xi32, #tpu.memory_space<hbm>>
        %dma_wait3A_346 = tpu.memref_squeeze %dma_wait3A_345 : memref<1x1x128xi32, #tpu.memory_space<hbm>> -> memref<128xi32, #tpu.memory_space<hbm>>
        tpu.wait_dma2 semaphore(%arg10 : memref<!tpu.dma_semaphore, #tpu.memory_space<semaphore_mem>>) src(%dma_wait3A_346 : memref<128xi32, #tpu.memory_space<hbm>>) dst(%dma_wait3A_343 : memref<128xi32, #tpu.memory_space<vmem>>)
      } else {
      }
      %dma_wait3A_222 = arith.constant 0 : i32
      %dma_wait3A_223 = arith.constant 0 : i32
      %dma_wait3A_224 = arith.constant 0 : i32
      %dma_wait3A_225 = tpu.memref_slice %arg8[%dma_wait3A_222, %dma_wait3A_223, %dma_wait3A_224] : memref<2x128x128xf32, #tpu.memory_space<vmem>> -> memref<1x128x128xf32, #tpu.memory_space<vmem>>
      %dma_wait3A_226 = tpu.memref_squeeze %dma_wait3A_225 : memref<1x128x128xf32, #tpu.memory_space<vmem>> -> memref<128x128xf32, #tpu.memory_space<vmem>>
      %dma_wait3A_227 = arith.constant 0 : i32
      %dma_wait3A_228 = tpu.memref_slice %arg7[%rem3A_214, %while3A_121, %dma_wait3A_227] : memref<3x2x128xi32, #tpu.memory_space<vmem>> -> memref<1x1x128xi32, #tpu.memory_space<vmem>>
      %dma_wait3A_229 = tpu.memref_squeeze %dma_wait3A_228 : memref<1x1x128xi32, #tpu.memory_space<vmem>> -> memref<128xi32, #tpu.memory_space<vmem>>
      %dma_wait3A_230 = arith.constant 0 : i32
      %dma_wait3A_231 = arith.constant 0 : i32
      %dma_wait3A_232 = tpu.memref_slice %arg2[%dma_wait3A_230, %dma_wait3A_231] : memref<10240x128xf32, #tpu.memory_space<hbm>> -> memref<10240x128xf32, #tpu.memory_space<hbm>>
      tpu.wait_indirect_dma semaphore(%arg9 : memref<!tpu.dma_semaphore, #tpu.memory_space<semaphore_mem>>) src(%dma_wait3A_232 : memref<10240x128xf32, #tpu.memory_space<hbm>>) dst(%dma_wait3A_226 : memref<128x128xf32, #tpu.memory_space<vmem>>)
      %ge3A_233 = arith.constant 1 : i32
      %ge3A_234 = arith.cmpi sge, %mul3A_212, %ge3A_233 : i32
      %convert_element_type3A_235 = arith.extui %ge3A_234 : i1 to i32
      %cond3A_236 = arith.constant 0 : i32
      %cond3A_237 = arith.cmpi ne, %convert_element_type3A_235, %cond3A_236 : i32
      scf.if %cond3A_237 {
        %sub3A = arith.constant 1 : i32
        %sub3A_317 = arith.subi %mul3A_212, %sub3A : i32
        %rem3A_318 = arith.constant 3 : i32
        %rem3A_319 = arith.remsi %sub3A_317, %rem3A_318 : i32
        %dma_wait3A_320 = arith.constant 1 : i32
        %dma_wait3A_321 = arith.constant 0 : i32
        %dma_wait3A_322 = arith.constant 0 : i32
        %dma_wait3A_323 = tpu.memref_slice %arg8[%dma_wait3A_320, %dma_wait3A_321, %dma_wait3A_322] : memref<2x128x128xf32, #tpu.memory_space<vmem>> -> memref<1x128x128xf32, #tpu.memory_space<vmem>>
        %dma_wait3A_324 = tpu.memref_squeeze %dma_wait3A_323 : memref<1x128x128xf32, #tpu.memory_space<vmem>> -> memref<128x128xf32, #tpu.memory_space<vmem>>
        %dma_wait3A_325 = arith.constant 0 : i32
        %dma_wait3A_326 = tpu.memref_slice %arg7[%rem3A_319, %while3A_122, %dma_wait3A_325] : memref<3x2x128xi32, #tpu.memory_space<vmem>> -> memref<1x1x128xi32, #tpu.memory_space<vmem>>
        %dma_wait3A_327 = tpu.memref_squeeze %dma_wait3A_326 : memref<1x1x128xi32, #tpu.memory_space<vmem>> -> memref<128xi32, #tpu.memory_space<vmem>>
        %dma_wait3A_328 = arith.constant 0 : i32
        %dma_wait3A_329 = arith.constant 0 : i32
        %dma_wait3A_330 = tpu.memref_slice %arg6[%dma_wait3A_328, %dma_wait3A_329] : memref<10240x128xf32, #tpu.memory_space<vmem_shared>> -> memref<10240x128xf32, #tpu.memory_space<vmem_shared>>
        tpu.wait_indirect_dma semaphore(%arg11 : memref<!tpu.dma_semaphore, #tpu.memory_space<semaphore_mem>>) src(%dma_wait3A_324 : memref<128x128xf32, #tpu.memory_space<vmem>>) dst(%dma_wait3A_330 : memref<10240x128xf32, #tpu.memory_space<vmem_shared>>)
      } else {
      }
      %add3A_238 = arith.constant 1 : i32
      %add3A_239 = arith.addi %mul3A_212, %add3A_238 : i32
      %lt3A_240 = arith.constant 79 : i32
      %lt3A_241 = arith.cmpi slt, %add3A_239, %lt3A_240 : i32
      %convert_element_type3A_242 = arith.extui %lt3A_241 : i1 to i32
      %cond3A_243 = arith.constant 0 : i32
      %cond3A_244 = arith.cmpi ne, %convert_element_type3A_242, %cond3A_243 : i32
      scf.if %cond3A_244 {
        %add3A_317 = arith.constant 1 : i32
        %add3A_318 = arith.addi %mul3A_212, %add3A_317 : i32
        %rem3A_319 = arith.constant 3 : i32
        %rem3A_320 = arith.remsi %add3A_318, %rem3A_319 : i32
        %dma_start3A_321 = arith.constant 1 : i32
        %dma_start3A_322 = arith.constant 0 : i32
        %dma_start3A_323 = arith.constant 0 : i32
        %dma_start3A_324 = tpu.memref_slice %arg8[%dma_start3A_321, %dma_start3A_322, %dma_start3A_323] : memref<2x128x128xf32, #tpu.memory_space<vmem>> -> memref<1x128x128xf32, #tpu.memory_space<vmem>>
        %dma_start3A_325 = tpu.memref_squeeze %dma_start3A_324 : memref<1x128x128xf32, #tpu.memory_space<vmem>> -> memref<128x128xf32, #tpu.memory_space<vmem>>
        %dma_start3A_326 = arith.constant 0 : i32
        %dma_start3A_327 = tpu.memref_slice %arg7[%rem3A_320, %while3A_121, %dma_start3A_326] : memref<3x2x128xi32, #tpu.memory_space<vmem>> -> memref<1x1x128xi32, #tpu.memory_space<vmem>>
        %dma_start3A_328 = tpu.memref_squeeze %dma_start3A_327 : memref<1x1x128xi32, #tpu.memory_space<vmem>> -> memref<128xi32, #tpu.memory_space<vmem>>
        %dma_start3A_329 = arith.constant 0 : i32
        %dma_start3A_330 = arith.constant 0 : i32
        %dma_start3A_331 = tpu.memref_slice %arg2[%dma_start3A_329, %dma_start3A_330] : memref<10240x128xf32, #tpu.memory_space<hbm>> -> memref<10240x128xf32, #tpu.memory_space<hbm>>
        tpu.enqueue_indirect_dma source(%dma_start3A_331 : memref<10240x128xf32, #tpu.memory_space<hbm>>) target(%dma_start3A_325 : memref<128x128xf32, #tpu.memory_space<vmem>>) offsets(%dma_start3A_328 : memref<128xi32, #tpu.memory_space<vmem>>) semaphore(%arg9 : memref<!tpu.dma_semaphore, #tpu.memory_space<semaphore_mem>>)
      } else {
      }
      %dma_start3A_245 = arith.constant 0 : i32
      %dma_start3A_246 = arith.constant 0 : i32
      %dma_start3A_247 = arith.constant 0 : i32
      %dma_start3A_248 = tpu.memref_slice %arg8[%dma_start3A_245, %dma_start3A_246, %dma_start3A_247] : memref<2x128x128xf32, #tpu.memory_space<vmem>> -> memref<1x128x128xf32, #tpu.memory_space<vmem>>
      %dma_start3A_249 = tpu.memref_squeeze %dma_start3A_248 : memref<1x128x128xf32, #tpu.memory_space<vmem>> -> memref<128x128xf32, #tpu.memory_space<vmem>>
      %dma_start3A_250 = arith.constant 0 : i32
      %dma_start3A_251 = tpu.memref_slice %arg7[%rem3A_214, %while3A_122, %dma_start3A_250] : memref<3x2x128xi32, #tpu.memory_space<vmem>> -> memref<1x1x128xi32, #tpu.memory_space<vmem>>
      %dma_start3A_252 = tpu.memref_squeeze %dma_start3A_251 : memref<1x1x128xi32, #tpu.memory_space<vmem>> -> memref<128xi32, #tpu.memory_space<vmem>>
      %dma_start3A_253 = arith.constant 0 : i32
      %dma_start3A_254 = arith.constant 0 : i32
      %dma_start3A_255 = tpu.memref_slice %arg6[%dma_start3A_253, %dma_start3A_254] : memref<10240x128xf32, #tpu.memory_space<vmem_shared>> -> memref<10240x128xf32, #tpu.memory_space<vmem_shared>>
      tpu.enqueue_indirect_dma source(%dma_start3A_249 : memref<128x128xf32, #tpu.memory_space<vmem>>) target(%dma_start3A_255 : memref<10240x128xf32, #tpu.memory_space<vmem_shared>>) offsets(%dma_start3A_252 : memref<128xi32, #tpu.memory_space<vmem>>) semaphore(%arg11 : memref<!tpu.dma_semaphore, #tpu.memory_space<semaphore_mem>>) {add = true}
      %add3A_256 = arith.constant 2 : i32
      %add3A_257 = arith.addi %mul3A_212, %add3A_256 : i32
      %lt3A_258 = arith.constant 79 : i32
      %lt3A_259 = arith.cmpi slt, %add3A_257, %lt3A_258 : i32
      %convert_element_type3A_260 = arith.extui %lt3A_259 : i1 to i32
      %cond3A_261 = arith.constant 0 : i32
      %cond3A_262 = arith.cmpi ne, %convert_element_type3A_260, %cond3A_261 : i32
      scf.if %cond3A_262 {
        %add3A_317 = arith.constant 2 : i32
        %add3A_318 = arith.addi %mul3A_212, %add3A_317 : i32
        %rem3A_319 = arith.constant 3 : i32
        %rem3A_320 = arith.remsi %add3A_318, %rem3A_319 : i32
        %add3A_321 = arith.addi %mul3A_5, %add3A_318 : i32
        %dma_start3A_322 = arith.constant 0 : i32
        %dma_start3A_323 = tpu.memref_slice %arg7[%rem3A_320, %while3A_121, %dma_start3A_322] : memref<3x2x128xi32, #tpu.memory_space<vmem>> -> memref<1x1x128xi32, #tpu.memory_space<vmem>>
        %dma_start3A_324 = tpu.memref_squeeze %dma_start3A_323 : memref<1x1x128xi32, #tpu.memory_space<vmem>> -> memref<128xi32, #tpu.memory_space<vmem>>
        %dma_start3A_325 = arith.constant 0 : i32
        %dma_start3A_326 = tpu.memref_slice %arg3[%while3A_121, %add3A_321, %dma_start3A_325] : memref<2x2528x128xi32, #tpu.memory_space<hbm>> -> memref<1x1x128xi32, #tpu.memory_space<hbm>>
        %dma_start3A_327 = tpu.memref_squeeze %dma_start3A_326 : memref<1x1x128xi32, #tpu.memory_space<hbm>> -> memref<128xi32, #tpu.memory_space<hbm>>
        %dma_start3A_328 = arith.constant 0 : i32
        %dma_start3A_329 = tpu.memref_slice %arg7[%rem3A_320, %while3A_121, %dma_start3A_328] : memref<3x2x128xi32, #tpu.memory_space<vmem>> -> memref<1x1x128xi32, #tpu.memory_space<vmem>>
        %dma_start3A_330 = tpu.memref_squeeze %dma_start3A_329 : memref<1x1x128xi32, #tpu.memory_space<vmem>> -> memref<128xi32, #tpu.memory_space<vmem>>
        %dma_start3A_331 = arith.constant 0 : i32
        %dma_start3A_332 = tpu.memref_slice %arg3[%while3A_121, %add3A_321, %dma_start3A_331] : memref<2x2528x128xi32, #tpu.memory_space<hbm>> -> memref<1x1x128xi32, #tpu.memory_space<hbm>>
        %dma_start3A_333 = tpu.memref_squeeze %dma_start3A_332 : memref<1x1x128xi32, #tpu.memory_space<hbm>> -> memref<128xi32, #tpu.memory_space<hbm>>
        tpu.enqueue_dma source(%dma_start3A_333 : memref<128xi32, #tpu.memory_space<hbm>>) target(%dma_start3A_330 : memref<128xi32, #tpu.memory_space<vmem>>) target_semaphore(%arg10 : memref<!tpu.dma_semaphore, #tpu.memory_space<semaphore_mem>>)
        %add3A_334 = arith.addi %mul3A_5, %add3A_318 : i32
        %dma_start3A_335 = arith.constant 0 : i32
        %dma_start3A_336 = tpu.memref_slice %arg7[%rem3A_320, %while3A_122, %dma_start3A_335] : memref<3x2x128xi32, #tpu.memory_space<vmem>> -> memref<1x1x128xi32, #tpu.memory_space<vmem>>
        %dma_start3A_337 = tpu.memref_squeeze %dma_start3A_336 : memref<1x1x128xi32, #tpu.memory_space<vmem>> -> memref<128xi32, #tpu.memory_space<vmem>>
        %dma_start3A_338 = arith.constant 0 : i32
        %dma_start3A_339 = tpu.memref_slice %arg3[%while3A_122, %add3A_334, %dma_start3A_338] : memref<2x2528x128xi32, #tpu.memory_space<hbm>> -> memref<1x1x128xi32, #tpu.memory_space<hbm>>
        %dma_start3A_340 = tpu.memref_squeeze %dma_start3A_339 : memref<1x1x128xi32, #tpu.memory_space<hbm>> -> memref<128xi32, #tpu.memory_space<hbm>>
        %dma_start3A_341 = arith.constant 0 : i32
        %dma_start3A_342 = tpu.memref_slice %arg7[%rem3A_320, %while3A_122, %dma_start3A_341] : memref<3x2x128xi32, #tpu.memory_space<vmem>> -> memref<1x1x128xi32, #tpu.memory_space<vmem>>
        %dma_start3A_343 = tpu.memref_squeeze %dma_start3A_342 : memref<1x1x128xi32, #tpu.memory_space<vmem>> -> memref<128xi32, #tpu.memory_space<vmem>>
        %dma_start3A_344 = arith.constant 0 : i32
        %dma_start3A_345 = tpu.memref_slice %arg3[%while3A_122, %add3A_334, %dma_start3A_344] : memref<2x2528x128xi32, #tpu.memory_space<hbm>> -> memref<1x1x128xi32, #tpu.memory_space<hbm>>
        %dma_start3A_346 = tpu.memref_squeeze %dma_start3A_345 : memref<1x1x128xi32, #tpu.memory_space<hbm>> -> memref<128xi32, #tpu.memory_space<hbm>>
        tpu.enqueue_dma source(%dma_start3A_346 : memref<128xi32, #tpu.memory_space<hbm>>) target(%dma_start3A_343 : memref<128xi32, #tpu.memory_space<vmem>>) target_semaphore(%arg10 : memref<!tpu.dma_semaphore, #tpu.memory_space<semaphore_mem>>)
      } else {
      }
      %mul3A_263 = arith.constant 2 : i32
      %mul3A_264 = arith.muli %while3A_210, %mul3A_263 : i32
      %add3A_265 = arith.constant 1 : i32
      %add3A_266 = arith.addi %mul3A_264, %add3A_265 : i32
      %rem3A_267 = arith.constant 3 : i32
      %rem3A_268 = arith.remsi %add3A_266, %rem3A_267 : i32
      %add3A_269 = arith.constant 1 : i32
      %add3A_270 = arith.addi %add3A_266, %add3A_269 : i32
      %lt3A_271 = arith.constant 79 : i32
      %lt3A_272 = arith.cmpi slt, %add3A_270, %lt3A_271 : i32
      %convert_element_type3A_273 = arith.extui %lt3A_272 : i1 to i32
      %cond3A_274 = arith.constant 0 : i32
      %cond3A_275 = arith.cmpi ne, %convert_element_type3A_273, %cond3A_274 : i32
      scf.if %cond3A_275 {
        %add3A_317 = arith.constant 1 : i32
        %add3A_318 = arith.addi %add3A_266, %add3A_317 : i32
        %rem3A_319 = arith.constant 3 : i32
        %rem3A_320 = arith.remsi %add3A_318, %rem3A_319 : i32
        %add3A_321 = arith.addi %mul3A_5, %add3A_318 : i32
        %dma_wait3A_322 = arith.constant 0 : i32
        %dma_wait3A_323 = tpu.memref_slice %arg7[%rem3A_320, %while3A_121, %dma_wait3A_322] : memref<3x2x128xi32, #tpu.memory_space<vmem>> -> memref<1x1x128xi32, #tpu.memory_space<vmem>>
        %dma_wait3A_324 = tpu.memref_squeeze %dma_wait3A_323 : memref<1x1x128xi32, #tpu.memory_space<vmem>> -> memref<128xi32, #tpu.memory_space<vmem>>
        %dma_wait3A_325 = arith.constant 0 : i32
        %dma_wait3A_326 = tpu.memref_slice %arg3[%while3A_121, %add3A_321, %dma_wait3A_325] : memref<2x2528x128xi32, #tpu.memory_space<hbm>> -> memref<1x1x128xi32, #tpu.memory_space<hbm>>
        %dma_wait3A_327 = tpu.memref_squeeze %dma_wait3A_326 : memref<1x1x128xi32, #tpu.memory_space<hbm>> -> memref<128xi32, #tpu.memory_space<hbm>>
        %dma_wait3A_328 = arith.constant 0 : i32
        %dma_wait3A_329 = tpu.memref_slice %arg7[%rem3A_320, %while3A_121, %dma_wait3A_328] : memref<3x2x128xi32, #tpu.memory_space<vmem>> -> memref<1x1x128xi32, #tpu.memory_space<vmem>>
        %dma_wait3A_330 = tpu.memref_squeeze %dma_wait3A_329 : memref<1x1x128xi32, #tpu.memory_space<vmem>> -> memref<128xi32, #tpu.memory_space<vmem>>
        %dma_wait3A_331 = arith.constant 0 : i32
        %dma_wait3A_332 = tpu.memref_slice %arg3[%while3A_121, %add3A_321, %dma_wait3A_331] : memref<2x2528x128xi32, #tpu.memory_space<hbm>> -> memref<1x1x128xi32, #tpu.memory_space<hbm>>
        %dma_wait3A_333 = tpu.memref_squeeze %dma_wait3A_332 : memref<1x1x128xi32, #tpu.memory_space<hbm>> -> memref<128xi32, #tpu.memory_space<hbm>>
        tpu.wait_dma2 semaphore(%arg10 : memref<!tpu.dma_semaphore, #tpu.memory_space<semaphore_mem>>) src(%dma_wait3A_333 : memref<128xi32, #tpu.memory_space<hbm>>) dst(%dma_wait3A_330 : memref<128xi32, #tpu.memory_space<vmem>>)
        %add3A_334 = arith.addi %mul3A_5, %add3A_318 : i32
        %dma_wait3A_335 = arith.constant 0 : i32
        %dma_wait3A_336 = tpu.memref_slice %arg7[%rem3A_320, %while3A_122, %dma_wait3A_335] : memref<3x2x128xi32, #tpu.memory_space<vmem>> -> memref<1x1x128xi32, #tpu.memory_space<vmem>>
        %dma_wait3A_337 = tpu.memref_squeeze %dma_wait3A_336 : memref<1x1x128xi32, #tpu.memory_space<vmem>> -> memref<128xi32, #tpu.memory_space<vmem>>
        %dma_wait3A_338 = arith.constant 0 : i32
        %dma_wait3A_339 = tpu.memref_slice %arg3[%while3A_122, %add3A_334, %dma_wait3A_338] : memref<2x2528x128xi32, #tpu.memory_space<hbm>> -> memref<1x1x128xi32, #tpu.memory_space<hbm>>
        %dma_wait3A_340 = tpu.memref_squeeze %dma_wait3A_339 : memref<1x1x128xi32, #tpu.memory_space<hbm>> -> memref<128xi32, #tpu.memory_space<hbm>>
        %dma_wait3A_341 = arith.constant 0 : i32
        %dma_wait3A_342 = tpu.memref_slice %arg7[%rem3A_320, %while3A_122, %dma_wait3A_341] : memref<3x2x128xi32, #tpu.memory_space<vmem>> -> memref<1x1x128xi32, #tpu.memory_space<vmem>>
        %dma_wait3A_343 = tpu.memref_squeeze %dma_wait3A_342 : memref<1x1x128xi32, #tpu.memory_space<vmem>> -> memref<128xi32, #tpu.memory_space<vmem>>
        %dma_wait3A_344 = arith.constant 0 : i32
        %dma_wait3A_345 = tpu.memref_slice %arg3[%while3A_122, %add3A_334, %dma_wait3A_344] : memref<2x2528x128xi32, #tpu.memory_space<hbm>> -> memref<1x1x128xi32, #tpu.memory_space<hbm>>
        %dma_wait3A_346 = tpu.memref_squeeze %dma_wait3A_345 : memref<1x1x128xi32, #tpu.memory_space<hbm>> -> memref<128xi32, #tpu.memory_space<hbm>>
        tpu.wait_dma2 semaphore(%arg10 : memref<!tpu.dma_semaphore, #tpu.memory_space<semaphore_mem>>) src(%dma_wait3A_346 : memref<128xi32, #tpu.memory_space<hbm>>) dst(%dma_wait3A_343 : memref<128xi32, #tpu.memory_space<vmem>>)
      } else {
      }
      %dma_wait3A_276 = arith.constant 1 : i32
      %dma_wait3A_277 = arith.constant 0 : i32
      %dma_wait3A_278 = arith.constant 0 : i32
      %dma_wait3A_279 = tpu.memref_slice %arg8[%dma_wait3A_276, %dma_wait3A_277, %dma_wait3A_278] : memref<2x128x128xf32, #tpu.memory_space<vmem>> -> memref<1x128x128xf32, #tpu.memory_space<vmem>>
      %dma_wait3A_280 = tpu.memref_squeeze %dma_wait3A_279 : memref<1x128x128xf32, #tpu.memory_space<vmem>> -> memref<128x128xf32, #tpu.memory_space<vmem>>
      %dma_wait3A_281 = arith.constant 0 : i32
      %dma_wait3A_282 = tpu.memref_slice %arg7[%rem3A_268, %while3A_121, %dma_wait3A_281] : memref<3x2x128xi32, #tpu.memory_space<vmem>> -> memref<1x1x128xi32, #tpu.memory_space<vmem>>
      %dma_wait3A_283 = tpu.memref_squeeze %dma_wait3A_282 : memref<1x1x128xi32, #tpu.memory_space<vmem>> -> memref<128xi32, #tpu.memory_space<vmem>>
      %dma_wait3A_284 = arith.constant 0 : i32
      %dma_wait3A_285 = arith.constant 0 : i32
      %dma_wait3A_286 = tpu.memref_slice %arg2[%dma_wait3A_284, %dma_wait3A_285] : memref<10240x128xf32, #tpu.memory_space<hbm>> -> memref<10240x128xf32, #tpu.memory_space<hbm>>
      tpu.wait_indirect_dma semaphore(%arg9 : memref<!tpu.dma_semaphore, #tpu.memory_space<semaphore_mem>>) src(%dma_wait3A_286 : memref<10240x128xf32, #tpu.memory_space<hbm>>) dst(%dma_wait3A_280 : memref<128x128xf32, #tpu.memory_space<vmem>>)
      %ge3A_287 = arith.constant 1 : i32
      %ge3A_288 = arith.cmpi sge, %add3A_266, %ge3A_287 : i32
      %convert_element_type3A_289 = arith.extui %ge3A_288 : i1 to i32
      %cond3A_290 = arith.constant 0 : i32
      %cond3A_291 = arith.cmpi ne, %convert_element_type3A_289, %cond3A_290 : i32
      scf.if %cond3A_291 {
        %sub3A = arith.constant 1 : i32
        %sub3A_317 = arith.subi %add3A_266, %sub3A : i32
        %rem3A_318 = arith.constant 3 : i32
        %rem3A_319 = arith.remsi %sub3A_317, %rem3A_318 : i32
        %dma_wait3A_320 = arith.constant 0 : i32
        %dma_wait3A_321 = arith.constant 0 : i32
        %dma_wait3A_322 = arith.constant 0 : i32
        %dma_wait3A_323 = tpu.memref_slice %arg8[%dma_wait3A_320, %dma_wait3A_321, %dma_wait3A_322] : memref<2x128x128xf32, #tpu.memory_space<vmem>> -> memref<1x128x128xf32, #tpu.memory_space<vmem>>
        %dma_wait3A_324 = tpu.memref_squeeze %dma_wait3A_323 : memref<1x128x128xf32, #tpu.memory_space<vmem>> -> memref<128x128xf32, #tpu.memory_space<vmem>>
        %dma_wait3A_325 = arith.constant 0 : i32
        %dma_wait3A_326 = tpu.memref_slice %arg7[%rem3A_319, %while3A_122, %dma_wait3A_325] : memref<3x2x128xi32, #tpu.memory_space<vmem>> -> memref<1x1x128xi32, #tpu.memory_space<vmem>>
        %dma_wait3A_327 = tpu.memref_squeeze %dma_wait3A_326 : memref<1x1x128xi32, #tpu.memory_space<vmem>> -> memref<128xi32, #tpu.memory_space<vmem>>
        %dma_wait3A_328 = arith.constant 0 : i32
        %dma_wait3A_329 = arith.constant 0 : i32
        %dma_wait3A_330 = tpu.memref_slice %arg6[%dma_wait3A_328, %dma_wait3A_329] : memref<10240x128xf32, #tpu.memory_space<vmem_shared>> -> memref<10240x128xf32, #tpu.memory_space<vmem_shared>>
        tpu.wait_indirect_dma semaphore(%arg11 : memref<!tpu.dma_semaphore, #tpu.memory_space<semaphore_mem>>) src(%dma_wait3A_324 : memref<128x128xf32, #tpu.memory_space<vmem>>) dst(%dma_wait3A_330 : memref<10240x128xf32, #tpu.memory_space<vmem_shared>>)
      } else {
      }
      %add3A_292 = arith.constant 1 : i32
      %add3A_293 = arith.addi %add3A_266, %add3A_292 : i32
      %lt3A_294 = arith.constant 79 : i32
      %lt3A_295 = arith.cmpi slt, %add3A_293, %lt3A_294 : i32
      %convert_element_type3A_296 = arith.extui %lt3A_295 : i1 to i32
      %cond3A_297 = arith.constant 0 : i32
      %cond3A_298 = arith.cmpi ne, %convert_element_type3A_296, %cond3A_297 : i32
      scf.if %cond3A_298 {
        %add3A_317 = arith.constant 1 : i32
        %add3A_318 = arith.addi %add3A_266, %add3A_317 : i32
        %rem3A_319 = arith.constant 3 : i32
        %rem3A_320 = arith.remsi %add3A_318, %rem3A_319 : i32
        %dma_start3A_321 = arith.constant 0 : i32
        %dma_start3A_322 = arith.constant 0 : i32
        %dma_start3A_323 = arith.constant 0 : i32
        %dma_start3A_324 = tpu.memref_slice %arg8[%dma_start3A_321, %dma_start3A_322, %dma_start3A_323] : memref<2x128x128xf32, #tpu.memory_space<vmem>> -> memref<1x128x128xf32, #tpu.memory_space<vmem>>
        %dma_start3A_325 = tpu.memref_squeeze %dma_start3A_324 : memref<1x128x128xf32, #tpu.memory_space<vmem>> -> memref<128x128xf32, #tpu.memory_space<vmem>>
        %dma_start3A_326 = arith.constant 0 : i32
        %dma_start3A_327 = tpu.memref_slice %arg7[%rem3A_320, %while3A_121, %dma_start3A_326] : memref<3x2x128xi32, #tpu.memory_space<vmem>> -> memref<1x1x128xi32, #tpu.memory_space<vmem>>
        %dma_start3A_328 = tpu.memref_squeeze %dma_start3A_327 : memref<1x1x128xi32, #tpu.memory_space<vmem>> -> memref<128xi32, #tpu.memory_space<vmem>>
        %dma_start3A_329 = arith.constant 0 : i32
        %dma_start3A_330 = arith.constant 0 : i32
        %dma_start3A_331 = tpu.memref_slice %arg2[%dma_start3A_329, %dma_start3A_330] : memref<10240x128xf32, #tpu.memory_space<hbm>> -> memref<10240x128xf32, #tpu.memory_space<hbm>>
        tpu.enqueue_indirect_dma source(%dma_start3A_331 : memref<10240x128xf32, #tpu.memory_space<hbm>>) target(%dma_start3A_325 : memref<128x128xf32, #tpu.memory_space<vmem>>) offsets(%dma_start3A_328 : memref<128xi32, #tpu.memory_space<vmem>>) semaphore(%arg9 : memref<!tpu.dma_semaphore, #tpu.memory_space<semaphore_mem>>)
      } else {
      }
      %dma_start3A_299 = arith.constant 1 : i32
      %dma_start3A_300 = arith.constant 0 : i32
      %dma_start3A_301 = arith.constant 0 : i32
      %dma_start3A_302 = tpu.memref_slice %arg8[%dma_start3A_299, %dma_start3A_300, %dma_start3A_301] : memref<2x128x128xf32, #tpu.memory_space<vmem>> -> memref<1x128x128xf32, #tpu.memory_space<vmem>>
      %dma_start3A_303 = tpu.memref_squeeze %dma_start3A_302 : memref<1x128x128xf32, #tpu.memory_space<vmem>> -> memref<128x128xf32, #tpu.memory_space<vmem>>
      %dma_start3A_304 = arith.constant 0 : i32
      %dma_start3A_305 = tpu.memref_slice %arg7[%rem3A_268, %while3A_122, %dma_start3A_304] : memref<3x2x128xi32, #tpu.memory_space<vmem>> -> memref<1x1x128xi32, #tpu.memory_space<vmem>>
      %dma_start3A_306 = tpu.memref_squeeze %dma_start3A_305 : memref<1x1x128xi32, #tpu.memory_space<vmem>> -> memref<128xi32, #tpu.memory_space<vmem>>
      %dma_start3A_307 = arith.constant 0 : i32
      %dma_start3A_308 = arith.constant 0 : i32
      %dma_start3A_309 = tpu.memref_slice %arg6[%dma_start3A_307, %dma_start3A_308] : memref<10240x128xf32, #tpu.memory_space<vmem_shared>> -> memref<10240x128xf32, #tpu.memory_space<vmem_shared>>
      tpu.enqueue_indirect_dma source(%dma_start3A_303 : memref<128x128xf32, #tpu.memory_space<vmem>>) target(%dma_start3A_309 : memref<10240x128xf32, #tpu.memory_space<vmem_shared>>) offsets(%dma_start3A_306 : memref<128xi32, #tpu.memory_space<vmem>>) semaphore(%arg11 : memref<!tpu.dma_semaphore, #tpu.memory_space<semaphore_mem>>) {add = true}
      %add3A_310 = arith.constant 2 : i32
      %add3A_311 = arith.addi %add3A_266, %add3A_310 : i32
      %lt3A_312 = arith.constant 79 : i32
      %lt3A_313 = arith.cmpi slt, %add3A_311, %lt3A_312 : i32
      %convert_element_type3A_314 = arith.extui %lt3A_313 : i1 to i32
      %cond3A_315 = arith.constant 0 : i32
      %cond3A_316 = arith.cmpi ne, %convert_element_type3A_314, %cond3A_315 : i32
      scf.if %cond3A_316 {
        %add3A_317 = arith.constant 2 : i32
        %add3A_318 = arith.addi %add3A_266, %add3A_317 : i32
        %rem3A_319 = arith.constant 3 : i32
        %rem3A_320 = arith.remsi %add3A_318, %rem3A_319 : i32
        %add3A_321 = arith.addi %mul3A_5, %add3A_318 : i32
        %dma_start3A_322 = arith.constant 0 : i32
        %dma_start3A_323 = tpu.memref_slice %arg7[%rem3A_320, %while3A_121, %dma_start3A_322] : memref<3x2x128xi32, #tpu.memory_space<vmem>> -> memref<1x1x128xi32, #tpu.memory_space<vmem>>
        %dma_start3A_324 = tpu.memref_squeeze %dma_start3A_323 : memref<1x1x128xi32, #tpu.memory_space<vmem>> -> memref<128xi32, #tpu.memory_space<vmem>>
        %dma_start3A_325 = arith.constant 0 : i32
        %dma_start3A_326 = tpu.memref_slice %arg3[%while3A_121, %add3A_321, %dma_start3A_325] : memref<2x2528x128xi32, #tpu.memory_space<hbm>> -> memref<1x1x128xi32, #tpu.memory_space<hbm>>
        %dma_start3A_327 = tpu.memref_squeeze %dma_start3A_326 : memref<1x1x128xi32, #tpu.memory_space<hbm>> -> memref<128xi32, #tpu.memory_space<hbm>>
        %dma_start3A_328 = arith.constant 0 : i32
        %dma_start3A_329 = tpu.memref_slice %arg7[%rem3A_320, %while3A_121, %dma_start3A_328] : memref<3x2x128xi32, #tpu.memory_space<vmem>> -> memref<1x1x128xi32, #tpu.memory_space<vmem>>
        %dma_start3A_330 = tpu.memref_squeeze %dma_start3A_329 : memref<1x1x128xi32, #tpu.memory_space<vmem>> -> memref<128xi32, #tpu.memory_space<vmem>>
        %dma_start3A_331 = arith.constant 0 : i32
        %dma_start3A_332 = tpu.memref_slice %arg3[%while3A_121, %add3A_321, %dma_start3A_331] : memref<2x2528x128xi32, #tpu.memory_space<hbm>> -> memref<1x1x128xi32, #tpu.memory_space<hbm>>
        %dma_start3A_333 = tpu.memref_squeeze %dma_start3A_332 : memref<1x1x128xi32, #tpu.memory_space<hbm>> -> memref<128xi32, #tpu.memory_space<hbm>>
        tpu.enqueue_dma source(%dma_start3A_333 : memref<128xi32, #tpu.memory_space<hbm>>) target(%dma_start3A_330 : memref<128xi32, #tpu.memory_space<vmem>>) target_semaphore(%arg10 : memref<!tpu.dma_semaphore, #tpu.memory_space<semaphore_mem>>)
        %add3A_334 = arith.addi %mul3A_5, %add3A_318 : i32
        %dma_start3A_335 = arith.constant 0 : i32
        %dma_start3A_336 = tpu.memref_slice %arg7[%rem3A_320, %while3A_122, %dma_start3A_335] : memref<3x2x128xi32, #tpu.memory_space<vmem>> -> memref<1x1x128xi32, #tpu.memory_space<vmem>>
        %dma_start3A_337 = tpu.memref_squeeze %dma_start3A_336 : memref<1x1x128xi32, #tpu.memory_space<vmem>> -> memref<128xi32, #tpu.memory_space<vmem>>
        %dma_start3A_338 = arith.constant 0 : i32
        %dma_start3A_339 = tpu.memref_slice %arg3[%while3A_122, %add3A_334, %dma_start3A_338] : memref<2x2528x128xi32, #tpu.memory_space<hbm>> -> memref<1x1x128xi32, #tpu.memory_space<hbm>>
        %dma_start3A_340 = tpu.memref_squeeze %dma_start3A_339 : memref<1x1x128xi32, #tpu.memory_space<hbm>> -> memref<128xi32, #tpu.memory_space<hbm>>
        %dma_start3A_341 = arith.constant 0 : i32
        %dma_start3A_342 = tpu.memref_slice %arg7[%rem3A_320, %while3A_122, %dma_start3A_341] : memref<3x2x128xi32, #tpu.memory_space<vmem>> -> memref<1x1x128xi32, #tpu.memory_space<vmem>>
        %dma_start3A_343 = tpu.memref_squeeze %dma_start3A_342 : memref<1x1x128xi32, #tpu.memory_space<vmem>> -> memref<128xi32, #tpu.memory_space<vmem>>
        %dma_start3A_344 = arith.constant 0 : i32
        %dma_start3A_345 = tpu.memref_slice %arg3[%while3A_122, %add3A_334, %dma_start3A_344] : memref<2x2528x128xi32, #tpu.memory_space<hbm>> -> memref<1x1x128xi32, #tpu.memory_space<hbm>>
        %dma_start3A_346 = tpu.memref_squeeze %dma_start3A_345 : memref<1x1x128xi32, #tpu.memory_space<hbm>> -> memref<128xi32, #tpu.memory_space<hbm>>
        tpu.enqueue_dma source(%dma_start3A_346 : memref<128xi32, #tpu.memory_space<hbm>>) target(%dma_start3A_343 : memref<128xi32, #tpu.memory_space<vmem>>) target_semaphore(%arg10 : memref<!tpu.dma_semaphore, #tpu.memory_space<semaphore_mem>>)
      } else {
      }
    }
    %while3A_132 = arith.constant 1 : i32
    scf.for %while3A_210 = %while3A_130 to %while3A_126 step %while3A_132  : i32 {
      %mul3A_211 = arith.constant 2 : i32
      %mul3A_212 = arith.muli %while3A_210, %mul3A_211 : i32
      %rem3A_213 = arith.constant 3 : i32
      %rem3A_214 = arith.remsi %mul3A_212, %rem3A_213 : i32
      %add3A_215 = arith.constant 1 : i32
      %add3A_216 = arith.addi %mul3A_212, %add3A_215 : i32
      %lt3A_217 = arith.constant 79 : i32
      %lt3A_218 = arith.cmpi slt, %add3A_216, %lt3A_217 : i32
      %convert_element_type3A_219 = arith.extui %lt3A_218 : i1 to i32
      %cond3A_220 = arith.constant 0 : i32
      %cond3A_221 = arith.cmpi ne, %convert_element_type3A_219, %cond3A_220 : i32
      scf.if %cond3A_221 {
        %add3A_317 = arith.constant 1 : i32
        %add3A_318 = arith.addi %mul3A_212, %add3A_317 : i32
        %rem3A_319 = arith.constant 3 : i32
        %rem3A_320 = arith.remsi %add3A_318, %rem3A_319 : i32
        %add3A_321 = arith.addi %mul3A_5, %add3A_318 : i32
        %dma_wait3A_322 = arith.constant 0 : i32
        %dma_wait3A_323 = tpu.memref_slice %arg7[%rem3A_320, %while3A_121, %dma_wait3A_322] : memref<3x2x128xi32, #tpu.memory_space<vmem>> -> memref<1x1x128xi32, #tpu.memory_space<vmem>>
        %dma_wait3A_324 = tpu.memref_squeeze %dma_wait3A_323 : memref<1x1x128xi32, #tpu.memory_space<vmem>> -> memref<128xi32, #tpu.memory_space<vmem>>
        %dma_wait3A_325 = arith.constant 0 : i32
        %dma_wait3A_326 = tpu.memref_slice %arg3[%while3A_121, %add3A_321, %dma_wait3A_325] : memref<2x2528x128xi32, #tpu.memory_space<hbm>> -> memref<1x1x128xi32, #tpu.memory_space<hbm>>
        %dma_wait3A_327 = tpu.memref_squeeze %dma_wait3A_326 : memref<1x1x128xi32, #tpu.memory_space<hbm>> -> memref<128xi32, #tpu.memory_space<hbm>>
        %dma_wait3A_328 = arith.constant 0 : i32
        %dma_wait3A_329 = tpu.memref_slice %arg7[%rem3A_320, %while3A_121, %dma_wait3A_328] : memref<3x2x128xi32, #tpu.memory_space<vmem>> -> memref<1x1x128xi32, #tpu.memory_space<vmem>>
        %dma_wait3A_330 = tpu.memref_squeeze %dma_wait3A_329 : memref<1x1x128xi32, #tpu.memory_space<vmem>> -> memref<128xi32, #tpu.memory_space<vmem>>
        %dma_wait3A_331 = arith.constant 0 : i32
        %dma_wait3A_332 = tpu.memref_slice %arg3[%while3A_121, %add3A_321, %dma_wait3A_331] : memref<2x2528x128xi32, #tpu.memory_space<hbm>> -> memref<1x1x128xi32, #tpu.memory_space<hbm>>
        %dma_wait3A_333 = tpu.memref_squeeze %dma_wait3A_332 : memref<1x1x128xi32, #tpu.memory_space<hbm>> -> memref<128xi32, #tpu.memory_space<hbm>>
        tpu.wait_dma2 semaphore(%arg10 : memref<!tpu.dma_semaphore, #tpu.memory_space<semaphore_mem>>) src(%dma_wait3A_333 : memref<128xi32, #tpu.memory_space<hbm>>) dst(%dma_wait3A_330 : memref<128xi32, #tpu.memory_space<vmem>>)
        %add3A_334 = arith.addi %mul3A_5, %add3A_318 : i32
        %dma_wait3A_335 = arith.constant 0 : i32
        %dma_wait3A_336 = tpu.memref_slice %arg7[%rem3A_320, %while3A_122, %dma_wait3A_335] : memref<3x2x128xi32, #tpu.memory_space<vmem>> -> memref<1x1x128xi32, #tpu.memory_space<vmem>>
        %dma_wait3A_337 = tpu.memref_squeeze %dma_wait3A_336 : memref<1x1x128xi32, #tpu.memory_space<vmem>> -> memref<128xi32, #tpu.memory_space<vmem>>
        %dma_wait3A_338 = arith.constant 0 : i32
        %dma_wait3A_339 = tpu.memref_slice %arg3[%while3A_122, %add3A_334, %dma_wait3A_338] : memref<2x2528x128xi32, #tpu.memory_space<hbm>> -> memref<1x1x128xi32, #tpu.memory_space<hbm>>
        %dma_wait3A_340 = tpu.memref_squeeze %dma_wait3A_339 : memref<1x1x128xi32, #tpu.memory_space<hbm>> -> memref<128xi32, #tpu.memory_space<hbm>>
        %dma_wait3A_341 = arith.constant 0 : i32
        %dma_wait3A_342 = tpu.memref_slice %arg7[%rem3A_320, %while3A_122, %dma_wait3A_341] : memref<3x2x128xi32, #tpu.memory_space<vmem>> -> memref<1x1x128xi32, #tpu.memory_space<vmem>>
        %dma_wait3A_343 = tpu.memref_squeeze %dma_wait3A_342 : memref<1x1x128xi32, #tpu.memory_space<vmem>> -> memref<128xi32, #tpu.memory_space<vmem>>
        %dma_wait3A_344 = arith.constant 0 : i32
        %dma_wait3A_345 = tpu.memref_slice %arg3[%while3A_122, %add3A_334, %dma_wait3A_344] : memref<2x2528x128xi32, #tpu.memory_space<hbm>> -> memref<1x1x128xi32, #tpu.memory_space<hbm>>
        %dma_wait3A_346 = tpu.memref_squeeze %dma_wait3A_345 : memref<1x1x128xi32, #tpu.memory_space<hbm>> -> memref<128xi32, #tpu.memory_space<hbm>>
        tpu.wait_dma2 semaphore(%arg10 : memref<!tpu.dma_semaphore, #tpu.memory_space<semaphore_mem>>) src(%dma_wait3A_346 : memref<128xi32, #tpu.memory_space<hbm>>) dst(%dma_wait3A_343 : memref<128xi32, #tpu.memory_space<vmem>>)
      } else {
      }
      %dma_wait3A_222 = arith.constant 0 : i32
      %dma_wait3A_223 = arith.constant 0 : i32
      %dma_wait3A_224 = arith.constant 0 : i32
      %dma_wait3A_225 = tpu.memref_slice %arg8[%dma_wait3A_222, %dma_wait3A_223, %dma_wait3A_224] : memref<2x128x128xf32, #tpu.memory_space<vmem>> -> memref<1x128x128xf32, #tpu.memory_space<vmem>>
      %dma_wait3A_226 = tpu.memref_squeeze %dma_wait3A_225 : memref<1x128x128xf32, #tpu.memory_space<vmem>> -> memref<128x128xf32, #tpu.memory_space<vmem>>
      %dma_wait3A_227 = arith.constant 0 : i32
      %dma_wait3A_228 = tpu.memref_slice %arg7[%rem3A_214, %while3A_121, %dma_wait3A_227] : memref<3x2x128xi32, #tpu.memory_space<vmem>> -> memref<1x1x128xi32, #tpu.memory_space<vmem>>
      %dma_wait3A_229 = tpu.memref_squeeze %dma_wait3A_228 : memref<1x1x128xi32, #tpu.memory_space<vmem>> -> memref<128xi32, #tpu.memory_space<vmem>>
      %dma_wait3A_230 = arith.constant 0 : i32
      %dma_wait3A_231 = arith.constant 0 : i32
      %dma_wait3A_232 = tpu.memref_slice %arg2[%dma_wait3A_230, %dma_wait3A_231] : memref<10240x128xf32, #tpu.memory_space<hbm>> -> memref<10240x128xf32, #tpu.memory_space<hbm>>
      tpu.wait_indirect_dma semaphore(%arg9 : memref<!tpu.dma_semaphore, #tpu.memory_space<semaphore_mem>>) src(%dma_wait3A_232 : memref<10240x128xf32, #tpu.memory_space<hbm>>) dst(%dma_wait3A_226 : memref<128x128xf32, #tpu.memory_space<vmem>>)
      %ge3A_233 = arith.constant 1 : i32
      %ge3A_234 = arith.cmpi sge, %mul3A_212, %ge3A_233 : i32
      %convert_element_type3A_235 = arith.extui %ge3A_234 : i1 to i32
      %cond3A_236 = arith.constant 0 : i32
      %cond3A_237 = arith.cmpi ne, %convert_element_type3A_235, %cond3A_236 : i32
      scf.if %cond3A_237 {
        %sub3A = arith.constant 1 : i32
        %sub3A_317 = arith.subi %mul3A_212, %sub3A : i32
        %rem3A_318 = arith.constant 3 : i32
        %rem3A_319 = arith.remsi %sub3A_317, %rem3A_318 : i32
        %dma_wait3A_320 = arith.constant 1 : i32
        %dma_wait3A_321 = arith.constant 0 : i32
        %dma_wait3A_322 = arith.constant 0 : i32
        %dma_wait3A_323 = tpu.memref_slice %arg8[%dma_wait3A_320, %dma_wait3A_321, %dma_wait3A_322] : memref<2x128x128xf32, #tpu.memory_space<vmem>> -> memref<1x128x128xf32, #tpu.memory_space<vmem>>
        %dma_wait3A_324 = tpu.memref_squeeze %dma_wait3A_323 : memref<1x128x128xf32, #tpu.memory_space<vmem>> -> memref<128x128xf32, #tpu.memory_space<vmem>>
        %dma_wait3A_325 = arith.constant 0 : i32
        %dma_wait3A_326 = tpu.memref_slice %arg7[%rem3A_319, %while3A_122, %dma_wait3A_325] : memref<3x2x128xi32, #tpu.memory_space<vmem>> -> memref<1x1x128xi32, #tpu.memory_space<vmem>>
        %dma_wait3A_327 = tpu.memref_squeeze %dma_wait3A_326 : memref<1x1x128xi32, #tpu.memory_space<vmem>> -> memref<128xi32, #tpu.memory_space<vmem>>
        %dma_wait3A_328 = arith.constant 0 : i32
        %dma_wait3A_329 = arith.constant 0 : i32
        %dma_wait3A_330 = tpu.memref_slice %arg6[%dma_wait3A_328, %dma_wait3A_329] : memref<10240x128xf32, #tpu.memory_space<vmem_shared>> -> memref<10240x128xf32, #tpu.memory_space<vmem_shared>>
        tpu.wait_indirect_dma semaphore(%arg11 : memref<!tpu.dma_semaphore, #tpu.memory_space<semaphore_mem>>) src(%dma_wait3A_324 : memref<128x128xf32, #tpu.memory_space<vmem>>) dst(%dma_wait3A_330 : memref<10240x128xf32, #tpu.memory_space<vmem_shared>>)
      } else {
      }
      %add3A_238 = arith.constant 1 : i32
      %add3A_239 = arith.addi %mul3A_212, %add3A_238 : i32
      %lt3A_240 = arith.constant 79 : i32
      %lt3A_241 = arith.cmpi slt, %add3A_239, %lt3A_240 : i32
      %convert_element_type3A_242 = arith.extui %lt3A_241 : i1 to i32
      %cond3A_243 = arith.constant 0 : i32
      %cond3A_244 = arith.cmpi ne, %convert_element_type3A_242, %cond3A_243 : i32
      scf.if %cond3A_244 {
        %add3A_317 = arith.constant 1 : i32
        %add3A_318 = arith.addi %mul3A_212, %add3A_317 : i32
        %rem3A_319 = arith.constant 3 : i32
        %rem3A_320 = arith.remsi %add3A_318, %rem3A_319 : i32
        %dma_start3A_321 = arith.constant 1 : i32
        %dma_start3A_322 = arith.constant 0 : i32
        %dma_start3A_323 = arith.constant 0 : i32
        %dma_start3A_324 = tpu.memref_slice %arg8[%dma_start3A_321, %dma_start3A_322, %dma_start3A_323] : memref<2x128x128xf32, #tpu.memory_space<vmem>> -> memref<1x128x128xf32, #tpu.memory_space<vmem>>
        %dma_start3A_325 = tpu.memref_squeeze %dma_start3A_324 : memref<1x128x128xf32, #tpu.memory_space<vmem>> -> memref<128x128xf32, #tpu.memory_space<vmem>>
        %dma_start3A_326 = arith.constant 0 : i32
        %dma_start3A_327 = tpu.memref_slice %arg7[%rem3A_320, %while3A_121, %dma_start3A_326] : memref<3x2x128xi32, #tpu.memory_space<vmem>> -> memref<1x1x128xi32, #tpu.memory_space<vmem>>
        %dma_start3A_328 = tpu.memref_squeeze %dma_start3A_327 : memref<1x1x128xi32, #tpu.memory_space<vmem>> -> memref<128xi32, #tpu.memory_space<vmem>>
        %dma_start3A_329 = arith.constant 0 : i32
        %dma_start3A_330 = arith.constant 0 : i32
        %dma_start3A_331 = tpu.memref_slice %arg2[%dma_start3A_329, %dma_start3A_330] : memref<10240x128xf32, #tpu.memory_space<hbm>> -> memref<10240x128xf32, #tpu.memory_space<hbm>>
        tpu.enqueue_indirect_dma source(%dma_start3A_331 : memref<10240x128xf32, #tpu.memory_space<hbm>>) target(%dma_start3A_325 : memref<128x128xf32, #tpu.memory_space<vmem>>) offsets(%dma_start3A_328 : memref<128xi32, #tpu.memory_space<vmem>>) semaphore(%arg9 : memref<!tpu.dma_semaphore, #tpu.memory_space<semaphore_mem>>)
      } else {
      }
      %dma_start3A_245 = arith.constant 0 : i32
      %dma_start3A_246 = arith.constant 0 : i32
      %dma_start3A_247 = arith.constant 0 : i32
      %dma_start3A_248 = tpu.memref_slice %arg8[%dma_start3A_245, %dma_start3A_246, %dma_start3A_247] : memref<2x128x128xf32, #tpu.memory_space<vmem>> -> memref<1x128x128xf32, #tpu.memory_space<vmem>>
      %dma_start3A_249 = tpu.memref_squeeze %dma_start3A_248 : memref<1x128x128xf32, #tpu.memory_space<vmem>> -> memref<128x128xf32, #tpu.memory_space<vmem>>
      %dma_start3A_250 = arith.constant 0 : i32
      %dma_start3A_251 = tpu.memref_slice %arg7[%rem3A_214, %while3A_122, %dma_start3A_250] : memref<3x2x128xi32, #tpu.memory_space<vmem>> -> memref<1x1x128xi32, #tpu.memory_space<vmem>>
      %dma_start3A_252 = tpu.memref_squeeze %dma_start3A_251 : memref<1x1x128xi32, #tpu.memory_space<vmem>> -> memref<128xi32, #tpu.memory_space<vmem>>
      %dma_start3A_253 = arith.constant 0 : i32
      %dma_start3A_254 = arith.constant 0 : i32
      %dma_start3A_255 = tpu.memref_slice %arg6[%dma_start3A_253, %dma_start3A_254] : memref<10240x128xf32, #tpu.memory_space<vmem_shared>> -> memref<10240x128xf32, #tpu.memory_space<vmem_shared>>
      tpu.enqueue_indirect_dma source(%dma_start3A_249 : memref<128x128xf32, #tpu.memory_space<vmem>>) target(%dma_start3A_255 : memref<10240x128xf32, #tpu.memory_space<vmem_shared>>) offsets(%dma_start3A_252 : memref<128xi32, #tpu.memory_space<vmem>>) semaphore(%arg11 : memref<!tpu.dma_semaphore, #tpu.memory_space<semaphore_mem>>) {add = true}
      %add3A_256 = arith.constant 2 : i32
      %add3A_257 = arith.addi %mul3A_212, %add3A_256 : i32
      %lt3A_258 = arith.constant 79 : i32
      %lt3A_259 = arith.cmpi slt, %add3A_257, %lt3A_258 : i32
      %convert_element_type3A_260 = arith.extui %lt3A_259 : i1 to i32
      %cond3A_261 = arith.constant 0 : i32
      %cond3A_262 = arith.cmpi ne, %convert_element_type3A_260, %cond3A_261 : i32
      scf.if %cond3A_262 {
        %add3A_317 = arith.constant 2 : i32
        %add3A_318 = arith.addi %mul3A_212, %add3A_317 : i32
        %rem3A_319 = arith.constant 3 : i32
        %rem3A_320 = arith.remsi %add3A_318, %rem3A_319 : i32
        %add3A_321 = arith.addi %mul3A_5, %add3A_318 : i32
        %dma_start3A_322 = arith.constant 0 : i32
        %dma_start3A_323 = tpu.memref_slice %arg7[%rem3A_320, %while3A_121, %dma_start3A_322] : memref<3x2x128xi32, #tpu.memory_space<vmem>> -> memref<1x1x128xi32, #tpu.memory_space<vmem>>
        %dma_start3A_324 = tpu.memref_squeeze %dma_start3A_323 : memref<1x1x128xi32, #tpu.memory_space<vmem>> -> memref<128xi32, #tpu.memory_space<vmem>>
        %dma_start3A_325 = arith.constant 0 : i32
        %dma_start3A_326 = tpu.memref_slice %arg3[%while3A_121, %add3A_321, %dma_start3A_325] : memref<2x2528x128xi32, #tpu.memory_space<hbm>> -> memref<1x1x128xi32, #tpu.memory_space<hbm>>
        %dma_start3A_327 = tpu.memref_squeeze %dma_start3A_326 : memref<1x1x128xi32, #tpu.memory_space<hbm>> -> memref<128xi32, #tpu.memory_space<hbm>>
        %dma_start3A_328 = arith.constant 0 : i32
        %dma_start3A_329 = tpu.memref_slice %arg7[%rem3A_320, %while3A_121, %dma_start3A_328] : memref<3x2x128xi32, #tpu.memory_space<vmem>> -> memref<1x1x128xi32, #tpu.memory_space<vmem>>
        %dma_start3A_330 = tpu.memref_squeeze %dma_start3A_329 : memref<1x1x128xi32, #tpu.memory_space<vmem>> -> memref<128xi32, #tpu.memory_space<vmem>>
        %dma_start3A_331 = arith.constant 0 : i32
        %dma_start3A_332 = tpu.memref_slice %arg3[%while3A_121, %add3A_321, %dma_start3A_331] : memref<2x2528x128xi32, #tpu.memory_space<hbm>> -> memref<1x1x128xi32, #tpu.memory_space<hbm>>
        %dma_start3A_333 = tpu.memref_squeeze %dma_start3A_332 : memref<1x1x128xi32, #tpu.memory_space<hbm>> -> memref<128xi32, #tpu.memory_space<hbm>>
        tpu.enqueue_dma source(%dma_start3A_333 : memref<128xi32, #tpu.memory_space<hbm>>) target(%dma_start3A_330 : memref<128xi32, #tpu.memory_space<vmem>>) target_semaphore(%arg10 : memref<!tpu.dma_semaphore, #tpu.memory_space<semaphore_mem>>)
        %add3A_334 = arith.addi %mul3A_5, %add3A_318 : i32
        %dma_start3A_335 = arith.constant 0 : i32
        %dma_start3A_336 = tpu.memref_slice %arg7[%rem3A_320, %while3A_122, %dma_start3A_335] : memref<3x2x128xi32, #tpu.memory_space<vmem>> -> memref<1x1x128xi32, #tpu.memory_space<vmem>>
        %dma_start3A_337 = tpu.memref_squeeze %dma_start3A_336 : memref<1x1x128xi32, #tpu.memory_space<vmem>> -> memref<128xi32, #tpu.memory_space<vmem>>
        %dma_start3A_338 = arith.constant 0 : i32
        %dma_start3A_339 = tpu.memref_slice %arg3[%while3A_122, %add3A_334, %dma_start3A_338] : memref<2x2528x128xi32, #tpu.memory_space<hbm>> -> memref<1x1x128xi32, #tpu.memory_space<hbm>>
        %dma_start3A_340 = tpu.memref_squeeze %dma_start3A_339 : memref<1x1x128xi32, #tpu.memory_space<hbm>> -> memref<128xi32, #tpu.memory_space<hbm>>
        %dma_start3A_341 = arith.constant 0 : i32
        %dma_start3A_342 = tpu.memref_slice %arg7[%rem3A_320, %while3A_122, %dma_start3A_341] : memref<3x2x128xi32, #tpu.memory_space<vmem>> -> memref<1x1x128xi32, #tpu.memory_space<vmem>>
        %dma_start3A_343 = tpu.memref_squeeze %dma_start3A_342 : memref<1x1x128xi32, #tpu.memory_space<vmem>> -> memref<128xi32, #tpu.memory_space<vmem>>
        %dma_start3A_344 = arith.constant 0 : i32
        %dma_start3A_345 = tpu.memref_slice %arg3[%while3A_122, %add3A_334, %dma_start3A_344] : memref<2x2528x128xi32, #tpu.memory_space<hbm>> -> memref<1x1x128xi32, #tpu.memory_space<hbm>>
        %dma_start3A_346 = tpu.memref_squeeze %dma_start3A_345 : memref<1x1x128xi32, #tpu.memory_space<hbm>> -> memref<128xi32, #tpu.memory_space<hbm>>
        tpu.enqueue_dma source(%dma_start3A_346 : memref<128xi32, #tpu.memory_space<hbm>>) target(%dma_start3A_343 : memref<128xi32, #tpu.memory_space<vmem>>) target_semaphore(%arg10 : memref<!tpu.dma_semaphore, #tpu.memory_space<semaphore_mem>>)
      } else {
      }
      %mul3A_263 = arith.constant 2 : i32
      %mul3A_264 = arith.muli %while3A_210, %mul3A_263 : i32
      %add3A_265 = arith.constant 1 : i32
      %add3A_266 = arith.addi %mul3A_264, %add3A_265 : i32
      %rem3A_267 = arith.constant 3 : i32
      %rem3A_268 = arith.remsi %add3A_266, %rem3A_267 : i32
      %add3A_269 = arith.constant 1 : i32
      %add3A_270 = arith.addi %add3A_266, %add3A_269 : i32
      %lt3A_271 = arith.constant 79 : i32
      %lt3A_272 = arith.cmpi slt, %add3A_270, %lt3A_271 : i32
      %convert_element_type3A_273 = arith.extui %lt3A_272 : i1 to i32
      %cond3A_274 = arith.constant 0 : i32
      %cond3A_275 = arith.cmpi ne, %convert_element_type3A_273, %cond3A_274 : i32
      scf.if %cond3A_275 {
        %add3A_317 = arith.constant 1 : i32
        %add3A_318 = arith.addi %add3A_266, %add3A_317 : i32
        %rem3A_319 = arith.constant 3 : i32
        %rem3A_320 = arith.remsi %add3A_318, %rem3A_319 : i32
        %add3A_321 = arith.addi %mul3A_5, %add3A_318 : i32
        %dma_wait3A_322 = arith.constant 0 : i32
        %dma_wait3A_323 = tpu.memref_slice %arg7[%rem3A_320, %while3A_121, %dma_wait3A_322] : memref<3x2x128xi32, #tpu.memory_space<vmem>> -> memref<1x1x128xi32, #tpu.memory_space<vmem>>
        %dma_wait3A_324 = tpu.memref_squeeze %dma_wait3A_323 : memref<1x1x128xi32, #tpu.memory_space<vmem>> -> memref<128xi32, #tpu.memory_space<vmem>>
        %dma_wait3A_325 = arith.constant 0 : i32
        %dma_wait3A_326 = tpu.memref_slice %arg3[%while3A_121, %add3A_321, %dma_wait3A_325] : memref<2x2528x128xi32, #tpu.memory_space<hbm>> -> memref<1x1x128xi32, #tpu.memory_space<hbm>>
        %dma_wait3A_327 = tpu.memref_squeeze %dma_wait3A_326 : memref<1x1x128xi32, #tpu.memory_space<hbm>> -> memref<128xi32, #tpu.memory_space<hbm>>
        %dma_wait3A_328 = arith.constant 0 : i32
        %dma_wait3A_329 = tpu.memref_slice %arg7[%rem3A_320, %while3A_121, %dma_wait3A_328] : memref<3x2x128xi32, #tpu.memory_space<vmem>> -> memref<1x1x128xi32, #tpu.memory_space<vmem>>
        %dma_wait3A_330 = tpu.memref_squeeze %dma_wait3A_329 : memref<1x1x128xi32, #tpu.memory_space<vmem>> -> memref<128xi32, #tpu.memory_space<vmem>>
        %dma_wait3A_331 = arith.constant 0 : i32
        %dma_wait3A_332 = tpu.memref_slice %arg3[%while3A_121, %add3A_321, %dma_wait3A_331] : memref<2x2528x128xi32, #tpu.memory_space<hbm>> -> memref<1x1x128xi32, #tpu.memory_space<hbm>>
        %dma_wait3A_333 = tpu.memref_squeeze %dma_wait3A_332 : memref<1x1x128xi32, #tpu.memory_space<hbm>> -> memref<128xi32, #tpu.memory_space<hbm>>
        tpu.wait_dma2 semaphore(%arg10 : memref<!tpu.dma_semaphore, #tpu.memory_space<semaphore_mem>>) src(%dma_wait3A_333 : memref<128xi32, #tpu.memory_space<hbm>>) dst(%dma_wait3A_330 : memref<128xi32, #tpu.memory_space<vmem>>)
        %add3A_334 = arith.addi %mul3A_5, %add3A_318 : i32
        %dma_wait3A_335 = arith.constant 0 : i32
        %dma_wait3A_336 = tpu.memref_slice %arg7[%rem3A_320, %while3A_122, %dma_wait3A_335] : memref<3x2x128xi32, #tpu.memory_space<vmem>> -> memref<1x1x128xi32, #tpu.memory_space<vmem>>
        %dma_wait3A_337 = tpu.memref_squeeze %dma_wait3A_336 : memref<1x1x128xi32, #tpu.memory_space<vmem>> -> memref<128xi32, #tpu.memory_space<vmem>>
        %dma_wait3A_338 = arith.constant 0 : i32
        %dma_wait3A_339 = tpu.memref_slice %arg3[%while3A_122, %add3A_334, %dma_wait3A_338] : memref<2x2528x128xi32, #tpu.memory_space<hbm>> -> memref<1x1x128xi32, #tpu.memory_space<hbm>>
        %dma_wait3A_340 = tpu.memref_squeeze %dma_wait3A_339 : memref<1x1x128xi32, #tpu.memory_space<hbm>> -> memref<128xi32, #tpu.memory_space<hbm>>
        %dma_wait3A_341 = arith.constant 0 : i32
        %dma_wait3A_342 = tpu.memref_slice %arg7[%rem3A_320, %while3A_122, %dma_wait3A_341] : memref<3x2x128xi32, #tpu.memory_space<vmem>> -> memref<1x1x128xi32, #tpu.memory_space<vmem>>
        %dma_wait3A_343 = tpu.memref_squeeze %dma_wait3A_342 : memref<1x1x128xi32, #tpu.memory_space<vmem>> -> memref<128xi32, #tpu.memory_space<vmem>>
        %dma_wait3A_344 = arith.constant 0 : i32
        %dma_wait3A_345 = tpu.memref_slice %arg3[%while3A_122, %add3A_334, %dma_wait3A_344] : memref<2x2528x128xi32, #tpu.memory_space<hbm>> -> memref<1x1x128xi32, #tpu.memory_space<hbm>>
        %dma_wait3A_346 = tpu.memref_squeeze %dma_wait3A_345 : memref<1x1x128xi32, #tpu.memory_space<hbm>> -> memref<128xi32, #tpu.memory_space<hbm>>
        tpu.wait_dma2 semaphore(%arg10 : memref<!tpu.dma_semaphore, #tpu.memory_space<semaphore_mem>>) src(%dma_wait3A_346 : memref<128xi32, #tpu.memory_space<hbm>>) dst(%dma_wait3A_343 : memref<128xi32, #tpu.memory_space<vmem>>)
      } else {
      }
      %dma_wait3A_276 = arith.constant 1 : i32
      %dma_wait3A_277 = arith.constant 0 : i32
      %dma_wait3A_278 = arith.constant 0 : i32
      %dma_wait3A_279 = tpu.memref_slice %arg8[%dma_wait3A_276, %dma_wait3A_277, %dma_wait3A_278] : memref<2x128x128xf32, #tpu.memory_space<vmem>> -> memref<1x128x128xf32, #tpu.memory_space<vmem>>
      %dma_wait3A_280 = tpu.memref_squeeze %dma_wait3A_279 : memref<1x128x128xf32, #tpu.memory_space<vmem>> -> memref<128x128xf32, #tpu.memory_space<vmem>>
      %dma_wait3A_281 = arith.constant 0 : i32
      %dma_wait3A_282 = tpu.memref_slice %arg7[%rem3A_268, %while3A_121, %dma_wait3A_281] : memref<3x2x128xi32, #tpu.memory_space<vmem>> -> memref<1x1x128xi32, #tpu.memory_space<vmem>>
      %dma_wait3A_283 = tpu.memref_squeeze %dma_wait3A_282 : memref<1x1x128xi32, #tpu.memory_space<vmem>> -> memref<128xi32, #tpu.memory_space<vmem>>
      %dma_wait3A_284 = arith.constant 0 : i32
      %dma_wait3A_285 = arith.constant 0 : i32
      %dma_wait3A_286 = tpu.memref_slice %arg2[%dma_wait3A_284, %dma_wait3A_285] : memref<10240x128xf32, #tpu.memory_space<hbm>> -> memref<10240x128xf32, #tpu.memory_space<hbm>>
      tpu.wait_indirect_dma semaphore(%arg9 : memref<!tpu.dma_semaphore, #tpu.memory_space<semaphore_mem>>) src(%dma_wait3A_286 : memref<10240x128xf32, #tpu.memory_space<hbm>>) dst(%dma_wait3A_280 : memref<128x128xf32, #tpu.memory_space<vmem>>)
      %ge3A_287 = arith.constant 1 : i32
      %ge3A_288 = arith.cmpi sge, %add3A_266, %ge3A_287 : i32
      %convert_element_type3A_289 = arith.extui %ge3A_288 : i1 to i32
      %cond3A_290 = arith.constant 0 : i32
      %cond3A_291 = arith.cmpi ne, %convert_element_type3A_289, %cond3A_290 : i32
      scf.if %cond3A_291 {
        %sub3A = arith.constant 1 : i32
        %sub3A_317 = arith.subi %add3A_266, %sub3A : i32
        %rem3A_318 = arith.constant 3 : i32
        %rem3A_319 = arith.remsi %sub3A_317, %rem3A_318 : i32
        %dma_wait3A_320 = arith.constant 0 : i32
        %dma_wait3A_321 = arith.constant 0 : i32
        %dma_wait3A_322 = arith.constant 0 : i32
        %dma_wait3A_323 = tpu.memref_slice %arg8[%dma_wait3A_320, %dma_wait3A_321, %dma_wait3A_322] : memref<2x128x128xf32, #tpu.memory_space<vmem>> -> memref<1x128x128xf32, #tpu.memory_space<vmem>>
        %dma_wait3A_324 = tpu.memref_squeeze %dma_wait3A_323 : memref<1x128x128xf32, #tpu.memory_space<vmem>> -> memref<128x128xf32, #tpu.memory_space<vmem>>
        %dma_wait3A_325 = arith.constant 0 : i32
        %dma_wait3A_326 = tpu.memref_slice %arg7[%rem3A_319, %while3A_122, %dma_wait3A_325] : memref<3x2x128xi32, #tpu.memory_space<vmem>> -> memref<1x1x128xi32, #tpu.memory_space<vmem>>
        %dma_wait3A_327 = tpu.memref_squeeze %dma_wait3A_326 : memref<1x1x128xi32, #tpu.memory_space<vmem>> -> memref<128xi32, #tpu.memory_space<vmem>>
        %dma_wait3A_328 = arith.constant 0 : i32
        %dma_wait3A_329 = arith.constant 0 : i32
        %dma_wait3A_330 = tpu.memref_slice %arg6[%dma_wait3A_328, %dma_wait3A_329] : memref<10240x128xf32, #tpu.memory_space<vmem_shared>> -> memref<10240x128xf32, #tpu.memory_space<vmem_shared>>
        tpu.wait_indirect_dma semaphore(%arg11 : memref<!tpu.dma_semaphore, #tpu.memory_space<semaphore_mem>>) src(%dma_wait3A_324 : memref<128x128xf32, #tpu.memory_space<vmem>>) dst(%dma_wait3A_330 : memref<10240x128xf32, #tpu.memory_space<vmem_shared>>)
      } else {
      }
      %add3A_292 = arith.constant 1 : i32
      %add3A_293 = arith.addi %add3A_266, %add3A_292 : i32
      %lt3A_294 = arith.constant 79 : i32
      %lt3A_295 = arith.cmpi slt, %add3A_293, %lt3A_294 : i32
      %convert_element_type3A_296 = arith.extui %lt3A_295 : i1 to i32
      %cond3A_297 = arith.constant 0 : i32
      %cond3A_298 = arith.cmpi ne, %convert_element_type3A_296, %cond3A_297 : i32
      scf.if %cond3A_298 {
        %add3A_317 = arith.constant 1 : i32
        %add3A_318 = arith.addi %add3A_266, %add3A_317 : i32
        %rem3A_319 = arith.constant 3 : i32
        %rem3A_320 = arith.remsi %add3A_318, %rem3A_319 : i32
        %dma_start3A_321 = arith.constant 0 : i32
        %dma_start3A_322 = arith.constant 0 : i32
        %dma_start3A_323 = arith.constant 0 : i32
        %dma_start3A_324 = tpu.memref_slice %arg8[%dma_start3A_321, %dma_start3A_322, %dma_start3A_323] : memref<2x128x128xf32, #tpu.memory_space<vmem>> -> memref<1x128x128xf32, #tpu.memory_space<vmem>>
        %dma_start3A_325 = tpu.memref_squeeze %dma_start3A_324 : memref<1x128x128xf32, #tpu.memory_space<vmem>> -> memref<128x128xf32, #tpu.memory_space<vmem>>
        %dma_start3A_326 = arith.constant 0 : i32
        %dma_start3A_327 = tpu.memref_slice %arg7[%rem3A_320, %while3A_121, %dma_start3A_326] : memref<3x2x128xi32, #tpu.memory_space<vmem>> -> memref<1x1x128xi32, #tpu.memory_space<vmem>>
        %dma_start3A_328 = tpu.memref_squeeze %dma_start3A_327 : memref<1x1x128xi32, #tpu.memory_space<vmem>> -> memref<128xi32, #tpu.memory_space<vmem>>
        %dma_start3A_329 = arith.constant 0 : i32
        %dma_start3A_330 = arith.constant 0 : i32
        %dma_start3A_331 = tpu.memref_slice %arg2[%dma_start3A_329, %dma_start3A_330] : memref<10240x128xf32, #tpu.memory_space<hbm>> -> memref<10240x128xf32, #tpu.memory_space<hbm>>
        tpu.enqueue_indirect_dma source(%dma_start3A_331 : memref<10240x128xf32, #tpu.memory_space<hbm>>) target(%dma_start3A_325 : memref<128x128xf32, #tpu.memory_space<vmem>>) offsets(%dma_start3A_328 : memref<128xi32, #tpu.memory_space<vmem>>) semaphore(%arg9 : memref<!tpu.dma_semaphore, #tpu.memory_space<semaphore_mem>>)
      } else {
      }
      %dma_start3A_299 = arith.constant 1 : i32
      %dma_start3A_300 = arith.constant 0 : i32
      %dma_start3A_301 = arith.constant 0 : i32
      %dma_start3A_302 = tpu.memref_slice %arg8[%dma_start3A_299, %dma_start3A_300, %dma_start3A_301] : memref<2x128x128xf32, #tpu.memory_space<vmem>> -> memref<1x128x128xf32, #tpu.memory_space<vmem>>
      %dma_start3A_303 = tpu.memref_squeeze %dma_start3A_302 : memref<1x128x128xf32, #tpu.memory_space<vmem>> -> memref<128x128xf32, #tpu.memory_space<vmem>>
      %dma_start3A_304 = arith.constant 0 : i32
      %dma_start3A_305 = tpu.memref_slice %arg7[%rem3A_268, %while3A_122, %dma_start3A_304] : memref<3x2x128xi32, #tpu.memory_space<vmem>> -> memref<1x1x128xi32, #tpu.memory_space<vmem>>
      %dma_start3A_306 = tpu.memref_squeeze %dma_start3A_305 : memref<1x1x128xi32, #tpu.memory_space<vmem>> -> memref<128xi32, #tpu.memory_space<vmem>>
      %dma_start3A_307 = arith.constant 0 : i32
      %dma_start3A_308 = arith.constant 0 : i32
      %dma_start3A_309 = tpu.memref_slice %arg6[%dma_start3A_307, %dma_start3A_308] : memref<10240x128xf32, #tpu.memory_space<vmem_shared>> -> memref<10240x128xf32, #tpu.memory_space<vmem_shared>>
      tpu.enqueue_indirect_dma source(%dma_start3A_303 : memref<128x128xf32, #tpu.memory_space<vmem>>) target(%dma_start3A_309 : memref<10240x128xf32, #tpu.memory_space<vmem_shared>>) offsets(%dma_start3A_306 : memref<128xi32, #tpu.memory_space<vmem>>) semaphore(%arg11 : memref<!tpu.dma_semaphore, #tpu.memory_space<semaphore_mem>>) {add = true}
      %add3A_310 = arith.constant 2 : i32
      %add3A_311 = arith.addi %add3A_266, %add3A_310 : i32
      %lt3A_312 = arith.constant 79 : i32
      %lt3A_313 = arith.cmpi slt, %add3A_311, %lt3A_312 : i32
      %convert_element_type3A_314 = arith.extui %lt3A_313 : i1 to i32
      %cond3A_315 = arith.constant 0 : i32
      %cond3A_316 = arith.cmpi ne, %convert_element_type3A_314, %cond3A_315 : i32
      scf.if %cond3A_316 {
        %add3A_317 = arith.constant 2 : i32
        %add3A_318 = arith.addi %add3A_266, %add3A_317 : i32
        %rem3A_319 = arith.constant 3 : i32
        %rem3A_320 = arith.remsi %add3A_318, %rem3A_319 : i32
        %add3A_321 = arith.addi %mul3A_5, %add3A_318 : i32
        %dma_start3A_322 = arith.constant 0 : i32
        %dma_start3A_323 = tpu.memref_slice %arg7[%rem3A_320, %while3A_121, %dma_start3A_322] : memref<3x2x128xi32, #tpu.memory_space<vmem>> -> memref<1x1x128xi32, #tpu.memory_space<vmem>>
        %dma_start3A_324 = tpu.memref_squeeze %dma_start3A_323 : memref<1x1x128xi32, #tpu.memory_space<vmem>> -> memref<128xi32, #tpu.memory_space<vmem>>
        %dma_start3A_325 = arith.constant 0 : i32
        %dma_start3A_326 = tpu.memref_slice %arg3[%while3A_121, %add3A_321, %dma_start3A_325] : memref<2x2528x128xi32, #tpu.memory_space<hbm>> -> memref<1x1x128xi32, #tpu.memory_space<hbm>>
        %dma_start3A_327 = tpu.memref_squeeze %dma_start3A_326 : memref<1x1x128xi32, #tpu.memory_space<hbm>> -> memref<128xi32, #tpu.memory_space<hbm>>
        %dma_start3A_328 = arith.constant 0 : i32
        %dma_start3A_329 = tpu.memref_slice %arg7[%rem3A_320, %while3A_121, %dma_start3A_328] : memref<3x2x128xi32, #tpu.memory_space<vmem>> -> memref<1x1x128xi32, #tpu.memory_space<vmem>>
        %dma_start3A_330 = tpu.memref_squeeze %dma_start3A_329 : memref<1x1x128xi32, #tpu.memory_space<vmem>> -> memref<128xi32, #tpu.memory_space<vmem>>
        %dma_start3A_331 = arith.constant 0 : i32
        %dma_start3A_332 = tpu.memref_slice %arg3[%while3A_121, %add3A_321, %dma_start3A_331] : memref<2x2528x128xi32, #tpu.memory_space<hbm>> -> memref<1x1x128xi32, #tpu.memory_space<hbm>>
        %dma_start3A_333 = tpu.memref_squeeze %dma_start3A_332 : memref<1x1x128xi32, #tpu.memory_space<hbm>> -> memref<128xi32, #tpu.memory_space<hbm>>
        tpu.enqueue_dma source(%dma_start3A_333 : memref<128xi32, #tpu.memory_space<hbm>>) target(%dma_start3A_330 : memref<128xi32, #tpu.memory_space<vmem>>) target_semaphore(%arg10 : memref<!tpu.dma_semaphore, #tpu.memory_space<semaphore_mem>>)
        %add3A_334 = arith.addi %mul3A_5, %add3A_318 : i32
        %dma_start3A_335 = arith.constant 0 : i32
        %dma_start3A_336 = tpu.memref_slice %arg7[%rem3A_320, %while3A_122, %dma_start3A_335] : memref<3x2x128xi32, #tpu.memory_space<vmem>> -> memref<1x1x128xi32, #tpu.memory_space<vmem>>
        %dma_start3A_337 = tpu.memref_squeeze %dma_start3A_336 : memref<1x1x128xi32, #tpu.memory_space<vmem>> -> memref<128xi32, #tpu.memory_space<vmem>>
        %dma_start3A_338 = arith.constant 0 : i32
        %dma_start3A_339 = tpu.memref_slice %arg3[%while3A_122, %add3A_334, %dma_start3A_338] : memref<2x2528x128xi32, #tpu.memory_space<hbm>> -> memref<1x1x128xi32, #tpu.memory_space<hbm>>
        %dma_start3A_340 = tpu.memref_squeeze %dma_start3A_339 : memref<1x1x128xi32, #tpu.memory_space<hbm>> -> memref<128xi32, #tpu.memory_space<hbm>>
        %dma_start3A_341 = arith.constant 0 : i32
        %dma_start3A_342 = tpu.memref_slice %arg7[%rem3A_320, %while3A_122, %dma_start3A_341] : memref<3x2x128xi32, #tpu.memory_space<vmem>> -> memref<1x1x128xi32, #tpu.memory_space<vmem>>
        %dma_start3A_343 = tpu.memref_squeeze %dma_start3A_342 : memref<1x1x128xi32, #tpu.memory_space<vmem>> -> memref<128xi32, #tpu.memory_space<vmem>>
        %dma_start3A_344 = arith.constant 0 : i32
        %dma_start3A_345 = tpu.memref_slice %arg3[%while3A_122, %add3A_334, %dma_start3A_344] : memref<2x2528x128xi32, #tpu.memory_space<hbm>> -> memref<1x1x128xi32, #tpu.memory_space<hbm>>
        %dma_start3A_346 = tpu.memref_squeeze %dma_start3A_345 : memref<1x1x128xi32, #tpu.memory_space<hbm>> -> memref<128xi32, #tpu.memory_space<hbm>>
        tpu.enqueue_dma source(%dma_start3A_346 : memref<128xi32, #tpu.memory_space<hbm>>) target(%dma_start3A_343 : memref<128xi32, #tpu.memory_space<vmem>>) target_semaphore(%arg10 : memref<!tpu.dma_semaphore, #tpu.memory_space<semaphore_mem>>)
      } else {
      }
    }
    %rem3A_133 = arith.constant 78 : i32
    %rem3A_134 = arith.constant 3 : i32
    %rem3A_135 = arith.remsi %rem3A_133, %rem3A_134 : i32
    %add3A_136 = arith.constant 78 : i32
    %add3A_137 = arith.constant 1 : i32
    %add3A_138 = arith.addi %add3A_136, %add3A_137 : i32
    %lt3A = arith.constant 79 : i32
    %lt3A_139 = arith.cmpi slt, %add3A_138, %lt3A : i32
    %convert_element_type3A = arith.extui %lt3A_139 : i1 to i32
    %cond3A = arith.constant 78 : i32
    %cond3A_140 = arith.constant 0 : i32
    %cond3A_141 = arith.constant 1 : i32
    %cond3A_142 = arith.constant 0 : i32
    %cond3A_143 = arith.cmpi ne, %convert_element_type3A, %cond3A_142 : i32
    scf.if %cond3A_143 {
      %add3A_210 = arith.constant 1 : i32
      %add3A_211 = arith.addi %cond3A, %add3A_210 : i32
      %rem3A_212 = arith.constant 3 : i32
      %rem3A_213 = arith.remsi %add3A_211, %rem3A_212 : i32
      %add3A_214 = arith.addi %mul3A_5, %add3A_211 : i32
      %dma_wait3A_215 = arith.constant 0 : i32
      %dma_wait3A_216 = tpu.memref_slice %arg7[%rem3A_213, %cond3A_140, %dma_wait3A_215] : memref<3x2x128xi32, #tpu.memory_space<vmem>> -> memref<1x1x128xi32, #tpu.memory_space<vmem>>
      %dma_wait3A_217 = tpu.memref_squeeze %dma_wait3A_216 : memref<1x1x128xi32, #tpu.memory_space<vmem>> -> memref<128xi32, #tpu.memory_space<vmem>>
      %dma_wait3A_218 = arith.constant 0 : i32
      %dma_wait3A_219 = tpu.memref_slice %arg3[%cond3A_140, %add3A_214, %dma_wait3A_218] : memref<2x2528x128xi32, #tpu.memory_space<hbm>> -> memref<1x1x128xi32, #tpu.memory_space<hbm>>
      %dma_wait3A_220 = tpu.memref_squeeze %dma_wait3A_219 : memref<1x1x128xi32, #tpu.memory_space<hbm>> -> memref<128xi32, #tpu.memory_space<hbm>>
      %dma_wait3A_221 = arith.constant 0 : i32
      %dma_wait3A_222 = tpu.memref_slice %arg7[%rem3A_213, %cond3A_140, %dma_wait3A_221] : memref<3x2x128xi32, #tpu.memory_space<vmem>> -> memref<1x1x128xi32, #tpu.memory_space<vmem>>
      %dma_wait3A_223 = tpu.memref_squeeze %dma_wait3A_222 : memref<1x1x128xi32, #tpu.memory_space<vmem>> -> memref<128xi32, #tpu.memory_space<vmem>>
      %dma_wait3A_224 = arith.constant 0 : i32
      %dma_wait3A_225 = tpu.memref_slice %arg3[%cond3A_140, %add3A_214, %dma_wait3A_224] : memref<2x2528x128xi32, #tpu.memory_space<hbm>> -> memref<1x1x128xi32, #tpu.memory_space<hbm>>
      %dma_wait3A_226 = tpu.memref_squeeze %dma_wait3A_225 : memref<1x1x128xi32, #tpu.memory_space<hbm>> -> memref<128xi32, #tpu.memory_space<hbm>>
      tpu.wait_dma2 semaphore(%arg10 : memref<!tpu.dma_semaphore, #tpu.memory_space<semaphore_mem>>) src(%dma_wait3A_226 : memref<128xi32, #tpu.memory_space<hbm>>) dst(%dma_wait3A_223 : memref<128xi32, #tpu.memory_space<vmem>>)
      %add3A_227 = arith.addi %mul3A_5, %add3A_211 : i32
      %dma_wait3A_228 = arith.constant 0 : i32
      %dma_wait3A_229 = tpu.memref_slice %arg7[%rem3A_213, %cond3A_141, %dma_wait3A_228] : memref<3x2x128xi32, #tpu.memory_space<vmem>> -> memref<1x1x128xi32, #tpu.memory_space<vmem>>
      %dma_wait3A_230 = tpu.memref_squeeze %dma_wait3A_229 : memref<1x1x128xi32, #tpu.memory_space<vmem>> -> memref<128xi32, #tpu.memory_space<vmem>>
      %dma_wait3A_231 = arith.constant 0 : i32
      %dma_wait3A_232 = tpu.memref_slice %arg3[%cond3A_141, %add3A_227, %dma_wait3A_231] : memref<2x2528x128xi32, #tpu.memory_space<hbm>> -> memref<1x1x128xi32, #tpu.memory_space<hbm>>
      %dma_wait3A_233 = tpu.memref_squeeze %dma_wait3A_232 : memref<1x1x128xi32, #tpu.memory_space<hbm>> -> memref<128xi32, #tpu.memory_space<hbm>>
      %dma_wait3A_234 = arith.constant 0 : i32
      %dma_wait3A_235 = tpu.memref_slice %arg7[%rem3A_213, %cond3A_141, %dma_wait3A_234] : memref<3x2x128xi32, #tpu.memory_space<vmem>> -> memref<1x1x128xi32, #tpu.memory_space<vmem>>
      %dma_wait3A_236 = tpu.memref_squeeze %dma_wait3A_235 : memref<1x1x128xi32, #tpu.memory_space<vmem>> -> memref<128xi32, #tpu.memory_space<vmem>>
      %dma_wait3A_237 = arith.constant 0 : i32
      %dma_wait3A_238 = tpu.memref_slice %arg3[%cond3A_141, %add3A_227, %dma_wait3A_237] : memref<2x2528x128xi32, #tpu.memory_space<hbm>> -> memref<1x1x128xi32, #tpu.memory_space<hbm>>
      %dma_wait3A_239 = tpu.memref_squeeze %dma_wait3A_238 : memref<1x1x128xi32, #tpu.memory_space<hbm>> -> memref<128xi32, #tpu.memory_space<hbm>>
      tpu.wait_dma2 semaphore(%arg10 : memref<!tpu.dma_semaphore, #tpu.memory_space<semaphore_mem>>) src(%dma_wait3A_239 : memref<128xi32, #tpu.memory_space<hbm>>) dst(%dma_wait3A_236 : memref<128xi32, #tpu.memory_space<vmem>>)
    } else {
    }
    %dma_wait3A_144 = arith.constant 0 : i32
    %dma_wait3A_145 = arith.constant 0 : i32
    %dma_wait3A_146 = arith.constant 0 : i32
    %dma_wait3A_147 = arith.constant 0 : i32
    %dma_wait3A_148 = tpu.memref_slice %arg8[%dma_wait3A_145, %dma_wait3A_146, %dma_wait3A_147] : memref<2x128x128xf32, #tpu.memory_space<vmem>> -> memref<1x128x128xf32, #tpu.memory_space<vmem>>
    %dma_wait3A_149 = tpu.memref_squeeze %dma_wait3A_148 : memref<1x128x128xf32, #tpu.memory_space<vmem>> -> memref<128x128xf32, #tpu.memory_space<vmem>>
    %dma_wait3A_150 = arith.constant 0 : i32
    %dma_wait3A_151 = tpu.memref_slice %arg7[%rem3A_135, %dma_wait3A_144, %dma_wait3A_150] : memref<3x2x128xi32, #tpu.memory_space<vmem>> -> memref<1x1x128xi32, #tpu.memory_space<vmem>>
    %dma_wait3A_152 = tpu.memref_squeeze %dma_wait3A_151 : memref<1x1x128xi32, #tpu.memory_space<vmem>> -> memref<128xi32, #tpu.memory_space<vmem>>
    %dma_wait3A_153 = arith.constant 0 : i32
    %dma_wait3A_154 = arith.constant 0 : i32
    %dma_wait3A_155 = tpu.memref_slice %arg2[%dma_wait3A_153, %dma_wait3A_154] : memref<10240x128xf32, #tpu.memory_space<hbm>> -> memref<10240x128xf32, #tpu.memory_space<hbm>>
    tpu.wait_indirect_dma semaphore(%arg9 : memref<!tpu.dma_semaphore, #tpu.memory_space<semaphore_mem>>) src(%dma_wait3A_155 : memref<10240x128xf32, #tpu.memory_space<hbm>>) dst(%dma_wait3A_149 : memref<128x128xf32, #tpu.memory_space<vmem>>)
    %ge3A = arith.constant 78 : i32
    %ge3A_156 = arith.constant 1 : i32
    %ge3A_157 = arith.cmpi sge, %ge3A, %ge3A_156 : i32
    %convert_element_type3A_158 = arith.extui %ge3A_157 : i1 to i32
    %cond3A_159 = arith.constant 78 : i32
    %cond3A_160 = arith.constant 1 : i32
    %cond3A_161 = arith.constant 0 : i32
    %cond3A_162 = arith.cmpi ne, %convert_element_type3A_158, %cond3A_161 : i32
    scf.if %cond3A_162 {
      %sub3A = arith.constant 1 : i32
      %sub3A_210 = arith.subi %cond3A_159, %sub3A : i32
      %rem3A_211 = arith.constant 3 : i32
      %rem3A_212 = arith.remsi %sub3A_210, %rem3A_211 : i32
      %dma_wait3A_213 = arith.constant 1 : i32
      %dma_wait3A_214 = arith.constant 0 : i32
      %dma_wait3A_215 = arith.constant 0 : i32
      %dma_wait3A_216 = tpu.memref_slice %arg8[%dma_wait3A_213, %dma_wait3A_214, %dma_wait3A_215] : memref<2x128x128xf32, #tpu.memory_space<vmem>> -> memref<1x128x128xf32, #tpu.memory_space<vmem>>
      %dma_wait3A_217 = tpu.memref_squeeze %dma_wait3A_216 : memref<1x128x128xf32, #tpu.memory_space<vmem>> -> memref<128x128xf32, #tpu.memory_space<vmem>>
      %dma_wait3A_218 = arith.constant 0 : i32
      %dma_wait3A_219 = tpu.memref_slice %arg7[%rem3A_212, %cond3A_160, %dma_wait3A_218] : memref<3x2x128xi32, #tpu.memory_space<vmem>> -> memref<1x1x128xi32, #tpu.memory_space<vmem>>
      %dma_wait3A_220 = tpu.memref_squeeze %dma_wait3A_219 : memref<1x1x128xi32, #tpu.memory_space<vmem>> -> memref<128xi32, #tpu.memory_space<vmem>>
      %dma_wait3A_221 = arith.constant 0 : i32
      %dma_wait3A_222 = arith.constant 0 : i32
      %dma_wait3A_223 = tpu.memref_slice %arg6[%dma_wait3A_221, %dma_wait3A_222] : memref<10240x128xf32, #tpu.memory_space<vmem_shared>> -> memref<10240x128xf32, #tpu.memory_space<vmem_shared>>
      tpu.wait_indirect_dma semaphore(%arg11 : memref<!tpu.dma_semaphore, #tpu.memory_space<semaphore_mem>>) src(%dma_wait3A_217 : memref<128x128xf32, #tpu.memory_space<vmem>>) dst(%dma_wait3A_223 : memref<10240x128xf32, #tpu.memory_space<vmem_shared>>)
    } else {
    }
    %add3A_163 = arith.constant 78 : i32
    %add3A_164 = arith.constant 1 : i32
    %add3A_165 = arith.addi %add3A_163, %add3A_164 : i32
    %lt3A_166 = arith.constant 79 : i32
    %lt3A_167 = arith.cmpi slt, %add3A_165, %lt3A_166 : i32
    %convert_element_type3A_168 = arith.extui %lt3A_167 : i1 to i32
    %cond3A_169 = arith.constant 78 : i32
    %cond3A_170 = arith.constant 0 : i32
    %cond3A_171 = arith.constant 0 : i32
    %cond3A_172 = arith.cmpi ne, %convert_element_type3A_168, %cond3A_171 : i32
    scf.if %cond3A_172 {
      %add3A_210 = arith.constant 1 : i32
      %add3A_211 = arith.addi %cond3A_169, %add3A_210 : i32
      %rem3A_212 = arith.constant 3 : i32
      %rem3A_213 = arith.remsi %add3A_211, %rem3A_212 : i32
      %dma_start3A_214 = arith.constant 1 : i32
      %dma_start3A_215 = arith.constant 0 : i32
      %dma_start3A_216 = arith.constant 0 : i32
      %dma_start3A_217 = tpu.memref_slice %arg8[%dma_start3A_214, %dma_start3A_215, %dma_start3A_216] : memref<2x128x128xf32, #tpu.memory_space<vmem>> -> memref<1x128x128xf32, #tpu.memory_space<vmem>>
      %dma_start3A_218 = tpu.memref_squeeze %dma_start3A_217 : memref<1x128x128xf32, #tpu.memory_space<vmem>> -> memref<128x128xf32, #tpu.memory_space<vmem>>
      %dma_start3A_219 = arith.constant 0 : i32
      %dma_start3A_220 = tpu.memref_slice %arg7[%rem3A_213, %cond3A_170, %dma_start3A_219] : memref<3x2x128xi32, #tpu.memory_space<vmem>> -> memref<1x1x128xi32, #tpu.memory_space<vmem>>
      %dma_start3A_221 = tpu.memref_squeeze %dma_start3A_220 : memref<1x1x128xi32, #tpu.memory_space<vmem>> -> memref<128xi32, #tpu.memory_space<vmem>>
      %dma_start3A_222 = arith.constant 0 : i32
      %dma_start3A_223 = arith.constant 0 : i32
      %dma_start3A_224 = tpu.memref_slice %arg2[%dma_start3A_222, %dma_start3A_223] : memref<10240x128xf32, #tpu.memory_space<hbm>> -> memref<10240x128xf32, #tpu.memory_space<hbm>>
      tpu.enqueue_indirect_dma source(%dma_start3A_224 : memref<10240x128xf32, #tpu.memory_space<hbm>>) target(%dma_start3A_218 : memref<128x128xf32, #tpu.memory_space<vmem>>) offsets(%dma_start3A_221 : memref<128xi32, #tpu.memory_space<vmem>>) semaphore(%arg9 : memref<!tpu.dma_semaphore, #tpu.memory_space<semaphore_mem>>)
    } else {
    }
    %dma_start3A_173 = arith.constant 0 : i32
    %dma_start3A_174 = arith.constant 1 : i32
    %dma_start3A_175 = arith.constant 0 : i32
    %dma_start3A_176 = arith.constant 0 : i32
    %dma_start3A_177 = tpu.memref_slice %arg8[%dma_start3A_173, %dma_start3A_175, %dma_start3A_176] : memref<2x128x128xf32, #tpu.memory_space<vmem>> -> memref<1x128x128xf32, #tpu.memory_space<vmem>>
    %dma_start3A_178 = tpu.memref_squeeze %dma_start3A_177 : memref<1x128x128xf32, #tpu.memory_space<vmem>> -> memref<128x128xf32, #tpu.memory_space<vmem>>
    %dma_start3A_179 = arith.constant 0 : i32
    %dma_start3A_180 = tpu.memref_slice %arg7[%rem3A_135, %dma_start3A_174, %dma_start3A_179] : memref<3x2x128xi32, #tpu.memory_space<vmem>> -> memref<1x1x128xi32, #tpu.memory_space<vmem>>
    %dma_start3A_181 = tpu.memref_squeeze %dma_start3A_180 : memref<1x1x128xi32, #tpu.memory_space<vmem>> -> memref<128xi32, #tpu.memory_space<vmem>>
    %dma_start3A_182 = arith.constant 0 : i32
    %dma_start3A_183 = arith.constant 0 : i32
    %dma_start3A_184 = tpu.memref_slice %arg6[%dma_start3A_182, %dma_start3A_183] : memref<10240x128xf32, #tpu.memory_space<vmem_shared>> -> memref<10240x128xf32, #tpu.memory_space<vmem_shared>>
    tpu.enqueue_indirect_dma source(%dma_start3A_178 : memref<128x128xf32, #tpu.memory_space<vmem>>) target(%dma_start3A_184 : memref<10240x128xf32, #tpu.memory_space<vmem_shared>>) offsets(%dma_start3A_181 : memref<128xi32, #tpu.memory_space<vmem>>) semaphore(%arg11 : memref<!tpu.dma_semaphore, #tpu.memory_space<semaphore_mem>>) {add = true}
    %add3A_185 = arith.constant 78 : i32
    %add3A_186 = arith.constant 2 : i32
    %add3A_187 = arith.addi %add3A_185, %add3A_186 : i32
    %lt3A_188 = arith.constant 79 : i32
    %lt3A_189 = arith.cmpi slt, %add3A_187, %lt3A_188 : i32
    %convert_element_type3A_190 = arith.extui %lt3A_189 : i1 to i32
    %cond3A_191 = arith.constant 78 : i32
    %cond3A_192 = arith.constant 0 : i32
    %cond3A_193 = arith.constant 1 : i32
    %cond3A_194 = arith.constant 0 : i32
    %cond3A_195 = arith.cmpi ne, %convert_element_type3A_190, %cond3A_194 : i32
    scf.if %cond3A_195 {
      %add3A_210 = arith.constant 2 : i32
      %add3A_211 = arith.addi %cond3A_191, %add3A_210 : i32
      %rem3A_212 = arith.constant 3 : i32
      %rem3A_213 = arith.remsi %add3A_211, %rem3A_212 : i32
      %add3A_214 = arith.addi %mul3A_5, %add3A_211 : i32
      %dma_start3A_215 = arith.constant 0 : i32
      %dma_start3A_216 = tpu.memref_slice %arg7[%rem3A_213, %cond3A_192, %dma_start3A_215] : memref<3x2x128xi32, #tpu.memory_space<vmem>> -> memref<1x1x128xi32, #tpu.memory_space<vmem>>
      %dma_start3A_217 = tpu.memref_squeeze %dma_start3A_216 : memref<1x1x128xi32, #tpu.memory_space<vmem>> -> memref<128xi32, #tpu.memory_space<vmem>>
      %dma_start3A_218 = arith.constant 0 : i32
      %dma_start3A_219 = tpu.memref_slice %arg3[%cond3A_192, %add3A_214, %dma_start3A_218] : memref<2x2528x128xi32, #tpu.memory_space<hbm>> -> memref<1x1x128xi32, #tpu.memory_space<hbm>>
      %dma_start3A_220 = tpu.memref_squeeze %dma_start3A_219 : memref<1x1x128xi32, #tpu.memory_space<hbm>> -> memref<128xi32, #tpu.memory_space<hbm>>
      %dma_start3A_221 = arith.constant 0 : i32
      %dma_start3A_222 = tpu.memref_slice %arg7[%rem3A_213, %cond3A_192, %dma_start3A_221] : memref<3x2x128xi32, #tpu.memory_space<vmem>> -> memref<1x1x128xi32, #tpu.memory_space<vmem>>
      %dma_start3A_223 = tpu.memref_squeeze %dma_start3A_222 : memref<1x1x128xi32, #tpu.memory_space<vmem>> -> memref<128xi32, #tpu.memory_space<vmem>>
      %dma_start3A_224 = arith.constant 0 : i32
      %dma_start3A_225 = tpu.memref_slice %arg3[%cond3A_192, %add3A_214, %dma_start3A_224] : memref<2x2528x128xi32, #tpu.memory_space<hbm>> -> memref<1x1x128xi32, #tpu.memory_space<hbm>>
      %dma_start3A_226 = tpu.memref_squeeze %dma_start3A_225 : memref<1x1x128xi32, #tpu.memory_space<hbm>> -> memref<128xi32, #tpu.memory_space<hbm>>
      tpu.enqueue_dma source(%dma_start3A_226 : memref<128xi32, #tpu.memory_space<hbm>>) target(%dma_start3A_223 : memref<128xi32, #tpu.memory_space<vmem>>) target_semaphore(%arg10 : memref<!tpu.dma_semaphore, #tpu.memory_space<semaphore_mem>>)
      %add3A_227 = arith.addi %mul3A_5, %add3A_211 : i32
      %dma_start3A_228 = arith.constant 0 : i32
      %dma_start3A_229 = tpu.memref_slice %arg7[%rem3A_213, %cond3A_193, %dma_start3A_228] : memref<3x2x128xi32, #tpu.memory_space<vmem>> -> memref<1x1x128xi32, #tpu.memory_space<vmem>>
      %dma_start3A_230 = tpu.memref_squeeze %dma_start3A_229 : memref<1x1x128xi32, #tpu.memory_space<vmem>> -> memref<128xi32, #tpu.memory_space<vmem>>
      %dma_start3A_231 = arith.constant 0 : i32
      %dma_start3A_232 = tpu.memref_slice %arg3[%cond3A_193, %add3A_227, %dma_start3A_231] : memref<2x2528x128xi32, #tpu.memory_space<hbm>> -> memref<1x1x128xi32, #tpu.memory_space<hbm>>
      %dma_start3A_233 = tpu.memref_squeeze %dma_start3A_232 : memref<1x1x128xi32, #tpu.memory_space<hbm>> -> memref<128xi32, #tpu.memory_space<hbm>>
      %dma_start3A_234 = arith.constant 0 : i32
      %dma_start3A_235 = tpu.memref_slice %arg7[%rem3A_213, %cond3A_193, %dma_start3A_234] : memref<3x2x128xi32, #tpu.memory_space<vmem>> -> memref<1x1x128xi32, #tpu.memory_space<vmem>>
      %dma_start3A_236 = tpu.memref_squeeze %dma_start3A_235 : memref<1x1x128xi32, #tpu.memory_space<vmem>> -> memref<128xi32, #tpu.memory_space<vmem>>
      %dma_start3A_237 = arith.constant 0 : i32
      %dma_start3A_238 = tpu.memref_slice %arg3[%cond3A_193, %add3A_227, %dma_start3A_237] : memref<2x2528x128xi32, #tpu.memory_space<hbm>> -> memref<1x1x128xi32, #tpu.memory_space<hbm>>
      %dma_start3A_239 = tpu.memref_squeeze %dma_start3A_238 : memref<1x1x128xi32, #tpu.memory_space<hbm>> -> memref<128xi32, #tpu.memory_space<hbm>>
      tpu.enqueue_dma source(%dma_start3A_239 : memref<128xi32, #tpu.memory_space<hbm>>) target(%dma_start3A_236 : memref<128xi32, #tpu.memory_space<vmem>>) target_semaphore(%arg10 : memref<!tpu.dma_semaphore, #tpu.memory_space<semaphore_mem>>)
    } else {
    }
    %dma_wait3A_196 = arith.constant 0 : i32
    %dma_wait3A_197 = arith.constant 0 : i32
    %dma_wait3A_198 = arith.constant 1 : i32
    %dma_wait3A_199 = arith.constant 0 : i32
    %dma_wait3A_200 = arith.constant 0 : i32
    %dma_wait3A_201 = tpu.memref_slice %arg8[%dma_wait3A_196, %dma_wait3A_199, %dma_wait3A_200] : memref<2x128x128xf32, #tpu.memory_space<vmem>> -> memref<1x128x128xf32, #tpu.memory_space<vmem>>
    %dma_wait3A_202 = tpu.memref_squeeze %dma_wait3A_201 : memref<1x128x128xf32, #tpu.memory_space<vmem>> -> memref<128x128xf32, #tpu.memory_space<vmem>>
    %dma_wait3A_203 = arith.constant 0 : i32
    %dma_wait3A_204 = tpu.memref_slice %arg7[%dma_wait3A_197, %dma_wait3A_198, %dma_wait3A_203] : memref<3x2x128xi32, #tpu.memory_space<vmem>> -> memref<1x1x128xi32, #tpu.memory_space<vmem>>
    %dma_wait3A_205 = tpu.memref_squeeze %dma_wait3A_204 : memref<1x1x128xi32, #tpu.memory_space<vmem>> -> memref<128xi32, #tpu.memory_space<vmem>>
    %dma_wait3A_206 = arith.constant 0 : i32
    %dma_wait3A_207 = arith.constant 0 : i32
    %dma_wait3A_208 = tpu.memref_slice %arg6[%dma_wait3A_206, %dma_wait3A_207] : memref<10240x128xf32, #tpu.memory_space<vmem_shared>> -> memref<10240x128xf32, #tpu.memory_space<vmem_shared>>
    tpu.wait_indirect_dma semaphore(%arg11 : memref<!tpu.dma_semaphore, #tpu.memory_space<semaphore_mem>>) src(%dma_wait3A_202 : memref<128x128xf32, #tpu.memory_space<vmem>>) dst(%dma_wait3A_208 : memref<10240x128xf32, #tpu.memory_space<vmem_shared>>)
    %barrier3A_209 = arith.constant 0 : index
    tpu.barrier barrier_id(%barrier3A_209)
    "tpu.region"() ({
      %run_scoped3A = tpu.sem_alloc : memref<!tpu.dma_semaphore, #tpu.memory_space<semaphore_mem>>
      %dma_start3A_210 = arith.constant 0 : i32
      %dma_start3A_211 = tpu.memref_slice %arg5[%arg0, %mul3A_2, %dma_start3A_210] : memref<2x10240x128xf32, #tpu.memory_space<hbm>> -> memref<1x640x128xf32, #tpu.memory_space<hbm>>
      %dma_start3A_212 = tpu.memref_squeeze %dma_start3A_211 : memref<1x640x128xf32, #tpu.memory_space<hbm>> -> memref<640x128xf32, #tpu.memory_space<hbm>>
      %dma_start3A_213 = arith.constant 0 : i32
      %dma_start3A_214 = tpu.memref_slice %arg6[%mul3A_2, %dma_start3A_213] : memref<10240x128xf32, #tpu.memory_space<vmem_shared>> -> memref<640x128xf32, #tpu.memory_space<vmem_shared>>
      tpu.enqueue_dma source(%dma_start3A_214 : memref<640x128xf32, #tpu.memory_space<vmem_shared>>) target(%dma_start3A_212 : memref<640x128xf32, #tpu.memory_space<hbm>>) target_semaphore(%run_scoped3A : memref<!tpu.dma_semaphore, #tpu.memory_space<semaphore_mem>>)
      %dma_wait3A_215 = arith.constant 0 : i32
      %dma_wait3A_216 = tpu.memref_slice %arg5[%arg0, %mul3A_2, %dma_wait3A_215] : memref<2x10240x128xf32, #tpu.memory_space<hbm>> -> memref<1x640x128xf32, #tpu.memory_space<hbm>>
      %dma_wait3A_217 = tpu.memref_squeeze %dma_wait3A_216 : memref<1x640x128xf32, #tpu.memory_space<hbm>> -> memref<640x128xf32, #tpu.memory_space<hbm>>
      %dma_wait3A_218 = arith.constant 0 : i32
      %dma_wait3A_219 = tpu.memref_slice %arg6[%mul3A_2, %dma_wait3A_218] : memref<10240x128xf32, #tpu.memory_space<vmem_shared>> -> memref<640x128xf32, #tpu.memory_space<vmem_shared>>
      tpu.wait_dma2 semaphore(%run_scoped3A : memref<!tpu.dma_semaphore, #tpu.memory_space<semaphore_mem>>) src(%dma_wait3A_219 : memref<640x128xf32, #tpu.memory_space<vmem_shared>>) dst(%dma_wait3A_217 : memref<640x128xf32, #tpu.memory_space<hbm>>)
      tpu.yield
    }) : () -> ()
    return
  }
}

module attributes {stable_mosaic.version = 14 : i64} {
  func.func @sage_tc0(%arg0: i32, %arg1: memref<1280x128xf32, #tpu.memory_space<vmem>>, %arg2: memref<256x128xf32, #tpu.memory_space<vmem>>, %arg3: memref<1x256xf32, #tpu.memory_space<vmem>>, %arg4: memref<1280x256xf32, #tpu.memory_space<vmem>>) attributes {dimension_semantics = [#tpu.dimension_semantics<arbitrary>], iteration_bounds = array<i64: 8>, scalar_prefetch = 0 : i64, scratch_operands = 0 : i64, tpu.core_type = #tpu.core_type<tc>, window_params = [{transform_indices = @transform_0, window_bounds = array<i64: 1280, 128>}, {pipeline_mode = #tpu.pipeline_mode<synchronous>, transform_indices = @transform_1, window_bounds = array<i64: 256, 128>}, {pipeline_mode = #tpu.pipeline_mode<synchronous>, transform_indices = @transform_2, window_bounds = array<i64: 1, 256>}, {transform_indices = @transform_3, window_bounds = array<i64: 1280, 256>}]} {
    %get3A = arith.constant 0 : index
    %get3A_0 = arith.constant 0 : index
    %get3A_1 = vector.load %arg1[%get3A, %get3A_0] : memref<1280x128xf32, #tpu.memory_space<vmem>>, vector<1280x128xf32>
    %get3A_2 = arith.constant 0 : index
    %get3A_3 = arith.constant 0 : index
    %get3A_4 = vector.load %arg2[%get3A_2, %get3A_3] : memref<256x128xf32, #tpu.memory_space<vmem>>, vector<256x128xf32>
    %convert_element_type3A = arith.truncf %get3A_1 : vector<1280x128xf32> to vector<1280x128xbf16>
    %convert_element_type3A_5 = arith.extf %convert_element_type3A : vector<1280x128xbf16> to vector<1280x128xf32>
    %sub3A = arith.subf %get3A_1, %convert_element_type3A_5 : vector<1280x128xf32>
    %convert_element_type3A_6 = arith.truncf %sub3A : vector<1280x128xf32> to vector<1280x128xbf16>
    %convert_element_type3A_7 = arith.truncf %get3A_4 : vector<256x128xf32> to vector<256x128xbf16>
    %convert_element_type3A_8 = arith.extf %convert_element_type3A_7 : vector<256x128xbf16> to vector<256x128xf32>
    %sub3A_9 = arith.subf %get3A_4, %convert_element_type3A_8 : vector<256x128xf32>
    %convert_element_type3A_10 = arith.truncf %sub3A_9 : vector<256x128xf32> to vector<256x128xbf16>
    %dot_general3A = arith.constant dense<0.000000e+00> : vector<1280x256xf32>
    %dot_general3A_11 = tpu.matmul %convert_element_type3A, %convert_element_type3A_7, %dot_general3A {dimension_numbers = #tpu.dot_dimension_numbers<[1], [1], [0], [0], [0, 0, 1, 0], [], []>, transpose_lhs_hint = false} : vector<1280x128xbf16>, vector<256x128xbf16>, vector<1280x256xf32> -> vector<1280x256xf32>
    %dot_general3A_12 = arith.constant dense<0.000000e+00> : vector<1280x256xf32>
    %dot_general3A_13 = tpu.matmul %convert_element_type3A_6, %convert_element_type3A_7, %dot_general3A_12 {dimension_numbers = #tpu.dot_dimension_numbers<[1], [1], [0], [0], [0, 0, 1, 0], [], []>, transpose_lhs_hint = false} : vector<1280x128xbf16>, vector<256x128xbf16>, vector<1280x256xf32> -> vector<1280x256xf32>
    %add3A = arith.addf %dot_general3A_11, %dot_general3A_13 : vector<1280x256xf32>
    %dot_general3A_14 = arith.constant dense<0.000000e+00> : vector<1280x256xf32>
    %dot_general3A_15 = tpu.matmul %convert_element_type3A, %convert_element_type3A_10, %dot_general3A_14 {dimension_numbers = #tpu.dot_dimension_numbers<[1], [1], [0], [0], [0, 0, 1, 0], [], []>, transpose_lhs_hint = false} : vector<1280x128xbf16>, vector<256x128xbf16>, vector<1280x256xf32> -> vector<1280x256xf32>
    %add3A_16 = arith.addf %add3A, %dot_general3A_15 : vector<1280x256xf32>
    %get3A_17 = arith.constant 0 : index
    %get3A_18 = arith.constant 0 : index
    %get3A_19 = vector.load %arg3[%get3A_17, %get3A_18] : memref<1x256xf32, #tpu.memory_space<vmem>>, vector<1x256xf32>
    %add3A_20 = vector.broadcast %get3A_19 : vector<1x256xf32> to vector<1280x256xf32>
    %add3A_21 = arith.addf %add3A_16, %add3A_20 : vector<1280x256xf32>
    %swap3A = arith.constant 0 : index
    %swap3A_22 = arith.constant 0 : index
    %swap3A_23 = vector.load %arg4[%swap3A, %swap3A_22] : memref<1280x256xf32, #tpu.memory_space<vmem>>, vector<1280x256xf32>
    tpu.vector_store %arg4[%swap3A, %swap3A_22], %add3A_21 {strides = array<i32>} : memref<1280x256xf32, #tpu.memory_space<vmem>>, vector<1280x256xf32>,
    return
  }
  func.func @transform_0(%arg0: i32) -> (i32, i32) {
    %c0_i32 = arith.constant 0 : i32
    %c0_i32_0 = arith.constant 0 : i32
    return %arg0, %c0_i32 : i32, i32
  }
  func.func @transform_1(%arg0: i32) -> (i32, i32) {
    %c0_i32 = arith.constant 0 : i32
    %c0_i32_0 = arith.constant 0 : i32
    %c0_i32_1 = arith.constant 0 : i32
    return %c0_i32, %c0_i32_0 : i32, i32
  }
  func.func @transform_2(%arg0: i32) -> (i32, i32) {
    %c0_i32 = arith.constant 0 : i32
    %c0_i32_0 = arith.constant 0 : i32
    %c0_i32_1 = arith.constant 0 : i32
    return %c0_i32, %c0_i32_0 : i32, i32
  }
  func.func @transform_3(%arg0: i32) -> (i32, i32) {
    %c0_i32 = arith.constant 0 : i32
    %c0_i32_0 = arith.constant 0 : i32
    return %arg0, %c0_i32 : i32, i32
  }
}

module attributes {stable_mosaic.version = 14 : i64} {
  func.func @sage_tc1(%arg0: i32, %arg1: memref<2x1280x128xf32, #tpu.memory_space<vmem>>, %arg2: memref<32x1280xf32, #tpu.memory_space<vmem>>, %arg3: memref<1280x256xf32, #tpu.memory_space<vmem>>, %arg4: memref<256x128xf32, #tpu.memory_space<vmem>>, %arg5: memref<128x256xf32, #tpu.memory_space<vmem>>, %arg6: memref<1280x256xf32, #tpu.memory_space<vmem>>, %arg7: memref<1280x128xf32, #tpu.memory_space<vmem>>) attributes {dimension_semantics = [#tpu.dimension_semantics<arbitrary>], iteration_bounds = array<i64: 8>, scalar_prefetch = 0 : i64, scratch_operands = 0 : i64, tpu.core_type = #tpu.core_type<tc>, window_params = [{transform_indices = @transform_0, window_bounds = array<i64: 2, 1280, 128>}, {transform_indices = @transform_1, window_bounds = array<i64: 32, 1280>}, {transform_indices = @transform_2, window_bounds = array<i64: 1280, 256>}, {pipeline_mode = #tpu.pipeline_mode<synchronous>, transform_indices = @transform_3, window_bounds = array<i64: 256, 128>}, {pipeline_mode = #tpu.pipeline_mode<synchronous>, transform_indices = @transform_4, window_bounds = array<i64: 128, 256>}, {transform_indices = @transform_5, window_bounds = array<i64: 1280, 256>}, {transform_indices = @transform_6, window_bounds = array<i64: 1280, 128>}]} {
    %get3A = arith.constant 0 : index
    %get3A_0 = arith.constant 0 : index
    %get3A_1 = arith.constant 0 : index
    %get3A_2 = vector.load %arg1[%get3A, %get3A_0, %get3A_1] : memref<2x1280x128xf32, #tpu.memory_space<vmem>>, vector<1x1280x128xf32>
    %get3A_3 = vector.shape_cast %get3A_2 : vector<1x1280x128xf32> to vector<1280x128xf32>
    %get3A_4 = arith.constant 1 : index
    %get3A_5 = arith.constant 0 : index
    %get3A_6 = arith.constant 0 : index
    %get3A_7 = vector.load %arg1[%get3A_4, %get3A_5, %get3A_6] : memref<2x1280x128xf32, #tpu.memory_space<vmem>>, vector<1x1280x128xf32>
    %get3A_8 = vector.shape_cast %get3A_7 : vector<1x1280x128xf32> to vector<1280x128xf32>
    %add3A = arith.addf %get3A_3, %get3A_8 : vector<1280x128xf32>
    %get3A_9 = arith.constant 0 : index
    %get3A_10 = arith.constant 0 : index
    %get3A_11 = vector.load %arg2[%get3A_9, %get3A_10] : memref<32x1280xf32, #tpu.memory_space<vmem>>, vector<32x1280xf32>
    %reduce_sum3A = arith.constant dense<0.000000e+00> : vector<1280xf32>
    %reduce_sum3A_12 = vector.multi_reduction <add>, %get3A_11, %reduce_sum3A [0] : vector<32x1280xf32> to vector<1280xf32>
    %max3A = arith.constant 1.000000e+00 : f32
    %max3A_13 = vector.broadcast %max3A : f32 to vector<1280xf32>
    %max3A_14 = arith.maximumf %reduce_sum3A_12, %max3A_13 : vector<1280xf32>
    %div3A = arith.constant 1.000000e+00 : f32
    %div3A_15 = vector.broadcast %div3A : f32 to vector<1280xf32>
    %div3A_16 = arith.divf %div3A_15, %max3A_14 : vector<1280xf32>
    %broadcast_in_dim3A = vector.shape_cast %div3A_16 : vector<1280xf32> to vector<1280x1xf32>
    %mul3A = vector.broadcast %broadcast_in_dim3A : vector<1280x1xf32> to vector<1280x128xf32>
    %mul3A_17 = arith.mulf %add3A, %mul3A : vector<1280x128xf32>
    %get3A_18 = arith.constant 0 : index
    %get3A_19 = arith.constant 0 : index
    %get3A_20 = vector.load %arg4[%get3A_18, %get3A_19] : memref<256x128xf32, #tpu.memory_space<vmem>>, vector<256x128xf32>
    %convert_element_type3A = arith.truncf %mul3A_17 : vector<1280x128xf32> to vector<1280x128xbf16>
    %convert_element_type3A_21 = arith.extf %convert_element_type3A : vector<1280x128xbf16> to vector<1280x128xf32>
    %sub3A = arith.subf %mul3A_17, %convert_element_type3A_21 : vector<1280x128xf32>
    %convert_element_type3A_22 = arith.truncf %sub3A : vector<1280x128xf32> to vector<1280x128xbf16>
    %convert_element_type3A_23 = arith.truncf %get3A_20 : vector<256x128xf32> to vector<256x128xbf16>
    %convert_element_type3A_24 = arith.extf %convert_element_type3A_23 : vector<256x128xbf16> to vector<256x128xf32>
    %sub3A_25 = arith.subf %get3A_20, %convert_element_type3A_24 : vector<256x128xf32>
    %convert_element_type3A_26 = arith.truncf %sub3A_25 : vector<256x128xf32> to vector<256x128xbf16>
    %dot_general3A = arith.constant dense<0.000000e+00> : vector<1280x256xf32>
    %dot_general3A_27 = tpu.matmul %convert_element_type3A, %convert_element_type3A_23, %dot_general3A {dimension_numbers = #tpu.dot_dimension_numbers<[1], [1], [0], [0], [0, 0, 1, 0], [], []>, transpose_lhs_hint = false} : vector<1280x128xbf16>, vector<256x128xbf16>, vector<1280x256xf32> -> vector<1280x256xf32>
    %dot_general3A_28 = arith.constant dense<0.000000e+00> : vector<1280x256xf32>
    %dot_general3A_29 = tpu.matmul %convert_element_type3A_22, %convert_element_type3A_23, %dot_general3A_28 {dimension_numbers = #tpu.dot_dimension_numbers<[1], [1], [0], [0], [0, 0, 1, 0], [], []>, transpose_lhs_hint = false} : vector<1280x128xbf16>, vector<256x128xbf16>, vector<1280x256xf32> -> vector<1280x256xf32>
    %add3A_30 = arith.addf %dot_general3A_27, %dot_general3A_29 : vector<1280x256xf32>
    %dot_general3A_31 = arith.constant dense<0.000000e+00> : vector<1280x256xf32>
    %dot_general3A_32 = tpu.matmul %convert_element_type3A, %convert_element_type3A_26, %dot_general3A_31 {dimension_numbers = #tpu.dot_dimension_numbers<[1], [1], [0], [0], [0, 0, 1, 0], [], []>, transpose_lhs_hint = false} : vector<1280x128xbf16>, vector<256x128xbf16>, vector<1280x256xf32> -> vector<1280x256xf32>
    %add3A_33 = arith.addf %add3A_30, %dot_general3A_32 : vector<1280x256xf32>
    %get3A_34 = arith.constant 0 : index
    %get3A_35 = arith.constant 0 : index
    %get3A_36 = vector.load %arg3[%get3A_34, %get3A_35] : memref<1280x256xf32, #tpu.memory_space<vmem>>, vector<1280x256xf32>
    %add3A_37 = arith.addf %add3A_33, %get3A_36 : vector<1280x256xf32>
    %max3A_38 = arith.constant 0.000000e+00 : f32
    %max3A_39 = vector.broadcast %max3A_38 : f32 to vector<1280x256xf32>
    %max3A_40 = arith.maximumf %add3A_37, %max3A_39 : vector<1280x256xf32>
    %swap3A = arith.constant 0 : index
    %swap3A_41 = arith.constant 0 : index
    %swap3A_42 = vector.load %arg6[%swap3A, %swap3A_41] : memref<1280x256xf32, #tpu.memory_space<vmem>>, vector<1280x256xf32>
    tpu.vector_store %arg6[%swap3A, %swap3A_41], %max3A_40 {strides = array<i32>} : memref<1280x256xf32, #tpu.memory_space<vmem>>, vector<1280x256xf32>,
    %get3A_43 = arith.constant 0 : index
    %get3A_44 = arith.constant 0 : index
    %get3A_45 = vector.load %arg5[%get3A_43, %get3A_44] : memref<128x256xf32, #tpu.memory_space<vmem>>, vector<128x256xf32>
    %convert_element_type3A_46 = arith.truncf %max3A_40 : vector<1280x256xf32> to vector<1280x256xbf16>
    %convert_element_type3A_47 = arith.extf %convert_element_type3A_46 : vector<1280x256xbf16> to vector<1280x256xf32>
    %sub3A_48 = arith.subf %max3A_40, %convert_element_type3A_47 : vector<1280x256xf32>
    %convert_element_type3A_49 = arith.truncf %sub3A_48 : vector<1280x256xf32> to vector<1280x256xbf16>
    %convert_element_type3A_50 = arith.truncf %get3A_45 : vector<128x256xf32> to vector<128x256xbf16>
    %convert_element_type3A_51 = arith.extf %convert_element_type3A_50 : vector<128x256xbf16> to vector<128x256xf32>
    %sub3A_52 = arith.subf %get3A_45, %convert_element_type3A_51 : vector<128x256xf32>
    %convert_element_type3A_53 = arith.truncf %sub3A_52 : vector<128x256xf32> to vector<128x256xbf16>
    %dot_general3A_54 = arith.constant dense<0.000000e+00> : vector<1280x128xf32>
    %dot_general3A_55 = tpu.matmul %convert_element_type3A_46, %convert_element_type3A_50, %dot_general3A_54 {dimension_numbers = #tpu.dot_dimension_numbers<[1], [1], [0], [0], [0, 0, 1, 0], [], []>, transpose_lhs_hint = false} : vector<1280x256xbf16>, vector<128x256xbf16>, vector<1280x128xf32> -> vector<1280x128xf32>
    %dot_general3A_56 = arith.constant dense<0.000000e+00> : vector<1280x128xf32>
    %dot_general3A_57 = tpu.matmul %convert_element_type3A_49, %convert_element_type3A_50, %dot_general3A_56 {dimension_numbers = #tpu.dot_dimension_numbers<[1], [1], [0], [0], [0, 0, 1, 0], [], []>, transpose_lhs_hint = false} : vector<1280x256xbf16>, vector<128x256xbf16>, vector<1280x128xf32> -> vector<1280x128xf32>
    %add3A_58 = arith.addf %dot_general3A_55, %dot_general3A_57 : vector<1280x128xf32>
    %dot_general3A_59 = arith.constant dense<0.000000e+00> : vector<1280x128xf32>
    %dot_general3A_60 = tpu.matmul %convert_element_type3A_46, %convert_element_type3A_53, %dot_general3A_59 {dimension_numbers = #tpu.dot_dimension_numbers<[1], [1], [0], [0], [0, 0, 1, 0], [], []>, transpose_lhs_hint = false} : vector<1280x256xbf16>, vector<128x256xbf16>, vector<1280x128xf32> -> vector<1280x128xf32>
    %add3A_61 = arith.addf %add3A_58, %dot_general3A_60 : vector<1280x128xf32>
    %swap3A_62 = arith.constant 0 : index
    %swap3A_63 = arith.constant 0 : index
    %swap3A_64 = vector.load %arg7[%swap3A_62, %swap3A_63] : memref<1280x128xf32, #tpu.memory_space<vmem>>, vector<1280x128xf32>
    tpu.vector_store %arg7[%swap3A_62, %swap3A_63], %add3A_61 {strides = array<i32>} : memref<1280x128xf32, #tpu.memory_space<vmem>>, vector<1280x128xf32>,
    return
  }
  func.func @transform_0(%arg0: i32) -> (i32, i32, i32) {
    %c0_i32 = arith.constant 0 : i32
    %c0_i32_0 = arith.constant 0 : i32
    %c0_i32_1 = arith.constant 0 : i32
    return %c0_i32, %arg0, %c0_i32_0 : i32, i32, i32
  }
  func.func @transform_1(%arg0: i32) -> (i32, i32) {
    %c0_i32 = arith.constant 0 : i32
    %c0_i32_0 = arith.constant 0 : i32
    return %c0_i32, %arg0 : i32, i32
  }
  func.func @transform_2(%arg0: i32) -> (i32, i32) {
    %c0_i32 = arith.constant 0 : i32
    %c0_i32_0 = arith.constant 0 : i32
    return %arg0, %c0_i32 : i32, i32
  }
  func.func @transform_3(%arg0: i32) -> (i32, i32) {
    %c0_i32 = arith.constant 0 : i32
    %c0_i32_0 = arith.constant 0 : i32
    %c0_i32_1 = arith.constant 0 : i32
    return %c0_i32, %c0_i32_0 : i32, i32
  }
  func.func @transform_4(%arg0: i32) -> (i32, i32) {
    %c0_i32 = arith.constant 0 : i32
    %c0_i32_0 = arith.constant 0 : i32
    %c0_i32_1 = arith.constant 0 : i32
    return %c0_i32, %c0_i32_0 : i32, i32
  }
  func.func @transform_5(%arg0: i32) -> (i32, i32) {
    %c0_i32 = arith.constant 0 : i32
    %c0_i32_0 = arith.constant 0 : i32
    return %arg0, %c0_i32 : i32, i32
  }
  func.func @transform_6(%arg0: i32) -> (i32, i32) {
    %c0_i32 = arith.constant 0 : i32
    %c0_i32_0 = arith.constant 0 : i32
    return %arg0, %c0_i32 : i32, i32
  }
}

module attributes {stable_mosaic.version = 14 : i64} {
  func.func @sage_tcr2(%arg0: i32, %arg1: memref<1280x256xf32, #tpu.memory_space<vmem>>, %arg2: memref<128x256xf32, #tpu.memory_space<vmem>>, %arg3: memref<1280x128xf32, #tpu.memory_space<vmem>>) attributes {dimension_semantics = [#tpu.dimension_semantics<arbitrary>], iteration_bounds = array<i64: 8>, scalar_prefetch = 0 : i64, scratch_operands = 0 : i64, tpu.core_type = #tpu.core_type<tc>, window_params = [{transform_indices = @transform_0, window_bounds = array<i64: 1280, 256>}, {pipeline_mode = #tpu.pipeline_mode<synchronous>, transform_indices = @transform_1, window_bounds = array<i64: 128, 256>}, {transform_indices = @transform_2, window_bounds = array<i64: 1280, 128>}]} {
    %get3A = arith.constant 0 : index
    %get3A_0 = arith.constant 0 : index
    %get3A_1 = vector.load %arg1[%get3A, %get3A_0] : memref<1280x256xf32, #tpu.memory_space<vmem>>, vector<1280x256xf32>
    %get3A_2 = arith.constant 0 : index
    %get3A_3 = arith.constant 0 : index
    %get3A_4 = vector.load %arg2[%get3A_2, %get3A_3] : memref<128x256xf32, #tpu.memory_space<vmem>>, vector<128x256xf32>
    %convert_element_type3A = arith.truncf %get3A_1 : vector<1280x256xf32> to vector<1280x256xbf16>
    %convert_element_type3A_5 = arith.extf %convert_element_type3A : vector<1280x256xbf16> to vector<1280x256xf32>
    %sub3A = arith.subf %get3A_1, %convert_element_type3A_5 : vector<1280x256xf32>
    %convert_element_type3A_6 = arith.truncf %sub3A : vector<1280x256xf32> to vector<1280x256xbf16>
    %convert_element_type3A_7 = arith.truncf %get3A_4 : vector<128x256xf32> to vector<128x256xbf16>
    %convert_element_type3A_8 = arith.extf %convert_element_type3A_7 : vector<128x256xbf16> to vector<128x256xf32>
    %sub3A_9 = arith.subf %get3A_4, %convert_element_type3A_8 : vector<128x256xf32>
    %convert_element_type3A_10 = arith.truncf %sub3A_9 : vector<128x256xf32> to vector<128x256xbf16>
    %dot_general3A = arith.constant dense<0.000000e+00> : vector<1280x128xf32>
    %dot_general3A_11 = tpu.matmul %convert_element_type3A, %convert_element_type3A_7, %dot_general3A {dimension_numbers = #tpu.dot_dimension_numbers<[1], [1], [0], [0], [0, 0, 1, 0], [], []>, transpose_lhs_hint = false} : vector<1280x256xbf16>, vector<128x256xbf16>, vector<1280x128xf32> -> vector<1280x128xf32>
    %dot_general3A_12 = arith.constant dense<0.000000e+00> : vector<1280x128xf32>
    %dot_general3A_13 = tpu.matmul %convert_element_type3A_6, %convert_element_type3A_7, %dot_general3A_12 {dimension_numbers = #tpu.dot_dimension_numbers<[1], [1], [0], [0], [0, 0, 1, 0], [], []>, transpose_lhs_hint = false} : vector<1280x256xbf16>, vector<128x256xbf16>, vector<1280x128xf32> -> vector<1280x128xf32>
    %add3A = arith.addf %dot_general3A_11, %dot_general3A_13 : vector<1280x128xf32>
    %dot_general3A_14 = arith.constant dense<0.000000e+00> : vector<1280x128xf32>
    %dot_general3A_15 = tpu.matmul %convert_element_type3A, %convert_element_type3A_10, %dot_general3A_14 {dimension_numbers = #tpu.dot_dimension_numbers<[1], [1], [0], [0], [0, 0, 1, 0], [], []>, transpose_lhs_hint = false} : vector<1280x256xbf16>, vector<128x256xbf16>, vector<1280x128xf32> -> vector<1280x128xf32>
    %add3A_16 = arith.addf %add3A, %dot_general3A_15 : vector<1280x128xf32>
    %swap3A = arith.constant 0 : index
    %swap3A_17 = arith.constant 0 : index
    %swap3A_18 = vector.load %arg3[%swap3A, %swap3A_17] : memref<1280x128xf32, #tpu.memory_space<vmem>>, vector<1280x128xf32>
    tpu.vector_store %arg3[%swap3A, %swap3A_17], %add3A_16 {strides = array<i32>} : memref<1280x128xf32, #tpu.memory_space<vmem>>, vector<1280x128xf32>,
    return
  }
  func.func @transform_0(%arg0: i32) -> (i32, i32) {
    %c0_i32 = arith.constant 0 : i32
    %c0_i32_0 = arith.constant 0 : i32
    return %arg0, %c0_i32 : i32, i32
  }
  func.func @transform_1(%arg0: i32) -> (i32, i32) {
    %c0_i32 = arith.constant 0 : i32
    %c0_i32_0 = arith.constant 0 : i32
    %c0_i32_1 = arith.constant 0 : i32
    return %c0_i32, %c0_i32_0 : i32, i32
  }
  func.func @transform_2(%arg0: i32) -> (i32, i32) {
    %c0_i32 = arith.constant 0 : i32
    %c0_i32_0 = arith.constant 0 : i32
    return %arg0, %c0_i32 : i32, i32
  }
}

module attributes {stable_mosaic.version = 14 : i64} {
  func.func @sage_tc2(%arg0: i32, %arg1: memref<2x1280x128xf32, #tpu.memory_space<vmem>>, %arg2: memref<32x1280xf32, #tpu.memory_space<vmem>>, %arg3: memref<1280x128xf32, #tpu.memory_space<vmem>>, %arg4: memref<1x128xf32, #tpu.memory_space<vmem>>, %arg5: memref<1280x128xf32, #tpu.memory_space<vmem>>) attributes {dimension_semantics = [#tpu.dimension_semantics<arbitrary>], iteration_bounds = array<i64: 8>, scalar_prefetch = 0 : i64, scratch_operands = 0 : i64, tpu.core_type = #tpu.core_type<tc>, window_params = [{transform_indices = @transform_0, window_bounds = array<i64: 2, 1280, 128>}, {transform_indices = @transform_1, window_bounds = array<i64: 32, 1280>}, {transform_indices = @transform_2, window_bounds = array<i64: 1280, 128>}, {pipeline_mode = #tpu.pipeline_mode<synchronous>, transform_indices = @transform_3, window_bounds = array<i64: 1, 128>}, {transform_indices = @transform_4, window_bounds = array<i64: 1280, 128>}]} {
    %get3A = arith.constant 0 : index
    %get3A_0 = arith.constant 0 : index
    %get3A_1 = arith.constant 0 : index
    %get3A_2 = vector.load %arg1[%get3A, %get3A_0, %get3A_1] : memref<2x1280x128xf32, #tpu.memory_space<vmem>>, vector<1x1280x128xf32>
    %get3A_3 = vector.shape_cast %get3A_2 : vector<1x1280x128xf32> to vector<1280x128xf32>
    %get3A_4 = arith.constant 1 : index
    %get3A_5 = arith.constant 0 : index
    %get3A_6 = arith.constant 0 : index
    %get3A_7 = vector.load %arg1[%get3A_4, %get3A_5, %get3A_6] : memref<2x1280x128xf32, #tpu.memory_space<vmem>>, vector<1x1280x128xf32>
    %get3A_8 = vector.shape_cast %get3A_7 : vector<1x1280x128xf32> to vector<1280x128xf32>
    %add3A = arith.addf %get3A_3, %get3A_8 : vector<1280x128xf32>
    %get3A_9 = arith.constant 0 : index
    %get3A_10 = arith.constant 0 : index
    %get3A_11 = vector.load %arg2[%get3A_9, %get3A_10] : memref<32x1280xf32, #tpu.memory_space<vmem>>, vector<32x1280xf32>
    %reduce_sum3A = arith.constant dense<0.000000e+00> : vector<1280xf32>
    %reduce_sum3A_12 = vector.multi_reduction <add>, %get3A_11, %reduce_sum3A [0] : vector<32x1280xf32> to vector<1280xf32>
    %max3A = arith.constant 1.000000e+00 : f32
    %max3A_13 = vector.broadcast %max3A : f32 to vector<1280xf32>
    %max3A_14 = arith.maximumf %reduce_sum3A_12, %max3A_13 : vector<1280xf32>
    %div3A = arith.constant 1.000000e+00 : f32
    %div3A_15 = vector.broadcast %div3A : f32 to vector<1280xf32>
    %div3A_16 = arith.divf %div3A_15, %max3A_14 : vector<1280xf32>
    %broadcast_in_dim3A = vector.shape_cast %div3A_16 : vector<1280xf32> to vector<1280x1xf32>
    %mul3A = vector.broadcast %broadcast_in_dim3A : vector<1280x1xf32> to vector<1280x128xf32>
    %mul3A_17 = arith.mulf %add3A, %mul3A : vector<1280x128xf32>
    %get3A_18 = arith.constant 0 : index
    %get3A_19 = arith.constant 0 : index
    %get3A_20 = vector.load %arg3[%get3A_18, %get3A_19] : memref<1280x128xf32, #tpu.memory_space<vmem>>, vector<1280x128xf32>
    %add3A_21 = arith.addf %mul3A_17, %get3A_20 : vector<1280x128xf32>
    %get3A_22 = arith.constant 0 : index
    %get3A_23 = arith.constant 0 : index
    %get3A_24 = vector.load %arg4[%get3A_22, %get3A_23] : memref<1x128xf32, #tpu.memory_space<vmem>>, vector<1x128xf32>
    %add3A_25 = vector.broadcast %get3A_24 : vector<1x128xf32> to vector<1280x128xf32>
    %add3A_26 = arith.addf %add3A_21, %add3A_25 : vector<1280x128xf32>
    %swap3A = arith.constant 0 : index
    %swap3A_27 = arith.constant 0 : index
    %swap3A_28 = vector.load %arg5[%swap3A, %swap3A_27] : memref<1280x128xf32, #tpu.memory_space<vmem>>, vector<1280x128xf32>
    tpu.vector_store %arg5[%swap3A, %swap3A_27], %add3A_26 {strides = array<i32>} : memref<1280x128xf32, #tpu.memory_space<vmem>>, vector<1280x128xf32>,
    return
  }
  func.func @transform_0(%arg0: i32) -> (i32, i32, i32) {
    %c0_i32 = arith.constant 0 : i32
    %c0_i32_0 = arith.constant 0 : i32
    %c0_i32_1 = arith.constant 0 : i32
    return %c0_i32, %arg0, %c0_i32_0 : i32, i32, i32
  }
  func.func @transform_1(%arg0: i32) -> (i32, i32) {
    %c0_i32 = arith.constant 0 : i32
    %c0_i32_0 = arith.constant 0 : i32
    return %c0_i32, %arg0 : i32, i32
  }
  func.func @transform_2(%arg0: i32) -> (i32, i32) {
    %c0_i32 = arith.constant 0 : i32
    %c0_i32_0 = arith.constant 0 : i32
    return %arg0, %c0_i32 : i32, i32
  }
  func.func @transform_3(%arg0: i32) -> (i32, i32) {
    %c0_i32 = arith.constant 0 : i32
    %c0_i32_0 = arith.constant 0 : i32
    %c0_i32_1 = arith.constant 0 : i32
    return %c0_i32, %c0_i32_0 : i32, i32
  }
  func.func @transform_4(%arg0: i32) -> (i32, i32) {
    %c0_i32 = arith.constant 0 : i32
    %c0_i32_0 = arith.constant 0 : i32
    return %arg0, %c0_i32 : i32, i32
  }
}

</mosaic_0001>

<sc_bundles>
// kernel: sc_segsum_deg0.3.cloned.1.call-start
scs
__scs_entry_jumppad:
0x0: {  	(pc) =	sbr.rel $0x88, $3  }
0x1: {  	(tag) =	ssettag $0x0;
	lr =	simm.s32 $0x1  }
0x2: {  	[smem:$0x3F99] =	sst lr;
	_ =	strace $0xD0000000  }
0x3: {  	_ = 	snop  }
0x4: {  	_ = 	snop  }
0x5: {  	_ = 	snop  }
0x6: {  	_ = 	snop  }
0x7: {  	_ = 	snop  }
__scs_overlays_trampoline_lowered:
0x8: {  	[smem:$0x3FA8] =	sst s0  }
0x9: {  	[smem:$0x3FA9] =	sst s1  }
0xa: {  	[smem:$0x3FAA] =	sst s2  }
0xb: {  	[smem:$0x3FAB] =	sst s3  }
0xc: {  	[smem:$0x3FAC] =	sst s4  }
0xd: {  	[smem:$0x3FAD] =	sst s5  }
0xe: {  	[smem:$0x3FAE] =	sst s6  }
0xf: {  	[smem:$0x3FAF] =	sst s7  }
0x10: {  	[smem:$0x3FB0] =	sst s8  }
0x11: {  	[smem:$0x3FB1] =	sst s9;
	s0 =	simm.s32 @!p0 $0x0  }
0x12: {  	s1 =	sld [smem:$0x3F97];
	s0 =	simm.s32 @p0 $0x1  }
0x13: {  	[smem:$0x3FB2] =	sst s0;
	s0 =	simm.s32 @!p1 $0x0  }
0x14: {  	s2 =	sld [smem:$0x3F96];
	s0 =	simm.s32 @p1 $0x1  }
0x15: {  	[smem:$0x3FB3] =	sst s0;
	s0 =	simm.s32 @!p2 $0x0  }
0x16: {  	s3 =	sld [smem:$0x3FDB];
	s0 =	simm.s32 @p2 $0x1  }
0x17: {  	s4 =	simm.s32 $0x1BF5;
	[smem:$0x3FB5] =	sst s0  }
0x18: {  	s0 =	sld [smem:$0x3F98];
	_ =	swait.ge [sflag:s4], $0x0  }
0x19: {  	s7 =	sld [smem:$0x3F99]  }
0x1a: {  	s8 =	sadd.s32 $0xFFFFE003, lr  }
0x1b: {  	s9 =	sadd.s32 $0xFFFFFEF7, lr;
	s5 =	simm.s32 $0xFFFFFFFF;
	p2 =	slt.u32 s8, $0xFFFFF086  }
0x1c: {  	p1 =	slt.u32 s9, $0xF7A;
	s5 =	simm.s32 @!p2 $0x0  }
0x1d: {  	s5 =	simm.s32 @p1 $0x1;
	p0 =	seq.s32 s7, s2  }
0x1e: {  	s7 =	smul.u32 @!p0 $0xF7A, s2;
	p2 =	seq.s32 @!p0 s5, $0x0  }
0x1f: {  	s9 =	smul.u32 $0xF7A, s1;
	s8 =	simm.s32 @!p0 $0x1BF5;
	p2 =	por !p2, p0  }
0x20: {  	[sflag:s8] =	ssyncset.s32 @!p0 $0xFFFFF086;
	s6 =	sadd.s32 @!p0 s3, s7;
	s7 =	simm.s32 @!p0 $0x108  }
0x21: {  	s3 =	sadd.s32 s3, s9;
	s6 =	sadd.s32 @!p0 $0x88, s6;
	s7 =	simm.s32 @p2 $0x1082  }
0x22: {  	[simem:s7], [sflag:s8] =	dma.local @!p0 [hbm:s6], $0xF7A  }
0x23: {  	s9 =	sor.u32 $0xD0000000, s2;
	s6 =	simm.s32 $0x108;
	_ =	swait.ge @!p0 [sflag:s8], $0x0  }
0x24: {  	s3 =	sadd.s32 $0x88, s3;
	s6 =	simm.s32 @!p1 $0x1082;
	[sflag:s4] =	ssyncset.s32 $0xFFFFF086  }
0x25: {  	[simem:s6], [sflag:s4] =	dma.local [hbm:s3], $0xF7A  }
0x26: {  	[smem:$0x3F99] =	sst s1;
	(tag) =	ssettag s2;
	_ =	strace s9  }
0x27: {  	s1 =	sld [smem:$0x3FA9]  }
0x28: {  	s2 =	sld [smem:$0x3FAA]  }
0x29: {  	s4 =	sld [smem:$0x3FAC]  }
0x2a: {  	p0 =	seq.s32 s5, $0x0;
	s5 =	sld [smem:$0x3FAD]  }
0x2b: {  	s6 =	sld [smem:$0x3FAE]  }
0x2c: {  	s7 =	sld [smem:$0x3FAF]  }
0x2d: {  	s3 =	simm.s32 $0x108;
	s8 =	sld [smem:$0x3FB0]  }
0x2e: {  	s3 =	simm.s32 @!p0 $0x1082;
	s9 =	sld [smem:$0x3FB1]  }
0x2f: {  	lr =	sadd.s32 s0, s3;
	s0 =	sld [smem:$0x3FA8]  }
0x30: {  	s3 =	sld [smem:$0x3FAB]  }
0x31: {  	[smem:$0x3FB4] =	sst s10  }
0x32: {  	s10 =	sld [smem:$0x3FB2];
	_ =	sdelay $0x3  }
0x33: {  	p0 =	seq.s32 s10, $0x1;
	s10 =	sld [smem:$0x3FB4];
	_ =	sdelay $0x3  }
0x34: {  	[smem:$0x3FB4] =	sst s10  }
0x35: {  	s10 =	sld [smem:$0x3FB3];
	_ =	sdelay $0x3  }
0x36: {  	p1 =	seq.s32 s10, $0x1;
	s10 =	sld [smem:$0x3FB4];
	_ =	sdelay $0x3  }
0x37: {  	[smem:$0x3FB4] =	sst s10  }
0x38: {  	s10 =	sld [smem:$0x3FB5]  }
0x39: {  	_ = 	snop;
	(pc) =	sbr.ind lr, $3  }
0x3a: {  	_ = 	snop  }
0x3b: {  	_ = 	snop  }
0x3c: {  	p2 =	seq.s32 s10, $0x1;
	s10 =	sld [smem:$0x3FB4]  }
0x3d: {  	_ =	shalt  }
0x3e: {  	_ =	shalt  }
0x3f: {  	_ =	shalt  }
0x40: {  	_ =	shalt  }
0x41: {  	_ =	shalt  }
0x42: {  	_ =	shalt  }
0x43: {  	_ =	shalt  }
0x44: {  	_ =	shalt  }
0x45: {  	_ =	shalt  }
0x46: {  	_ =	shalt  }
0x47: {  	_ =	shalt  }
0x48: {  	_ =	shalt  }
0x49: {  	_ =	shalt  }
0x4a: {  	_ =	shalt  }
0x4b: {  	_ =	shalt  }
0x4c: {  	_ =	shalt  }
0x4d: {  	_ =	shalt  }
0x4e: {  	_ =	shalt  }
0x4f: {  	_ =	shalt  }
0x50: {  	_ =	shalt  }
0x51: {  	_ =	shalt  }
0x52: {  	_ =	shalt  }
0x53: {  	_ =	shalt  }
0x54: {  	_ =	shalt  }
0x55: {  	_ =	shalt  }
0x56: {  	_ =	shalt  }
0x57: {  	_ =	shalt  }
0x58: {  	_ =	shalt  }
0x59: {  	_ =	shalt  }
0x5a: {  	_ =	shalt  }
0x5b: {  	_ =	shalt  }
0x5c: {  	_ =	shalt  }
0x5d: {  	_ =	shalt  }
0x5e: {  	_ =	shalt  }
0x5f: {  	_ =	shalt  }
0x60: {  	_ =	shalt  }
0x61: {  	_ =	shalt  }
0x62: {  	_ =	shalt  }
0x63: {  	_ =	shalt  }
0x64: {  	_ =	shalt  }
0x65: {  	_ =	shalt  }
0x66: {  	_ =	shalt  }
0x67: {  	_ =	shalt  }
0x68: {  	_ =	shalt  }
0x69: {  	_ =	shalt  }
0x6a: {  	_ =	shalt  }
0x6b: {  	_ =	shalt  }
0x6c: {  	_ =	shalt  }
0x6d: {  	_ =	shalt  }
0x6e: {  	_ =	shalt  }
0x6f: {  	_ =	shalt  }
0x70: {  	_ =	shalt  }
0x71: {  	_ =	shalt  }
0x72: {  	_ =	shalt  }
0x73: {  	_ =	shalt  }
0x74: {  	_ =	shalt  }
0x75: {  	_ =	shalt  }
0x76: {  	_ =	shalt  }
0x77: {  	_ =	shalt  }
0x78: {  	_ =	shalt  }
0x79: {  	_ =	shalt  }
0x7a: {  	_ =	shalt  }
0x7b: {  	_ =	shalt  }
0x7c: {  	_ =	shalt  }
0x7d: {  	_ =	shalt  }
0x7e: {  	_ =	shalt  }
0x7f: {  	_ =	shalt  }
0x80: {  	_ =	shalt  }
0x81: {  	_ =	shalt  }
0x82: {  	_ =	shalt  }
0x83: {  	_ =	shalt  }
0x84: {  	_ =	shalt  }
0x85: {  	_ =	shalt  }
0x86: {  	_ =	shalt  }
0x87: {  	_ =	shalt  }
.Lfunc_end0:
.L_simem_size_0:
called_computation.1_lowered:
.L_overlay_start_0:
0x88: {  	s2 =	sld [smem:$0x3FD9]  }
0x89: {  	s3 =	sld [smem:$0x3FFE];
	_ =	sdelay $0x1  }
0x8a: {  	s1 =	srdreg.scid  }
0x8b: {  	s0 =	sand.u32 $0x1, s1  }
0x8c: {  	s17 =	sshll.u32 s0, $0xA;
	s2 =	sadd.s32 s3, s2  }
0x8d: {  	s2 =	sadd.s32 s2, s17  }
0x8e: {  	[smem:$0x3FC0] =	sst s2  }
0x8f: {  	_ = 	snop  }
0x90: {  	s2 =	sld [smem:$0x3FD0];
	(tm) =	ssettm $0x1  }
0x91: {  	s18 =	sld [smem:$0x3FFB];
	_ =	sdelay $0x3  }
0x92: {  	_ =	strace s18  }
0x93: {  	s3 =	sld [smem:$0x3FFC];
	_ =	sdelay $0x3  }
0x94: {  	_ =	strace s3  }
0x95: {  	s3 =	sld [smem:$0x3FFD];
	_ =	sdelay $0x3  }
0x96: {  	_ =	strace s3  }
0x97: {  	_ =	strace $0x8FFFFFFF  }
0x98: {  	s19 =	sld [smem:$0x3FDB];
	_ =	sdelay $0x1  }
0x99: {  	s4 =	simm.s32 $_scs_section_size  }
0x9a: {  	s5 =	simm.s32 $_size__tile_overlayer_lowered;
	s6 =	simm.s32 $_tile_overlayer_lowered  }
0x9b: {  	s22 =	simm.s32 $0x1BFF;
	s21 =	sshll.u32 s6, $0x1;
	s3 =	sadd.s32 s4, s19  }
0x9c: {  	s7 =	simm.s32 $0x0;
	s20 =	sshll.u32 s5, $0x1;
	s5 =	sadd.s32 s21, s3  }
0x9d: {  	[timem:s7], [sflag:s22] =	dma.local [hbm:s5], s20  }
0x9e: {  	_ =	swait.ge [sflag:s22], s20  }
0x9f: {  	s4 =	ssub.s32 $0x0, s20;
	[sflag:s22] =	ssyncset.done $0x0  }
0xa0: {  	[sflag:s22] =	ssyncadd.s32 s4;
	_ =	sdelay $0x1  }
0xa1: {  	s23 =	simm.s32 $0x1B8B  }
0xa2: {  	_ =	swait.ge [sflag:s23], $0x1  }
0xa3: {  	[sflag:s23] =	ssyncset.done $0x0  }
0xa4: {  	s25 =	simm.s32 $0x1B8E;
	s24 =	sld [smem:$0x3FFE];
	[sflag:s23] =	ssyncadd.s32 $0xFFFFFFFF  }
0xa5: {  	s26 =	simm.s32 $execute0_lowered;
	[smem:$0x3FD2] =	sst s25  }
0xa6: {  	s5 =	sshll.u32 s26, $0x1;
	_ =	strace $0x80000049;
	[dreg:$0x1] =	wrdreg $0xFFFFFFFF  }
0xa7: {  	s28 =	simm.s32 $_size_execute0_lowered;
	s3 =	sadd.s32 s3, s5;
	[dreg:$0x0] =	wrdreg $0x0  }
0xa8: {  	s5 =	sshll.u32 s28, $0x1;
	[dreg:$0x2] =	wrdreg s3  }
0xa9: {  	[dreg:$0x3] =	wrdreg s5  }
0xaa: {  	[dreg:$0x4] =	wrdreg $0xC0  }
0xab: {  	_ =	task [dreg:s7], $0x5FFFF  }
0xac: {  	[dreg:$0x1] =	wrdreg $0xFFFFFFFF  }
0xad: {  	[dreg:$0x0] =	wrdreg $0x60  }
0xae: {  	[dreg:$0x2] =	wrdreg s2  }
0xaf: {  	[dreg:$0x3] =	wrdreg s24  }
0xb0: {  	[dreg:$0x4] =	wrdreg $0x0  }
0xb1: {  	[dreg:$0x5] =	wrdreg $0x9  }
0xb2: {  	_ =	task.clear_ibuf [dreg:s7], $0x6FFFF;
	_ =	strace $0x90000049  }
0xb3: {  	s29 =	simm.s32 $0x9;
	_ =	strace $0x8000004B  }
0xb4: {  	_ =	swait.ge [sflag:s29], $0x1  }
0xb5: {  	[sflag:s29] =	ssyncadd.s32 $0xFFFFFFFF  }
0xb6: {  	_ =	strace $0x9000004B  }
0xb7: {  	_ =	sfence  }
0xb8: {  	s30 =	sld [smem:$0x0];
	_ =	sdelay $0x2  }
0xb9: {  	s31 =	sshll.u32 s1, $0xD;
	s1 =	sshrl.u32 s1, $0x2  }
0xba: {  	s3 =	sand.u32 $0x4000, s31;
	s1 =	sadd.s32 s1, s30  }
0xbb: {  	s0 =	sor.u32 s3, s0;
	s1 =	sshll.u32 s1, $0x11  }
0xbc: {  	s0 =	sor.u32 s1, s0  }
0xbd: {  	s0 =	sadd.s32 $0x8F2B, s0  }
0xbe: {  	[sflag:s0] =	ssyncadd.remote.s32 $0x1  }
0xbf: {  	_ =	sfence.sel $0xFFFF  }
0xc0: {  	[dreg:$0x0] =	wrdreg $0xFFFFFFFF;
	(pc) =	sbr.abs _section_cstart, $3  }
0xc1: {  	[dreg:$0x1] =	wrdreg $0xFFFFFFFF  }
0xc2: {  	_ =	task.clear_ibuf [dreg:s7], $0x2FFFF;
	_ =	strace $0x9FFFFFFF  }
0xc3: {  	(tm) =	ssettm $0x7FFFFFFF  }
tec
execute0_lowered:
.L_overlay_start_1:
0x0: {  	(tag) =	ssettag $0x1  }
0x1: {  	s1 =	rddreg [dreg:$0x0]  }
0x2: {  	s0 =	rddreg [dreg:$0x1]  }
0x3: {  	s2 =	rddreg [dreg:$0x2];
	s17 =	stileid.u32  }
0x4: {  	s3 =	srdreg.scid;
	s4 =	simm.s32 $0x0;
	s7 =	smul.u32 $0x14000, s17  }
0x5: {  	s28 =	simm.s32 $0x3;
	s29 =	simm.s32 $0x0;
	s9 =	smul.u32 $0x50000, s17  }
0x6: {  	s3 =	sand.u32 $0x1, s3;
	[smem:$0x7FF] =	sst s4;
	s25 =	smul.u32 $0x9E0, s17  }
0x7: {  	s5 =	sshll.u32 s17, $0x1;
	s18 =	sshll.u32 s17, $0x6;
	s17 =	smul.u32 $0x4F00, s17  }
0x8: {  	s14 =	sadd.s32 $0x16800, s0;
	s6 =	smul.u32 $0x140000, s3;
	s8 =	sor.u32 s3, s5  }
0x9: {  	_ =	strace $0x8000004A;
	s5 =	sadd.s32 $0x2C00, s0;
	s10 =	smul.u32 $0x2780, s8  }
0xa: {  	s11 =	ssub.s32 $0x2, s3;
	[dreg:$0x4] =	wrdreg s14;
	s8 =	smul.u32 $0x380, s8  }
0xb: {  	s15 =	sshrl.u32 s11, $0x1;
	s9 =	sshrl.u32 s9, $0x2;
	s30 =	sadd.s32 s25, s5  }
0xc: {  	s25 =	simm.s32 $0x1;
	s6 =	sadd.s32 s7, s6;
	s13 =	ssub.s32 s11, s15  }
0xd: {  	s15 =	sadd.s32 s9, s2;
	s7 =	sshrl.u32 s6, $0x3;
	s12 =	sand.u32 $0x7FC00, s10  }
0xe: {  	s8 =	sand.u32 $0x380, s8;
	s24 =	sshrl.u32 s10, $0x3;
	s14 =	sadd.s32 $0x4F080, s10  }
0xf: {  	s13 =	smax.u32 s13, $0x1;
	s0 =	sadd.s32 s7, s0;
	s16 =	sor.u32 s8, s12  }
0x10: {  	s7 =	sor.u32 $0x1C04, s18;
	s11 =	sadd.s32 s5, s24;
	s26 =	sshrl.u32 s14, $0x3  }
0x11: {  	s18 =	simm.s32 $0x14000;
	s19 =	sshrl.u32 s16, $0x3;
	s20 =	sadd.s32 $0x4F000, s16  }
0x12: {  	s16 =	smul.u32 $0x4F0, s3;
	s10 =	sadd.s32 $0x10, s11;
	s11 =	sadd.s32 s5, s26  }
0x13: {  	s3 =	smul.u32 $0x2780, s3;
	s12 =	sadd.s32 $0x19000, s0;
	s26 =	simm.s32 $0x18300  }
.Ltmp0:
0x14: {  	s21 =	sadd.s32 s5, s19;
	s22 =	sshrl.u32 s20, $0x3;
	(pc) =	sbr.rel .LBB2_1-.Ltmp0, $4  }
0x15: {  	s19 =	simm.s32 $0x14080;
	s20 =	simm.s32 $0x2;
	[dreg:$0x5] =	wrdreg s21  }
0x16: {  	s23 =	sadd.s32 s5, s22;
	s31 =	sadd.s32 s16, s30;
	s16 =	sshrl.u32 s15, $0x3  }
0x17: {  	s21 =	simm.s32 $0x80;
	s22 =	simm.s32 $0x14300;
	[dreg:$0x6] =	wrdreg s23  }
0x18: {  	s14 =	sadd.s32 $0x20, s31;
	s23 =	sadd.s32 s3, s17;
	s17 =	simm.s32 $0x4  }
.LBB2_4:
0x19: {  	_ =	swait.ge [sflag:s25], $0x4000  }
0x1a: {  	[sflag:s25] =	ssyncset.done $0x0  }
0x1b: {  	[sflag:s25] =	ssyncadd.s32 $0xFFFFC000  }
0x1c: {  	_ =	swait.ge [sflag:s28], $0x4000  }
0x1d: {  	[sflag:s28] =	ssyncset.done $0x0  }
0x1e: {  	[sflag:s28] =	ssyncadd.s32 $0xFFFFC000  }
0x1f: {  	[spmem:s2] =	stream.indirect.scatter.add.f32 [tilespmem:s22], [sflag:$0x3], $0x80, s19, s21, $0xb8;
	[tilespmem:$0x1C300] =	vst v63  }
0x20: {  	_ =	swait.ge [sflag:s28], $0x4000  }
0x21: {  	s29 =	sadd.s32 $0x1, s29;
	[sflag:s28] =	ssyncset.done $0x0  }
0x22: {  	p0 =	sne.s32 s29, s13;
	[sflag:s28] =	ssyncadd.s32 $0xFFFFC000  }
.Ltmp1:
0x23: {  	[bflag:$0x0] =	sbarrier.arrive $0xFFFF;
	(pc) =	sbr.rel @!p0 .LBB2_5-.Ltmp1, $4  }
0x24: {  	[hbm:s12], [sflag:s7] =	dma.local [spmem:s16], $0x2800  }
0x25: {  	_ =	swait.ge [sflag:s17], $0x2800  }
0x26: {  	[sflag:s17] =	ssyncset.done $0x0  }
0x27: {  	[sflag:s17] =	ssyncadd.s32 $0xFFFFD800  }
.LBB2_1:
0x28: {  	s0 =	rddreg [dreg:$0x4]  }
0x29: {  	[spmem:s16], [sflag:s7] =	dma.local [hbm:s0], $0x2800  }
0x2a: {  	_ =	swait.ge [sflag:s17], $0x2800  }
0x2b: {  	[sflag:s17] =	ssyncset.done $0x0  }
0x2c: {  	[sflag:s17] =	ssyncadd.s32 $0xFFFFD800  }
0x2d: {  	[bflag:$0x0] =	sbarrier.arrive $0xFFFF  }
0x2e: {  	s9 =	rddreg [dreg:$0x5]  }
0x2f: {  	[tilespmem:s18], [sflag:$0x2] =	stream.linear.gather [hbm4b:s9+s4], $0x80, $0x38;
	[tilespmem:$0x1C300] =	vst v63  }
0x30: {  	s15 =	rddreg [dreg:$0x6]  }
0x31: {  	[tilespmem:s19], [sflag:$0x2] =	stream.linear.gather [hbm4b:s15+s4], $0x80, $0x38;
	[tilespmem:$0x1C300] =	vst v63  }
0x32: {  	_ =	swait.ge [sflag:s20], $0x80  }
0x33: {  	[sflag:s20] =	ssyncset.done $0x0  }
0x34: {  	[sflag:s20] =	ssyncadd.s32 $0xFFFFFF80  }
0x35: {  	_ =	swait.ge [sflag:s20], $0x80  }
0x36: {  	[sflag:s20] =	ssyncset.done $0x0  }
0x37: {  	[sflag:s20] =	ssyncadd.s32 $0xFFFFFF80  }
0x38: {  	[tilespmem:s22], [sflag:$0x1] =	stream.indirect.gather [hbm4b:s1+s21], $0x80, s18, s21, $0xb8;
	[tilespmem:$0x1C300] =	vst v63  }
0x39: {  	s24 =	simm.s32 $0x14100;
	s31 =	simm.s32 $0x14180  }
0x3a: {  	[tilespmem:s24], [sflag:$0x2] =	stream.linear.gather [hbm4b:s10+s4], $0x80, $0x38;
	[tilespmem:$0x1C300] =	vst v63  }
0x3b: {  	s30 =	smov.u32 s14;
	s0 =	simm.s32 $0x0;
	s15 =	smov.u32 s23  }
0x3c: {  	[tilespmem:s31], [sflag:$0x2] =	stream.linear.gather [hbm4b:s11+s4], $0x80, $0x38;
	[tilespmem:$0x1C300] =	vst v63  }
.LBB2_2:
0x3d: {  	_ =	swait.ge [sflag:s20], $0x80  }
0x3e: {  	s3 =	sor.u32 $0x1, s0;
	[sflag:s20] =	ssyncset.done $0x0  }
0x3f: {  	s31 =	sand.u32 $0xFF, s3;
	[sflag:s20] =	ssyncadd.s32 $0xFFFFFF80  }
0x40: {  	s24 =	sand.u32 $0xFF, s0;
	s31 =	smul.u32 $0xAB, s31;
	_ =	swait.ge [sflag:s20], $0x80  }
0x41: {  	s24 =	smul.u32 $0xAB, s24;
	[sflag:s20] =	ssyncset.done $0x0  }
0x42: {  	s31 =	sshrl.u32 s31, $0x9;
	[sflag:s20] =	ssyncadd.s32 $0xFFFFFF80  }
0x43: {  	s24 =	sshrl.u32 s24, $0x9;
	s31 =	smul.u32 $0x3, s31;
	_ =	swait.ge [sflag:s25], $0x4000  }
0x44: {  	p0 =	seq.s32 s0, $0x0;
	s24 =	smul.u32 $0x3, s24;
	[sflag:s25] =	ssyncset.done $0x0  }
0x45: {  	s6 =	simm.s32 @!p0 $0x3;
	s3 =	ssub.s32 s3, s31;
	[sflag:s25] =	ssyncadd.s32 $0xFFFFC000  }
0x46: {  	s24 =	ssub.s32 s0, s24;
	s3 =	sand.u32 $0xFF, s3;
	_ =	swait.ge @!p0 [sflag:s6], $0x4000  }
0x47: {  	s8 =	sshll.u32 s3, $0x8;
	s3 =	sadd.s32 $0x2, s0;
	[sflag:s6] =	ssyncset.done @!p0 $0x0  }
0x48: {  	s9 =	sor.u32 $0x14000, s8;
	s31 =	smul.u32 $0xAB, s3;
	[sflag:s6] =	ssyncadd.s32 @!p0 $0xFFFFC000  }
0x49: {  	[tilespmem:s26], [sflag:$0x1] =	stream.indirect.gather [hbm4b:s1+s21], $0x80, s9, s21, $0xb8;
	[tilespmem:$0x1C300] =	vst v63  }
0x4a: {  	s24 =	sand.u32 $0xFF, s24;
	s9 =	sshrl.u32 s31, $0x9  }
0x4b: {  	s6 =	sshll.u32 s24, $0x8;
	s24 =	sand.u32 $0x7F, s9  }
0x4c: {  	s6 =	sadd.s32 $0x14080, s6;
	s24 =	smul.u32 $0x3, s24  }
0x4d: {  	[spmem:s2] =	stream.indirect.scatter.add.f32 [tilespmem:s22], [sflag:$0x3], $0x80, s6, s21, $0xb8;
	[tilespmem:$0x1C300] =	vst v63  }
0x4e: {  	s31 =	sadd.s32 $0x100, s15;
	s9 =	ssub.s32 s3, s24  }
0x4f: {  	s6 =	sand.u32 $0xFF, s9;
	s9 =	sand.u32 $0x7FFFFF80, s31  }
0x50: {  	s6 =	sshll.u32 s6, $0x8;
	s9 =	sadd.s32 $0x4F000, s9  }
0x51: {  	s24 =	sor.u32 $0x14000, s6;
	s9 =	sshrl.u32 s9, $0x3  }
0x52: {  	[tilespmem:s24], [sflag:$0x2] =	stream.linear.gather [hbm4b:s30+s4], $0x80, $0x38;
	[tilespmem:$0x1C300] =	vst v63  }
0x53: {  	s6 =	sor.u32 $0x14080, s6;
	s9 =	sadd.s32 s5, s9  }
0x54: {  	[tilespmem:s6], [sflag:$0x2] =	stream.linear.gather [hbm4b:s9+s4], $0x80, $0x38;
	[tilespmem:$0x1C300] =	vst v63  }
0x55: {  	_ =	swait.ge [sflag:s20], $0x80  }
0x56: {  	[sflag:s20] =	ssyncset.done $0x0  }
0x57: {  	[sflag:s20] =	ssyncadd.s32 $0xFFFFFF80  }
0x58: {  	_ =	swait.ge [sflag:s20], $0x80  }
0x59: {  	[sflag:s20] =	ssyncset.done $0x0  }
0x5a: {  	[sflag:s20] =	ssyncadd.s32 $0xFFFFFF80  }
0x5b: {  	_ =	swait.ge [sflag:s25], $0x4000  }
0x5c: {  	[sflag:s25] =	ssyncset.done $0x0  }
0x5d: {  	[sflag:s25] =	ssyncadd.s32 $0xFFFFC000  }
0x5e: {  	p0 =	seq.s32 s0, $0x4C;
	_ =	swait.ge [sflag:s28], $0x4000  }
.Ltmp2:
0x5f: {  	[sflag:s28] =	ssyncset.done $0x0;
	(pc) =	sbr.rel @p0 .LBB2_4-.Ltmp2, $4  }
0x60: {  	[sflag:s28] =	ssyncadd.s32 $0xFFFFC000  }
0x61: {  	[tilespmem:s22], [sflag:$0x1] =	stream.indirect.gather [hbm4b:s1+s21], $0x80, s24, s21, $0xb8;
	[tilespmem:$0x1C300] =	vst v63  }
0x62: {  	s24 =	sor.u32 $0x14080, s8  }
0x63: {  	[spmem:s2] =	stream.indirect.scatter.add.f32 [tilespmem:s26], [sflag:$0x3], $0x80, s24, s21, $0xb8;
	[tilespmem:$0x1C300] =	vst v63  }
0x64: {  	s0 =	sadd.s32 $0x3, s0  }
0x65: {  	s6 =	smul.u32 $0xAB, s0;
	_ =	sdelay $0x1  }
0x66: {  	s6 =	sshrl.u32 s6, $0x9  }
0x67: {  	s6 =	sand.u32 $0x7F, s6  }
0x68: {  	s6 =	smul.u32 $0x3, s6;
	_ =	sdelay $0x1  }
0x69: {  	s24 =	sadd.s32 $0x180, s15;
	s0 =	ssub.s32 s0, s6  }
0x6a: {  	s6 =	sand.u32 $0x7FFFFF80, s24;
	s0 =	sand.u32 $0xFF, s0  }
0x6b: {  	s9 =	sadd.s32 $0x10, s30;
	s6 =	sadd.s32 $0x4F000, s6;
	s0 =	sshll.u32 s0, $0x8  }
.Ltmp3:
0x6c: {  	s6 =	sshrl.u32 s6, $0x3;
	s8 =	sor.u32 $0x14000, s0;
	(pc) =	sbr.rel .LBB2_2-.Ltmp3, $4  }
0x6d: {  	[tilespmem:s8], [sflag:$0x2] =	stream.linear.gather [hbm4b:s9+s4], $0x80, $0x38;
	[tilespmem:$0x1C300] =	vst v63  }
0x6e: {  	s0 =	sor.u32 $0x14080, s0;
	s6 =	sadd.s32 s5, s6  }
0x6f: {  	[tilespmem:s0], [sflag:$0x2] =	stream.linear.gather [hbm4b:s6+s4], $0x80, $0x38;
	[tilespmem:$0x1C300] =	vst v63  }
0x70: {  	s30 =	sadd.s32 $0x20, s30;
	s15 =	smov.u32 s31;
	s0 =	smov.u32 s3  }
.LBB2_5:
0x71: {  	_ =	sfence.sel $0x180000  }
0x72: {  	[bflag:$0x0] =	sbarrier.arrive $0xFFFF  }
0x73: {  	_ =	strace $0x9000004A  }
0x74: {  	s0 =	stileid.u32;
	[bflag:$0x2] =	sbarrier.arrive $0xFFFF  }
0x75: {  	p0 =	sne.s32 s0, $0x0;
	s0 =	rddreg [dreg:$0x3]  }
0x76: {  	s0 =	sadd.s32 @!p0 $0x100000, s0  }
0x77: {  	[sflag:s0] =	ssyncadd.tile.s32 @!p0 $0x1;
	_ =	shalt  }
.Lfunc_end2:
_tile_overlayer_lowered:
.L_overlay_start_2:
0x78: {  	(tag) =	ssettag $0x2  }
0x79: {  	s0 =	rddreg [dreg:$0x0];
	s2 =	stileid.u32  }
0x7a: {  	s1 =	rddreg [dreg:$0x1];
	p0 =	sne.s32 s2, $0x0  }
0x7b: {  	s3 =	rddreg [dreg:$0x2];
	[bflag:$0x3] =	sbarrier.arrive $0xFFFF;
	s2 =	simm.s32 @!p0 $0x1C04  }
0x7c: {  	[timem:s3], [sflag:s2] =	dma.local @!p0 [hbm:s0], s1  }
0x7d: {  	s0 =	simm.s32 @!p0 $0x4  }
0x7e: {  	_ =	swait.ge @!p0 [sflag:s0], s1  }
0x7f: {  	s1 =	ssub.s32 @!p0 $0x0, s1;
	[sflag:s0] =	ssyncset.done @!p0 $0x0  }
0x80: {  	[sflag:s0] =	ssyncadd.s32 @!p0 s1  }
0x81: {  	[bflag:$0x3] =	sbarrier.arrive $0xFFFF  }
0x82: {  	_ =	shalt  }

// kernel: sc_segsum_deg1.3.cloned.1.call-start
scs
__scs_entry_jumppad:
0x0: {  	(pc) =	sbr.rel $0x88, $3  }
0x1: {  	(tag) =	ssettag $0x0;
	lr =	simm.s32 $0x1  }
0x2: {  	[smem:$0x3F99] =	sst lr;
	_ =	strace $0xD0000000  }
0x3: {  	_ = 	snop  }
0x4: {  	_ = 	snop  }
0x5: {  	_ = 	snop  }
0x6: {  	_ = 	snop  }
0x7: {  	_ = 	snop  }
__scs_overlays_trampoline_lowered:
0x8: {  	[smem:$0x3FA8] =	sst s0  }
0x9: {  	[smem:$0x3FA9] =	sst s1  }
0xa: {  	[smem:$0x3FAA] =	sst s2  }
0xb: {  	[smem:$0x3FAB] =	sst s3  }
0xc: {  	[smem:$0x3FAC] =	sst s4  }
0xd: {  	[smem:$0x3FAD] =	sst s5  }
0xe: {  	[smem:$0x3FAE] =	sst s6  }
0xf: {  	[smem:$0x3FAF] =	sst s7  }
0x10: {  	[smem:$0x3FB0] =	sst s8  }
0x11: {  	[smem:$0x3FB1] =	sst s9;
	s0 =	simm.s32 @!p0 $0x0  }
0x12: {  	s1 =	sld [smem:$0x3F97];
	s0 =	simm.s32 @p0 $0x1  }
0x13: {  	[smem:$0x3FB2] =	sst s0;
	s0 =	simm.s32 @!p1 $0x0  }
0x14: {  	s2 =	sld [smem:$0x3F96];
	s0 =	simm.s32 @p1 $0x1  }
0x15: {  	[smem:$0x3FB3] =	sst s0;
	s0 =	simm.s32 @!p2 $0x0  }
0x16: {  	s3 =	sld [smem:$0x3FDB];
	s0 =	simm.s32 @p2 $0x1  }
0x17: {  	s4 =	simm.s32 $0x1BF5;
	[smem:$0x3FB5] =	sst s0  }
0x18: {  	s0 =	sld [smem:$0x3F98];
	_ =	swait.ge [sflag:s4], $0x0  }
0x19: {  	s7 =	sld [smem:$0x3F99]  }
0x1a: {  	s8 =	sadd.s32 $0xFFFFE003, lr  }
0x1b: {  	s9 =	sadd.s32 $0xFFFFFEF7, lr;
	s5 =	simm.s32 $0xFFFFFFFF;
	p2 =	slt.u32 s8, $0xFFFFF086  }
0x1c: {  	p1 =	slt.u32 s9, $0xF7A;
	s5 =	simm.s32 @!p2 $0x0  }
0x1d: {  	s5 =	simm.s32 @p1 $0x1;
	p0 =	seq.s32 s7, s2  }
0x1e: {  	s7 =	smul.u32 @!p0 $0xF7A, s2;
	p2 =	seq.s32 @!p0 s5, $0x0  }
0x1f: {  	s9 =	smul.u32 $0xF7A, s1;
	s8 =	simm.s32 @!p0 $0x1BF5;
	p2 =	por !p2, p0  }
0x20: {  	[sflag:s8] =	ssyncset.s32 @!p0 $0xFFFFF086;
	s6 =	sadd.s32 @!p0 s3, s7;
	s7 =	simm.s32 @!p0 $0x108  }
0x21: {  	s3 =	sadd.s32 s3, s9;
	s6 =	sadd.s32 @!p0 $0x88, s6;
	s7 =	simm.s32 @p2 $0x1082  }
0x22: {  	[simem:s7], [sflag:s8] =	dma.local @!p0 [hbm:s6], $0xF7A  }
0x23: {  	s9 =	sor.u32 $0xD0000000, s2;
	s6 =	simm.s32 $0x108;
	_ =	swait.ge @!p0 [sflag:s8], $0x0  }
0x24: {  	s3 =	sadd.s32 $0x88, s3;
	s6 =	simm.s32 @!p1 $0x1082;
	[sflag:s4] =	ssyncset.s32 $0xFFFFF086  }
0x25: {  	[simem:s6], [sflag:s4] =	dma.local [hbm:s3], $0xF7A  }
0x26: {  	[smem:$0x3F99] =	sst s1;
	(tag) =	ssettag s2;
	_ =	strace s9  }
0x27: {  	s1 =	sld [smem:$0x3FA9]  }
0x28: {  	s2 =	sld [smem:$0x3FAA]  }
0x29: {  	s4 =	sld [smem:$0x3FAC]  }
0x2a: {  	p0 =	seq.s32 s5, $0x0;
	s5 =	sld [smem:$0x3FAD]  }
0x2b: {  	s6 =	sld [smem:$0x3FAE]  }
0x2c: {  	s7 =	sld [smem:$0x3FAF]  }
0x2d: {  	s3 =	simm.s32 $0x108;
	s8 =	sld [smem:$0x3FB0]  }
0x2e: {  	s3 =	simm.s32 @!p0 $0x1082;
	s9 =	sld [smem:$0x3FB1]  }
0x2f: {  	lr =	sadd.s32 s0, s3;
	s0 =	sld [smem:$0x3FA8]  }
0x30: {  	s3 =	sld [smem:$0x3FAB]  }
0x31: {  	[smem:$0x3FB4] =	sst s10  }
0x32: {  	s10 =	sld [smem:$0x3FB2];
	_ =	sdelay $0x3  }
0x33: {  	p0 =	seq.s32 s10, $0x1;
	s10 =	sld [smem:$0x3FB4];
	_ =	sdelay $0x3  }
0x34: {  	[smem:$0x3FB4] =	sst s10  }
0x35: {  	s10 =	sld [smem:$0x3FB3];
	_ =	sdelay $0x3  }
0x36: {  	p1 =	seq.s32 s10, $0x1;
	s10 =	sld [smem:$0x3FB4];
	_ =	sdelay $0x3  }
0x37: {  	[smem:$0x3FB4] =	sst s10  }
0x38: {  	s10 =	sld [smem:$0x3FB5]  }
0x39: {  	_ = 	snop;
	(pc) =	sbr.ind lr, $3  }
0x3a: {  	_ = 	snop  }
0x3b: {  	_ = 	snop  }
0x3c: {  	p2 =	seq.s32 s10, $0x1;
	s10 =	sld [smem:$0x3FB4]  }
0x3d: {  	_ =	shalt  }
0x3e: {  	_ =	shalt  }
0x3f: {  	_ =	shalt  }
0x40: {  	_ =	shalt  }
0x41: {  	_ =	shalt  }
0x42: {  	_ =	shalt  }
0x43: {  	_ =	shalt  }
0x44: {  	_ =	shalt  }
0x45: {  	_ =	shalt  }
0x46: {  	_ =	shalt  }
0x47: {  	_ =	shalt  }
0x48: {  	_ =	shalt  }
0x49: {  	_ =	shalt  }
0x4a: {  	_ =	shalt  }
0x4b: {  	_ =	shalt  }
0x4c: {  	_ =	shalt  }
0x4d: {  	_ =	shalt  }
0x4e: {  	_ =	shalt  }
0x4f: {  	_ =	shalt  }
0x50: {  	_ =	shalt  }
0x51: {  	_ =	shalt  }
0x52: {  	_ =	shalt  }
0x53: {  	_ =	shalt  }
0x54: {  	_ =	shalt  }
0x55: {  	_ =	shalt  }
0x56: {  	_ =	shalt  }
0x57: {  	_ =	shalt  }
0x58: {  	_ =	shalt  }
0x59: {  	_ =	shalt  }
0x5a: {  	_ =	shalt  }
0x5b: {  	_ =	shalt  }
0x5c: {  	_ =	shalt  }
0x5d: {  	_ =	shalt  }
0x5e: {  	_ =	shalt  }
0x5f: {  	_ =	shalt  }
0x60: {  	_ =	shalt  }
0x61: {  	_ =	shalt  }
0x62: {  	_ =	shalt  }
0x63: {  	_ =	shalt  }
0x64: {  	_ =	shalt  }
0x65: {  	_ =	shalt  }
0x66: {  	_ =	shalt  }
0x67: {  	_ =	shalt  }
0x68: {  	_ =	shalt  }
0x69: {  	_ =	shalt  }
0x6a: {  	_ =	shalt  }
0x6b: {  	_ =	shalt  }
0x6c: {  	_ =	shalt  }
0x6d: {  	_ =	shalt  }
0x6e: {  	_ =	shalt  }
0x6f: {  	_ =	shalt  }
0x70: {  	_ =	shalt  }
0x71: {  	_ =	shalt  }
0x72: {  	_ =	shalt  }
0x73: {  	_ =	shalt  }
0x74: {  	_ =	shalt  }
0x75: {  	_ =	shalt  }
0x76: {  	_ =	shalt  }
0x77: {  	_ =	shalt  }
0x78: {  	_ =	shalt  }
0x79: {  	_ =	shalt  }
0x7a: {  	_ =	shalt  }
0x7b: {  	_ =	shalt  }
0x7c: {  	_ =	shalt  }
0x7d: {  	_ =	shalt  }
0x7e: {  	_ =	shalt  }
0x7f: {  	_ =	shalt  }
0x80: {  	_ =	shalt  }
0x81: {  	_ =	shalt  }
0x82: {  	_ =	shalt  }
0x83: {  	_ =	shalt  }
0x84: {  	_ =	shalt  }
0x85: {  	_ =	shalt  }
0x86: {  	_ =	shalt  }
0x87: {  	_ =	shalt  }
.Lfunc_end0:
.L_simem_size_0:
called_computation_lowered:
.L_overlay_start_0:
0x88: {  	s2 =	sld [smem:$0x3FD9]  }
0x89: {  	s3 =	sld [smem:$0x3FFE];
	_ =	sdelay $0x1  }
0x8a: {  	s1 =	srdreg.scid  }
0x8b: {  	s0 =	sand.u32 $0x1, s1  }
0x8c: {  	s17 =	sshll.u32 s0, $0xA;
	s2 =	sadd.s32 s3, s2  }
0x8d: {  	s2 =	sadd.s32 s2, s17  }
0x8e: {  	[smem:$0x3FC0] =	sst s2  }
0x8f: {  	_ = 	snop  }
0x90: {  	s2 =	sld [smem:$0x3FD0];
	(tm) =	ssettm $0x1  }
0x91: {  	s18 =	sld [smem:$0x3FFB];
	_ =	sdelay $0x3  }
0x92: {  	_ =	strace s18  }
0x93: {  	s3 =	sld [smem:$0x3FFC];
	_ =	sdelay $0x3  }
0x94: {  	_ =	strace s3  }
0x95: {  	s3 =	sld [smem:$0x3FFD];
	_ =	sdelay $0x3  }
0x96: {  	_ =	strace s3  }
0x97: {  	_ =	strace $0x8FFFFFFF  }
0x98: {  	s19 =	sld [smem:$0x3FDB];
	_ =	sdelay $0x1  }
0x99: {  	s4 =	simm.s32 $_scs_section_size  }
0x9a: {  	s5 =	simm.s32 $_size__tile_overlayer_lowered;
	s6 =	simm.s32 $_tile_overlayer_lowered  }
0x9b: {  	s22 =	simm.s32 $0x1BFF;
	s21 =	sshll.u32 s6, $0x1;
	s3 =	sadd.s32 s4, s19  }
0x9c: {  	s7 =	simm.s32 $0x0;
	s20 =	sshll.u32 s5, $0x1;
	s5 =	sadd.s32 s21, s3  }
0x9d: {  	[timem:s7], [sflag:s22] =	dma.local [hbm:s5], s20  }
0x9e: {  	_ =	swait.ge [sflag:s22], s20  }
0x9f: {  	s4 =	ssub.s32 $0x0, s20;
	[sflag:s22] =	ssyncset.done $0x0  }
0xa0: {  	[sflag:s22] =	ssyncadd.s32 s4;
	_ =	sdelay $0x1  }
0xa1: {  	s23 =	simm.s32 $0x1B8B  }
0xa2: {  	_ =	swait.ge [sflag:s23], $0x1  }
0xa3: {  	[sflag:s23] =	ssyncset.done $0x0  }
0xa4: {  	s25 =	simm.s32 $0x1B8E;
	s24 =	sld [smem:$0x3FFE];
	[sflag:s23] =	ssyncadd.s32 $0xFFFFFFFF  }
0xa5: {  	s26 =	simm.s32 $execute0_lowered;
	[smem:$0x3FD2] =	sst s25  }
0xa6: {  	s5 =	sshll.u32 s26, $0x1;
	_ =	strace $0x80000046;
	[dreg:$0x1] =	wrdreg $0xFFFFFFFF  }
0xa7: {  	s28 =	simm.s32 $_size_execute0_lowered;
	s3 =	sadd.s32 s3, s5;
	[dreg:$0x0] =	wrdreg $0x0  }
0xa8: {  	s5 =	sshll.u32 s28, $0x1;
	[dreg:$0x2] =	wrdreg s3  }
0xa9: {  	[dreg:$0x3] =	wrdreg s5  }
0xaa: {  	[dreg:$0x4] =	wrdreg $0xC0  }
0xab: {  	_ =	task [dreg:s7], $0x5FFFF  }
0xac: {  	[dreg:$0x1] =	wrdreg $0xFFFFFFFF  }
0xad: {  	[dreg:$0x0] =	wrdreg $0x60  }
0xae: {  	[dreg:$0x2] =	wrdreg s2  }
0xaf: {  	[dreg:$0x3] =	wrdreg s24  }
0xb0: {  	[dreg:$0x4] =	wrdreg $0x0  }
0xb1: {  	[dreg:$0x5] =	wrdreg $0x9  }
0xb2: {  	_ =	task.clear_ibuf [dreg:s7], $0x6FFFF;
	_ =	strace $0x90000046  }
0xb3: {  	s29 =	simm.s32 $0x9;
	_ =	strace $0x80000048  }
0xb4: {  	_ =	swait.ge [sflag:s29], $0x1  }
0xb5: {  	[sflag:s29] =	ssyncadd.s32 $0xFFFFFFFF  }
0xb6: {  	_ =	strace $0x90000048  }
0xb7: {  	_ =	sfence  }
0xb8: {  	s30 =	sld [smem:$0x0];
	_ =	sdelay $0x2  }
0xb9: {  	s31 =	sshll.u32 s1, $0xD;
	s1 =	sshrl.u32 s1, $0x2  }
0xba: {  	s3 =	sand.u32 $0x4000, s31;
	s1 =	sadd.s32 s1, s30  }
0xbb: {  	s0 =	sor.u32 s3, s0;
	s1 =	sshll.u32 s1, $0x11  }
0xbc: {  	s0 =	sor.u32 s1, s0  }
0xbd: {  	s0 =	sadd.s32 $0x8F2B, s0  }
0xbe: {  	[sflag:s0] =	ssyncadd.remote.s32 $0x1  }
0xbf: {  	_ =	sfence.sel $0xFFFF  }
0xc0: {  	[dreg:$0x0] =	wrdreg $0xFFFFFFFF;
	(pc) =	sbr.abs _section_cstart, $3  }
0xc1: {  	[dreg:$0x1] =	wrdreg $0xFFFFFFFF  }
0xc2: {  	_ =	task.clear_ibuf [dreg:s7], $0x2FFFF;
	_ =	strace $0x9FFFFFFF  }
0xc3: {  	(tm) =	ssettm $0x7FFFFFFF  }
tec
execute0_lowered:
.L_overlay_start_1:
0x0: {  	(tag) =	ssettag $0x1  }
0x1: {  	s1 =	rddreg [dreg:$0x0]  }
0x2: {  	s0 =	rddreg [dreg:$0x1]  }
0x3: {  	s2 =	rddreg [dreg:$0x2];
	s3 =	simm.s32 $0x0;
	s4 =	srdreg.scid  }
0x4: {  	s14 =	stileid.u32;
	s29 =	simm.s32 $0x1;
	s30 =	simm.s32 $0x18300  }
0x5: {  	s31 =	simm.s32 $0x3;
	[smem:$0x7FF] =	sst s3;
	s8 =	smul.u32 $0x14000, s14  }
0x6: {  	s5 =	sadd.s32 $0x2C00, s0;
	s4 =	sand.u32 $0x1, s4;
	s18 =	smul.u32 $0x50000, s14  }
0x7: {  	s6 =	sadd.s32 $0x16800, s0;
	s7 =	sshll.u32 s14, $0x1;
	s13 =	smul.u32 $0x9E0, s14  }
0x8: {  	s9 =	sshrl.u32 s14, $0x2;
	s10 =	sadd.s32 $0x19000, s0;
	s25 =	smul.u32 $0x4F00, s14  }
0x9: {  	s21 =	sshll.u32 s14, $0x6;
	_ =	strace $0x80000047;
	s15 =	smul.u32 $0x140000, s4  }
0xa: {  	[dreg:$0x4] =	wrdreg s6;
	s7 =	sor.u32 s4, s7;
	s9 =	smul.u32 $0x14000, s9  }
0xb: {  	[dreg:$0x5] =	wrdreg s10;
	s11 =	ssub.s32 $0x2, s4;
	s19 =	smul.u32 $0x2780, s7  }
0xc: {  	s16 =	sshll.u32 s7, $0x7;
	s7 =	smul.u32 $0x380, s7;
	s20 =	sshrl.u32 s11, $0x1  }
0xd: {  	s10 =	sshrl.u32 s18, $0x2;
	s26 =	sadd.s32 s13, s5;
	s6 =	sadd.s32 s8, s15  }
0xe: {  	s17 =	sand.u32 $0x380, s16;
	s15 =	ssub.s32 s11, s20;
	s16 =	sadd.s32 s10, s2  }
0xf: {  	s20 =	simm.s32 $0x1C300;
	s6 =	sshrl.u32 s6, $0x3;
	s8 =	sor.u32 s9, s17  }
0x10: {  	s12 =	sand.u32 $0x7FC00, s19;
	s7 =	sand.u32 $0x380, s7;
	s17 =	smul.u32 $0x4F0, s4  }
0x11: {  	s23 =	sshrl.u32 s19, $0x3;
	s9 =	sadd.s32 $0x4F080, s19;
	s4 =	smul.u32 $0x2780, s4  }
0x12: {  	s15 =	smax.u32 s15, $0x1;
	s18 =	sshrl.u32 s16, $0x3;
	s19 =	simm.s32 $0x4  }
0x13: {  	s8 =	sshrl.u32 s8, $0x3;
	s6 =	sadd.s32 s6, s0;
	s7 =	sor.u32 s7, s12  }
0x14: {  	s24 =	sshrl.u32 s9, $0x3;
	s0 =	sadd.s32 s8, s0;
	s22 =	sshrl.u32 s7, $0x3  }
0x15: {  	s7 =	sadd.s32 $0x4F000, s7;
	s8 =	sor.u32 $0x1C04, s21;
	s13 =	sadd.s32 $0x23600, s6  }
0x16: {  	s28 =	sadd.s32 s17, s26;
	s9 =	sadd.s32 s4, s25;
	s21 =	simm.s32 $0x14000  }
0x17: {  	s25 =	simm.s32 $0x14300;
	s4 =	simm.s32 $0x0;
	s7 =	sshrl.u32 s7, $0x3  }
.Ltmp0:
0x18: {  	s10 =	sadd.s32 s5, s22;
	s7 =	sadd.s32 s5, s7;
	(pc) =	sbr.rel .LBB2_1-.Ltmp0, $4  }
0x19: {  	s14 =	sadd.s32 $0x19600, s0;
	[dreg:$0x7] =	wrdreg s7;
	s7 =	sadd.s32 s5, s23  }
0x1a: {  	s26 =	sadd.s32 $0x20, s28;
	[dreg:$0x6] =	wrdreg s10;
	s7 =	sadd.s32 $0x10, s7  }
0x1b: {  	s22 =	simm.s32 $0x14080;
	[dreg:$0x8] =	wrdreg s7;
	s7 =	sadd.s32 s5, s24  }
0x1c: {  	v0 =	vimm.f32 $1.000000000e+00;
	s23 =	simm.s32 $0x2;
	s24 =	simm.s32 $0x80;
	[dreg:$0x9] =	wrdreg s7  }
.LBB2_4:
0x1d: {  	_ =	swait.ge [sflag:s29], $0x4000  }
0x1e: {  	[sflag:s29] =	ssyncset.done $0x0  }
0x1f: {  	[sflag:s29] =	ssyncadd.s32 $0xFFFFC000  }
0x20: {  	_ =	swait.ge [sflag:s31], $0x4000  }
0x21: {  	[sflag:s31] =	ssyncset.done $0x0  }
0x22: {  	[sflag:s31] =	ssyncadd.s32 $0xFFFFC000  }
0x23: {  	v1 =	vld [tilespmem:$0x14080];
	_ =	sdelay $0x7  }
0x24: {  	[tilespmem:v1+s20+$0x0] =	vst.idx.add.f32.msk $0xffff, v0  }
0x25: {  	v1 =	vld [tilespmem:$0x14090];
	_ =	sdelay $0x7  }
0x26: {  	[tilespmem:v1+s20+$0x0] =	vst.idx.add.f32.msk $0xffff, v0  }
0x27: {  	v1 =	vld [tilespmem:$0x140A0];
	_ =	sdelay $0x7  }
0x28: {  	[tilespmem:v1+s20+$0x0] =	vst.idx.add.f32.msk $0xffff, v0  }
0x29: {  	v1 =	vld [tilespmem:$0x140B0];
	_ =	sdelay $0x7  }
0x2a: {  	[tilespmem:v1+s20+$0x0] =	vst.idx.add.f32.msk $0xffff, v0  }
0x2b: {  	v1 =	vld [tilespmem:$0x140C0];
	_ =	sdelay $0x7  }
0x2c: {  	[tilespmem:v1+s20+$0x0] =	vst.idx.add.f32.msk $0xffff, v0  }
0x2d: {  	v1 =	vld [tilespmem:$0x140D0];
	_ =	sdelay $0x7  }
0x2e: {  	[tilespmem:v1+s20+$0x0] =	vst.idx.add.f32.msk $0xffff, v0  }
0x2f: {  	v1 =	vld [tilespmem:$0x140E0];
	_ =	sdelay $0x7  }
0x30: {  	[tilespmem:v1+s20+$0x0] =	vst.idx.add.f32.msk $0xffff, v0  }
0x31: {  	v1 =	vld [tilespmem:$0x140F0];
	_ =	sdelay $0x7  }
0x32: {  	[tilespmem:v1+s20+$0x0] =	vst.idx.add.f32.msk $0xffff, v0  }
0x33: {  	[spmem:s2] =	stream.indirect.scatter.add.f32 [tilespmem:s25], [sflag:$0x3], $0x80, s22, s24, $0xb8;
	[tilespmem:$0x1EB00] =	vst v63  }
0x34: {  	_ =	swait.ge [sflag:s31], $0x4000  }
0x35: {  	[sflag:s31] =	ssyncset.done $0x0  }
0x36: {  	[sflag:s31] =	ssyncadd.s32 $0xFFFFC000  }
0x37: {  	[bflag:$0x0] =	sbarrier.arrive $0xFFFF  }
0x38: {  	[hbm:s13], [sflag:s8] =	dma.local [spmem:s18], $0x2800  }
0x39: {  	s4 =	sadd.s32 $0x1, s4;
	_ =	swait.ge [sflag:s19], $0x2800  }
0x3a: {  	p0 =	sne.s32 s4, s15;
	[sflag:s19] =	ssyncset.done $0x0  }
.Ltmp1:
0x3b: {  	s0 =	simm.s32 $0x400;
	[sflag:s19] =	ssyncadd.s32 $0xFFFFD800;
	(pc) =	sbr.rel @!p0 .LBB2_5-.Ltmp1, $4  }
0x3c: {  	[hbm4b:s14+s24] =	stream.strided.scatter [tilespmem:s20], [sflag:$0x4], $0x2800, s0, s24, $0x38;
	[tilespmem:$0x1EB00] =	vst v63  }
0x3d: {  	_ =	swait.ge [sflag:s19], $0x2800  }
0x3e: {  	[sflag:s19] =	ssyncset.done $0x0  }
0x3f: {  	[sflag:s19] =	ssyncadd.s32 $0xFFFFD800  }
.LBB2_1:
0x40: {  	s0 =	rddreg [dreg:$0x4]  }
0x41: {  	[spmem:s18], [sflag:s8] =	dma.local [hbm:s0], $0x2800  }
0x42: {  	_ =	swait.ge [sflag:s19], $0x2800  }
0x43: {  	[sflag:s19] =	ssyncset.done $0x0  }
0x44: {  	s7 =	rddreg [dreg:$0x5];
	[sflag:s19] =	ssyncadd.s32 $0xFFFFD800  }
0x45: {  	[tilespmem:s20], [sflag:$0x4] =	stream.linear.gather [hbm4b:s7+s3], $0x2800, $0x38;
	[tilespmem:$0x1EB00] =	vst v63  }
0x46: {  	_ =	swait.ge [sflag:s19], $0x2800  }
0x47: {  	[sflag:s19] =	ssyncset.done $0x0  }
0x48: {  	[sflag:s19] =	ssyncadd.s32 $0xFFFFD800  }
0x49: {  	[bflag:$0x0] =	sbarrier.arrive $0xFFFF  }
0x4a: {  	s10 =	rddreg [dreg:$0x6]  }
0x4b: {  	[tilespmem:s21], [sflag:$0x2] =	stream.linear.gather [hbm4b:s10+s3], $0x80, $0x38;
	[tilespmem:$0x1EB00] =	vst v63  }
0x4c: {  	s11 =	rddreg [dreg:$0x7]  }
0x4d: {  	[tilespmem:s22], [sflag:$0x2] =	stream.linear.gather [hbm4b:s11+s3], $0x80, $0x38;
	[tilespmem:$0x1EB00] =	vst v63  }
0x4e: {  	_ =	swait.ge [sflag:s23], $0x80  }
0x4f: {  	[sflag:s23] =	ssyncset.done $0x0  }
0x50: {  	[sflag:s23] =	ssyncadd.s32 $0xFFFFFF80  }
0x51: {  	_ =	swait.ge [sflag:s23], $0x80  }
0x52: {  	[sflag:s23] =	ssyncset.done $0x0  }
0x53: {  	[sflag:s23] =	ssyncadd.s32 $0xFFFFFF80  }
0x54: {  	[tilespmem:s25], [sflag:$0x1] =	stream.indirect.gather [hbm4b:s1+s24], $0x80, s21, s24, $0xb8;
	[tilespmem:$0x1EB00] =	vst v63  }
0x55: {  	s6 =	simm.s32 $0x14100;
	s12 =	rddreg [dreg:$0x8]  }
0x56: {  	[tilespmem:s6], [sflag:$0x2] =	stream.linear.gather [hbm4b:s12+s3], $0x80, $0x38;
	[tilespmem:$0x1EB00] =	vst v63  }
0x57: {  	s17 =	simm.s32 $0x14180;
	s16 =	rddreg [dreg:$0x9]  }
0x58: {  	[tilespmem:s17], [sflag:$0x2] =	stream.linear.gather [hbm4b:s16+s3], $0x80, $0x38;
	[tilespmem:$0x1EB00] =	vst v63  }
0x59: {  	s28 =	smov.u32 s9;
	s0 =	simm.s32 $0x0;
	s16 =	smov.u32 s26  }
.LBB2_2:
0x5a: {  	_ =	swait.ge [sflag:s23], $0x80  }
0x5b: {  	s6 =	sor.u32 $0x1, s0;
	[sflag:s23] =	ssyncset.done $0x0  }
0x5c: {  	s7 =	sand.u32 $0xFF, s6;
	[sflag:s23] =	ssyncadd.s32 $0xFFFFFF80  }
0x5d: {  	s17 =	sand.u32 $0xFF, s0;
	s7 =	smul.u32 $0xAB, s7;
	_ =	swait.ge [sflag:s23], $0x80  }
0x5e: {  	s17 =	smul.u32 $0xAB, s17;
	[sflag:s23] =	ssyncset.done $0x0  }
0x5f: {  	s7 =	sshrl.u32 s7, $0x9;
	[sflag:s23] =	ssyncadd.s32 $0xFFFFFF80  }
0x60: {  	s17 =	sshrl.u32 s17, $0x9;
	s7 =	smul.u32 $0x3, s7;
	_ =	swait.ge [sflag:s29], $0x4000  }
0x61: {  	p0 =	seq.s32 s0, $0x0;
	s17 =	smul.u32 $0x3, s17;
	[sflag:s29] =	ssyncset.done $0x0  }
0x62: {  	s10 =	simm.s32 @!p0 $0x3;
	s6 =	ssub.s32 s6, s7;
	[sflag:s29] =	ssyncadd.s32 $0xFFFFC000  }
0x63: {  	s17 =	ssub.s32 s0, s17;
	s6 =	sand.u32 $0xFF, s6;
	_ =	swait.ge @!p0 [sflag:s10], $0x4000  }
0x64: {  	s12 =	sand.u32 $0xFF, s17;
	s7 =	sshll.u32 s6, $0x8;
	[sflag:s10] =	ssyncset.done @!p0 $0x0  }
0x65: {  	s11 =	sshll.u32 s12, $0x8;
	s17 =	sor.u32 $0x14000, s7;
	[sflag:s10] =	ssyncadd.s32 @!p0 $0xFFFFC000  }
0x66: {  	[tilespmem:s30], [sflag:$0x1] =	stream.indirect.gather [hbm4b:s1+s24], $0x80, s17, s24, $0xb8;
	[tilespmem:$0x1EB00] =	vst v63  }
0x67: {  	v1 =	vld [tilespmem:s11+$0x14080];
	_ =	sdelay $0x7  }
0x68: {  	[tilespmem:v1+s20+$0x0] =	vst.idx.add.f32.msk $0xffff, v0  }
0x69: {  	v1 =	vld [tilespmem:s11+$0x14090];
	_ =	sdelay $0x7  }
0x6a: {  	[tilespmem:v1+s20+$0x0] =	vst.idx.add.f32.msk $0xffff, v0  }
0x6b: {  	v1 =	vld [tilespmem:s11+$0x140A0];
	_ =	sdelay $0x7  }
0x6c: {  	[tilespmem:v1+s20+$0x0] =	vst.idx.add.f32.msk $0xffff, v0  }
0x6d: {  	v1 =	vld [tilespmem:s11+$0x140B0];
	_ =	sdelay $0x7  }
0x6e: {  	[tilespmem:v1+s20+$0x0] =	vst.idx.add.f32.msk $0xffff, v0  }
0x6f: {  	v1 =	vld [tilespmem:s11+$0x140C0];
	_ =	sdelay $0x7  }
0x70: {  	[tilespmem:v1+s20+$0x0] =	vst.idx.add.f32.msk $0xffff, v0  }
0x71: {  	v1 =	vld [tilespmem:s11+$0x140D0];
	_ =	sdelay $0x7  }
0x72: {  	[tilespmem:v1+s20+$0x0] =	vst.idx.add.f32.msk $0xffff, v0  }
0x73: {  	v1 =	vld [tilespmem:s11+$0x140E0];
	_ =	sdelay $0x7  }
0x74: {  	[tilespmem:v1+s20+$0x0] =	vst.idx.add.f32.msk $0xffff, v0  }
0x75: {  	v1 =	vld [tilespmem:s11+$0x140F0]  }
0x76: {  	s6 =	sadd.s32 $0x2, s0  }
0x77: {  	s12 =	smul.u32 $0xAB, s6;
	_ =	sdelay $0x1  }
0x78: {  	s17 =	sshrl.u32 s12, $0x9  }
0x79: {  	s17 =	sand.u32 $0x7F, s17  }
0x7a: {  	s17 =	smul.u32 $0x3, s17;
	_ =	sdelay $0x1  }
0x7b: {  	s10 =	sadd.s32 $0x14080, s11;
	s11 =	ssub.s32 s6, s17;
	s17 =	sadd.s32 $0x100, s28;
	[tilespmem:v1+s20+$0x0] =	vst.idx.add.f32.msk $0xffff, v0  }
0x7c: {  	[spmem:s2] =	stream.indirect.scatter.add.f32 [tilespmem:s25], [sflag:$0x3], $0x80, s10, s24, $0xb8;
	[tilespmem:$0x1EB00] =	vst v63  }
0x7d: {  	s12 =	sand.u32 $0x7FFFFF80, s17;
	s10 =	sand.u32 $0xFF, s11  }
0x7e: {  	s12 =	sadd.s32 $0x4F000, s12;
	s10 =	sshll.u32 s10, $0x8  }
0x7f: {  	s12 =	sshrl.u32 s12, $0x3;
	s11 =	sor.u32 $0x14000, s10  }
0x80: {  	[tilespmem:s11], [sflag:$0x2] =	stream.linear.gather [hbm4b:s16+s3], $0x80, $0x38;
	[tilespmem:$0x1EB00] =	vst v63  }
0x81: {  	s12 =	sadd.s32 s5, s12;
	s10 =	sor.u32 $0x14080, s10  }
0x82: {  	[tilespmem:s10], [sflag:$0x2] =	stream.linear.gather [hbm4b:s12+s3], $0x80, $0x38;
	[tilespmem:$0x1EB00] =	vst v63  }
0x83: {  	_ =	swait.ge [sflag:s23], $0x80  }
0x84: {  	[sflag:s23] =	ssyncset.done $0x0  }
0x85: {  	[sflag:s23] =	ssyncadd.s32 $0xFFFFFF80  }
0x86: {  	_ =	swait.ge [sflag:s23], $0x80  }
0x87: {  	[sflag:s23] =	ssyncset.done $0x0  }
0x88: {  	[sflag:s23] =	ssyncadd.s32 $0xFFFFFF80  }
0x89: {  	_ =	swait.ge [sflag:s29], $0x4000  }
0x8a: {  	[sflag:s29] =	ssyncset.done $0x0  }
0x8b: {  	[sflag:s29] =	ssyncadd.s32 $0xFFFFC000  }
0x8c: {  	_ =	swait.ge [sflag:s31], $0x4000  }
0x8d: {  	[sflag:s31] =	ssyncset.done $0x0  }
0x8e: {  	s10 =	sor.u32 $0x14080, s7;
	[sflag:s31] =	ssyncadd.s32 $0xFFFFC000  }
0x8f: {  	[tilespmem:s25], [sflag:$0x1] =	stream.indirect.gather [hbm4b:s1+s24], $0x80, s11, s24, $0xb8;
	[tilespmem:$0x1EB00] =	vst v63  }
0x90: {  	v1 =	vld [tilespmem:s10+$0x0];
	_ =	sdelay $0x7  }
0x91: {  	s12 =	sor.u32 $0x14090, s7;
	[tilespmem:v1+s20+$0x0] =	vst.idx.add.f32.msk $0xffff, v0  }
0x92: {  	v1 =	vld [tilespmem:s12+$0x0];
	_ =	sdelay $0x7  }
0x93: {  	s12 =	sor.u32 $0x140A0, s7;
	[tilespmem:v1+s20+$0x0] =	vst.idx.add.f32.msk $0xffff, v0  }
0x94: {  	v1 =	vld [tilespmem:s12+$0x0];
	_ =	sdelay $0x7  }
0x95: {  	s12 =	sor.u32 $0x140B0, s7;
	[tilespmem:v1+s20+$0x0] =	vst.idx.add.f32.msk $0xffff, v0  }
0x96: {  	v1 =	vld [tilespmem:s12+$0x0];
	_ =	sdelay $0x7  }
0x97: {  	s12 =	sor.u32 $0x140C0, s7;
	[tilespmem:v1+s20+$0x0] =	vst.idx.add.f32.msk $0xffff, v0  }
0x98: {  	v1 =	vld [tilespmem:s12+$0x0];
	_ =	sdelay $0x7  }
0x99: {  	s12 =	sor.u32 $0x140D0, s7;
	[tilespmem:v1+s20+$0x0] =	vst.idx.add.f32.msk $0xffff, v0  }
0x9a: {  	v1 =	vld [tilespmem:s12+$0x0];
	_ =	sdelay $0x7  }
0x9b: {  	s12 =	sor.u32 $0x140E0, s7;
	[tilespmem:v1+s20+$0x0] =	vst.idx.add.f32.msk $0xffff, v0  }
0x9c: {  	v1 =	vld [tilespmem:s12+$0x0];
	_ =	sdelay $0x7  }
0x9d: {  	s7 =	sor.u32 $0x140F0, s7;
	[tilespmem:v1+s20+$0x0] =	vst.idx.add.f32.msk $0xffff, v0  }
0x9e: {  	v1 =	vld [tilespmem:s7+$0x0];
	_ =	sdelay $0x3  }
0x9f: {  	p0 =	seq.s32 s0, $0x4C  }
.Ltmp2:
0xa0: {  	_ = 	snop;
	(pc) =	sbr.rel @p0 .LBB2_4-.Ltmp2, $3  }
0xa1: {  	_ =	sdelay $0x1  }
0xa2: {  	[tilespmem:v1+s20+$0x0] =	vst.idx.add.f32.msk $0xffff, v0  }
0xa3: {  	[spmem:s2] =	stream.indirect.scatter.add.f32 [tilespmem:s30], [sflag:$0x3], $0x80, s10, s24, $0xb8;
	[tilespmem:$0x1EB00] =	vst v63  }
0xa4: {  	s0 =	sadd.s32 $0x3, s0  }
0xa5: {  	s7 =	smul.u32 $0xAB, s0;
	_ =	sdelay $0x1  }
0xa6: {  	s7 =	sshrl.u32 s7, $0x9  }
0xa7: {  	s7 =	sand.u32 $0x7F, s7  }
0xa8: {  	s7 =	smul.u32 $0x3, s7;
	_ =	sdelay $0x1  }
0xa9: {  	s12 =	sadd.s32 $0x180, s28;
	s0 =	ssub.s32 s0, s7  }
0xaa: {  	s7 =	sand.u32 $0x7FFFFF80, s12;
	s0 =	sand.u32 $0xFF, s0  }
0xab: {  	s11 =	sadd.s32 $0x10, s16;
	s7 =	sadd.s32 $0x4F000, s7;
	s0 =	sshll.u32 s0, $0x8  }
.Ltmp3:
0xac: {  	s7 =	sshrl.u32 s7, $0x3;
	s10 =	sor.u32 $0x14000, s0;
	(pc) =	sbr.rel .LBB2_2-.Ltmp3, $4  }
0xad: {  	[tilespmem:s10], [sflag:$0x2] =	stream.linear.gather [hbm4b:s11+s3], $0x80, $0x38;
	[tilespmem:$0x1EB00] =	vst v63  }
0xae: {  	s0 =	sor.u32 $0x14080, s0;
	s7 =	sadd.s32 s5, s7  }
0xaf: {  	[tilespmem:s0], [sflag:$0x2] =	stream.linear.gather [hbm4b:s7+s3], $0x80, $0x38;
	[tilespmem:$0x1EB00] =	vst v63  }
0xb0: {  	s16 =	sadd.s32 $0x20, s16;
	s28 =	smov.u32 s17;
	s0 =	smov.u32 s6  }
.LBB2_5:
0xb1: {  	_ =	sfence.sel $0x180000  }
0xb2: {  	[bflag:$0x0] =	sbarrier.arrive $0xFFFF  }
0xb3: {  	_ =	strace $0x90000047  }
0xb4: {  	s0 =	stileid.u32;
	[bflag:$0x2] =	sbarrier.arrive $0xFFFF  }
0xb5: {  	p0 =	sne.s32 s0, $0x0;
	s0 =	rddreg [dreg:$0x3]  }
0xb6: {  	s0 =	sadd.s32 @!p0 $0x100000, s0  }
0xb7: {  	[sflag:s0] =	ssyncadd.tile.s32 @!p0 $0x1;
	_ =	shalt  }
.Lfunc_end2:
_tile_overlayer_lowered:
.L_overlay_start_2:
0xb8: {  	(tag) =	ssettag $0x2  }
0xb9: {  	s0 =	rddreg [dreg:$0x0];
	s2 =	stileid.u32  }
0xba: {  	s1 =	rddreg [dreg:$0x1];
	p0 =	sne.s32 s2, $0x0  }
0xbb: {  	s3 =	rddreg [dreg:$0x2];
	[bflag:$0x3] =	sbarrier.arrive $0xFFFF;
	s2 =	simm.s32 @!p0 $0x1C04  }
0xbc: {  	[timem:s3], [sflag:s2] =	dma.local @!p0 [hbm:s0], s1  }
0xbd: {  	s0 =	simm.s32 @!p0 $0x4  }
0xbe: {  	_ =	swait.ge @!p0 [sflag:s0], s1  }
0xbf: {  	s1 =	ssub.s32 @!p0 $0x0, s1;
	[sflag:s0] =	ssyncset.done @!p0 $0x0  }
0xc0: {  	[sflag:s0] =	ssyncadd.s32 @!p0 s1  }
0xc1: {  	[bflag:$0x3] =	sbarrier.arrive $0xFFFF  }
0xc2: {  	_ =	shalt  }

</sc_bundles>
